<compile_context>
chip_gen: v7x
topology: tpu7x:2x2x1
jax: 0.10.2.dev20260603
libtpu: 0.0.44.dev20260713+nightly
codegen_flags: <defaults>
</compile_context>

<pallas_src>
import functools

import jax
import jax.numpy as jnp
from jax import lax
from jax.experimental import pallas as pl
from jax.experimental.pallas import tpu as pltpu
from jax.experimental.pallas import tpu_sc as plsc

NC = 2
NS = 16
K = 128
DW = 16
DH = 64



@functools.lru_cache(maxsize=None)
def _sc_deg(n_pad: int, nchunk: int):
    rpt = n_pad // NS
    mesh = plsc.VectorSubcoreMesh(core_axis_name="c", subcore_axis_name="s")

    def body(dst_hbm, ones_hbm, zeros_hbm, out_hbm, dst_v, ones_v, acc):
        cid = lax.axis_index("c")
        sid = lax.axis_index("s")
        pltpu.sync_copy(dst_hbm.at[sid], dst_v)
        pltpu.sync_copy(ones_hbm, ones_v)
        pltpu.sync_copy(zeros_hbm, acc.at[pl.ds(sid * rpt, rpt)])
        plsc.subcore_barrier()

        @pl.loop(cid, nchunk, step=NC)
        def _(j):
            pltpu.sync_copy(ones_v, acc.at[dst_v.at[j]], add=True)

        plsc.subcore_barrier()
        pltpu.sync_copy(acc.at[pl.ds(sid * rpt, rpt)],
                        out_hbm.at[cid, pl.ds(sid * rpt, rpt)])

    return pl.kernel(
        body,
        out_type=jax.ShapeDtypeStruct((NC, n_pad, DW), jnp.float32),
        mesh=mesh,
        compiler_params=pltpu.CompilerParams(use_tc_tiling_on_sc=False),
        scratch_types=[
            pltpu.VMEM((nchunk, K), jnp.int32),
            pltpu.VMEM((K, DW), jnp.float32),
            pltpu.VMEM_SHARED((n_pad, DW), jnp.float32),
        ],
    )


@functools.lru_cache(maxsize=None)
def _sc_scatter(n_pad: int, nchunk: int):
    rpt = n_pad // NS
    mesh = plsc.VectorSubcoreMesh(core_axis_name="c", subcore_axis_name="s")

    NB = 2
    assert nchunk % NB == 0 and nchunk > 2 * NB

    def body(s_hbm, src_hbm, dst_hbm, zeros_hbm, out_hbm,
             src_v, dst_v, bufs, gsems, acc):
        cid = lax.axis_index("c")
        sid = lax.axis_index("s")
        table = s_hbm.at[cid]
        pltpu.sync_copy(src_hbm.at[sid], src_v)
        pltpu.sync_copy(dst_hbm.at[sid], dst_v)
        pltpu.sync_copy(zeros_hbm, acc.at[pl.ds(sid * rpt, rpt)])
        plsc.subcore_barrier()

        def gather(j, b):
            pltpu.async_copy(table.at[src_v.at[j]], bufs[b], gsems[b])

        def gather_wait(j, b):
            pltpu.make_async_copy(
                table.at[src_v.at[j]], bufs[b], gsems[b]).wait()

        def scatter_sync(j, b):
            pltpu.sync_copy(bufs[b], acc.at[dst_v.at[j]], add=True)

        for b in range(NB):
            gather(b, b)

        @pl.loop(0, nchunk - NB, step=NB)
        def _(j0):
            for b in range(NB):
                j = j0 + b
                gather_wait(j, b)
                scatter_sync(j, b)
                gather(j + NB, b)

        for t in range(nchunk - NB, nchunk):
            gather_wait(t, t % NB)
            scatter_sync(t, t % NB)

        plsc.subcore_barrier()
        pltpu.sync_copy(acc.at[pl.ds(sid * rpt, rpt)],
                        out_hbm.at[cid, pl.ds(sid * rpt, rpt)])

    return pl.kernel(
        body,
        out_type=jax.ShapeDtypeStruct((NC, n_pad, DH), jnp.float32),
        mesh=mesh,
        compiler_params=pltpu.CompilerParams(use_tc_tiling_on_sc=False),
        scratch_types=[
            pltpu.VMEM((nchunk, K), jnp.int32),
            pltpu.VMEM((nchunk, K), jnp.int32),
            tuple(pltpu.VMEM((K, DH), jnp.float32) for _ in range(NB)),
            tuple(pltpu.SemaphoreType.DMA for _ in range(NB)),
            pltpu.VMEM_SHARED((n_pad, DH), jnp.float32),
        ],
    )



_RB = 2000


def _split_spec(n_pad, w):
    return pl.BlockSpec((NC, _RB, w), lambda i: (0, i, 0))


def _row_spec(w):
    return pl.BlockSpec((_RB, w), lambda i: (i, 0))


def _tc_pre(x, w1, deg):
    n, d = x.shape

    def body(x_ref, w_ref, deg_ref, s_ref, dinv_ref):
        dsum = deg_ref[0] + deg_ref[1] + 1.0
        dv = lax.rsqrt(dsum)
        dinv_ref[...] = dv
        res = jnp.dot(
            x_ref[...], w_ref[...], preferred_element_type=jnp.float32
        ) * dv[:, :1]
        s_ref[0] = res[:, :DH]
        s_ref[1] = res[:, DH:]

    return pl.pallas_call(
        body,
        grid=(n // _RB,),
        in_specs=[
            _row_spec(d),
            pl.BlockSpec((d, d), lambda i: (0, 0)),
            _split_spec(None, DW),
        ],
        out_specs=[
            _split_spec(None, DH),
            _row_spec(DW),
        ],
        out_shape=[
            jax.ShapeDtypeStruct((NC, n, DH), jnp.float32),
            jax.ShapeDtypeStruct((n, DW), jnp.float32),
        ],
    )(x, w1, deg)


def _tc_mid(p, s, dinv, b, h_prev, w_next):
    n, d = h_prev.shape

    def body(p_ref, s_ref, dinv_ref, b_ref, hp_ref, w_ref, h_ref, sn_ref):
        dv = dinv_ref[...][:, :1]
        agg = jnp.concatenate(
            [p_ref[0] + s_ref[0], p_ref[1] + s_ref[1]], axis=1
        ) * dv + b_ref[...]
        h = jnp.maximum(agg, 0.0) + hp_ref[...]
        h_ref[...] = h
        res = jnp.dot(
            h, w_ref[...], preferred_element_type=jnp.float32) * dv
        sn_ref[0] = res[:, :DH]
        sn_ref[1] = res[:, DH:]

    return pl.pallas_call(
        body,
        grid=(n // _RB,),
        in_specs=[
            _split_spec(None, DH),
            _split_spec(None, DH),
            _row_spec(DW),
            pl.BlockSpec((1, d), lambda i: (0, 0)),
            _row_spec(d),
            pl.BlockSpec((d, d), lambda i: (0, 0)),
        ],
        out_specs=[
            _row_spec(d),
            _split_spec(None, DH),
        ],
        out_shape=[
            jax.ShapeDtypeStruct((n, d), jnp.float32),
            jax.ShapeDtypeStruct((NC, n, DH), jnp.float32),
        ],
    )(p, s, dinv, b, h_prev, w_next)


def _tc_post(p, s, dinv, b, n, d):

    def body(p_ref, s_ref, dinv_ref, b_ref, o_ref):
        dv = dinv_ref[...][:, :1]
        o_ref[...] = jnp.concatenate(
            [p_ref[0] + s_ref[0], p_ref[1] + s_ref[1]], axis=1
        ) * dv + b_ref[...]

    return pl.pallas_call(
        body,
        grid=(n // _RB,),
        in_specs=[
            _split_spec(None, DH),
            _split_spec(None, DH),
            _row_spec(DW),
            pl.BlockSpec((1, d), lambda i: (0, 0)),
        ],
        out_specs=_row_spec(d),
        out_shape=jax.ShapeDtypeStruct((n, d), jnp.float32),
    )(p, s, dinv, b)



def kernel(x, edge_index, W1, b1, W2, b2, W3, b3):
    n, d = x.shape
    e = edge_index.shape[1]

    n_pad = -(-(n + 1) // (NS * 8)) * (NS * 8)
    rpt = n_pad // NS

    nchunk = -(-(-(-e // (NS * K))) // 2) * 2
    e_pad = NS * nchunk * K

    src = jnp.concatenate(
        [edge_index[0], jnp.zeros((e_pad - e,), jnp.int32)]).reshape(
            NS, nchunk, K)
    dst = jnp.concatenate(
        [edge_index[1], jnp.full((e_pad - e,), n, jnp.int32)]).reshape(
            NS, nchunk, K)

    ones_w = jnp.ones((K, DW), jnp.float32)
    zeros_w = jnp.zeros((rpt, DW), jnp.float32)
    zeros_h = jnp.zeros((rpt, DH), jnp.float32)

    deg = _sc_deg(n_pad, nchunk)(dst, ones_w, zeros_w)
    s1, dinv = _tc_pre(x, W1, deg)

    scat = _sc_scatter(n_pad, nchunk)
    b1r, b2r, b3r = (b.reshape(1, d) for b in (b1, b2, b3))

    p = scat(s1, src, dst, zeros_h)
    h1, s2 = _tc_mid(p, s1, dinv, b1r, x, W2)
    p = scat(s2, src, dst, zeros_h)
    h2, s3 = _tc_mid(p, s2, dinv, b2r, h1, W3)
    p = scat(s3, src, dst, zeros_h)
    return _tc_post(p, s3, dinv, b3r, n, d)

# --- scband reference (transcript-rebuilt; emitter-appended) ---
"""Pipeline reference for scband-gcn-67765993996385 (READ-ONLY COPY).

The authoritative reference and input builder live on the scoring server;
editing this copy changes nothing except your own understanding.
"""

import jax, jax.numpy as jnp
import numpy as np

N = 10000
E = 320000
D = 128


def setup_inputs(seed: int = 0) -> dict:
    key = jax.random.key(seed)
    ks = jax.random.split(key, 9)
    x = jax.random.normal(ks[0], (N, D), dtype=jnp.float32)
    edge_index = jax.random.randint(ks[1], (2, E), 0, N, dtype=jnp.int32)
    W1 = jax.random.normal(ks[2], (D, D), dtype=jnp.float32) * 0.05
    b1 = jnp.zeros((D,), dtype=jnp.float32)
    W2 = jax.random.normal(ks[3], (D, D), dtype=jnp.float32) * 0.05
    b2 = jnp.zeros((D,), dtype=jnp.float32)
    W3 = jax.random.normal(ks[4], (D, D), dtype=jnp.float32) * 0.05
    b3 = jnp.zeros((D,), dtype=jnp.float32)
    return {"x": x, "edge_index": edge_index, "W1": W1, "b1": b1, "W2": W2, "b2": b2, "W3": W3, "b3": b3}


def _gcn_conv(h, W, b, src, dst, norm, n):
    # PyG GCNConv: linear transform, normalized message passing, bias
    h = h @ W
    msg = h[src] * norm[:, None]
    agg = jax.ops.segment_sum(msg, dst, num_segments=n)
    return agg + b


def reference(x, edge_index, W1, b1, W2, b2, W3, b3):
    n = x.shape[0]
    loops = jnp.arange(n, dtype=edge_index.dtype)
    src = jnp.concatenate([edge_index[0], loops])
    dst = jnp.concatenate([edge_index[1], loops])
    # symmetric normalization with self-loops: D^{-1/2} (A+I) D^{-1/2}
    deg = jax.ops.segment_sum(jnp.ones_like(dst, dtype=x.dtype), dst, num_segments=n)
    dinv = jnp.where(deg > 0, jax.lax.rsqrt(deg), 0.0)
    norm = dinv[src] * dinv[dst]
    # layer 1 (residual, relu)
    res = x
    h = _gcn_conv(x, W1, b1, src, dst, norm, n)
    h = jax.nn.relu(h)
    h = h + res
    # layer 2 (residual, relu)
    res = h
    h = _gcn_conv(h, W2, b2, src, dst, norm, n)
    h = jax.nn.relu(h)
    h = h + res
    # layer 3 (output, no activation/residual)
    h = _gcn_conv(h, W3, b3, src, dst, norm, n)
    return h

if __name__ == "__main__":
    import jax
    _d = setup_inputs()
    print(jax.jit(kernel)(*tuple(_d.values())))

</pallas_src>

<mosaic_0001>
#map = affine_map<(d0, d1) -> (0, 0, 0)>
#map1 = affine_map<(d0, d1) -> (0, 0)>
module attributes {stable_mosaic.version = 14 : i64} {
  func.func @body(%arg0: i32, %arg1: i32, %arg2: memref<2x10000x64xf32, #tpu.memory_space<hbm>>, %arg3: memref<16x158x128xi32, #tpu.memory_space<hbm>>, %arg4: memref<16x158x128xi32, #tpu.memory_space<hbm>>, %arg5: memref<632x64xf32, #tpu.memory_space<hbm>>, %arg6: memref<2x10112x64xf32, #tpu.memory_space<hbm>>, %arg7: memref<158x128xi32, #tpu.memory_space<vmem>>, %arg8: memref<158x128xi32, #tpu.memory_space<vmem>>, %arg9: memref<128x64xf32, #tpu.memory_space<vmem>>, %arg10: memref<128x64xf32, #tpu.memory_space<vmem>>, %arg11: memref<!tpu.dma_semaphore, #tpu.memory_space<semaphore_mem>>, %arg12: memref<!tpu.dma_semaphore, #tpu.memory_space<semaphore_mem>>, %arg13: memref<10112x64xf32, #tpu.memory_space<vmem_shared>>) attributes {dimension_semantics = [#tpu.dimension_semantics<core_parallel>, #tpu.dimension_semantics<subcore_parallel>], iteration_bounds = array<i64: 2, 16>, scalar_prefetch = 0 : i64, scratch_operands = 7 : i64, tpu.core_type = #tpu.core_type<sc_vector_subcore>, window_params = [{transform_indices = #map}, {transform_indices = #map}, {transform_indices = #map}, {transform_indices = #map1}, {transform_indices = #map}]} {
    "tpu.region"() ({
      %run_scoped3A_53 = tpu.sem_alloc : memref<!tpu.dma_semaphore, #tpu.memory_space<semaphore_mem>>
      %dma_start3A_54 = arith.constant 0 : i32
      %dma_start3A_55 = arith.constant 0 : i32
      %dma_start3A_56 = tpu.memref_slice %arg3[%arg1, %dma_start3A_54, %dma_start3A_55] : memref<16x158x128xi32, #tpu.memory_space<hbm>> -> memref<1x158x128xi32, #tpu.memory_space<hbm>>
      %dma_start3A_57 = tpu.memref_squeeze %dma_start3A_56 : memref<1x158x128xi32, #tpu.memory_space<hbm>> -> memref<158x128xi32, #tpu.memory_space<hbm>>
      %dma_start3A_58 = arith.constant 0 : i32
      %dma_start3A_59 = arith.constant 0 : i32
      %dma_start3A_60 = tpu.memref_slice %arg3[%arg1, %dma_start3A_58, %dma_start3A_59] : memref<16x158x128xi32, #tpu.memory_space<hbm>> -> memref<1x158x128xi32, #tpu.memory_space<hbm>>
      %dma_start3A_61 = tpu.memref_squeeze %dma_start3A_60 : memref<1x158x128xi32, #tpu.memory_space<hbm>> -> memref<158x128xi32, #tpu.memory_space<hbm>>
      tpu.enqueue_dma source(%dma_start3A_61 : memref<158x128xi32, #tpu.memory_space<hbm>>) target(%arg7 : memref<158x128xi32, #tpu.memory_space<vmem>>) target_semaphore(%run_scoped3A_53 : memref<!tpu.dma_semaphore, #tpu.memory_space<semaphore_mem>>)
      %dma_wait3A_62 = arith.constant 0 : i32
      %dma_wait3A_63 = arith.constant 0 : i32
      %dma_wait3A_64 = tpu.memref_slice %arg3[%arg1, %dma_wait3A_62, %dma_wait3A_63] : memref<16x158x128xi32, #tpu.memory_space<hbm>> -> memref<1x158x128xi32, #tpu.memory_space<hbm>>
      %dma_wait3A_65 = tpu.memref_squeeze %dma_wait3A_64 : memref<1x158x128xi32, #tpu.memory_space<hbm>> -> memref<158x128xi32, #tpu.memory_space<hbm>>
      %dma_wait3A_66 = arith.constant 0 : i32
      %dma_wait3A_67 = arith.constant 0 : i32
      %dma_wait3A_68 = tpu.memref_slice %arg3[%arg1, %dma_wait3A_66, %dma_wait3A_67] : memref<16x158x128xi32, #tpu.memory_space<hbm>> -> memref<1x158x128xi32, #tpu.memory_space<hbm>>
      %dma_wait3A_69 = tpu.memref_squeeze %dma_wait3A_68 : memref<1x158x128xi32, #tpu.memory_space<hbm>> -> memref<158x128xi32, #tpu.memory_space<hbm>>
      tpu.wait_dma2 semaphore(%run_scoped3A_53 : memref<!tpu.dma_semaphore, #tpu.memory_space<semaphore_mem>>) src(%dma_wait3A_69 : memref<158x128xi32, #tpu.memory_space<hbm>>) dst(%arg7 : memref<158x128xi32, #tpu.memory_space<vmem>>)
      tpu.yield
    }) : () -> ()
    "tpu.region"() ({
      %run_scoped3A_53 = tpu.sem_alloc : memref<!tpu.dma_semaphore, #tpu.memory_space<semaphore_mem>>
      %dma_start3A_54 = arith.constant 0 : i32
      %dma_start3A_55 = arith.constant 0 : i32
      %dma_start3A_56 = tpu.memref_slice %arg4[%arg1, %dma_start3A_54, %dma_start3A_55] : memref<16x158x128xi32, #tpu.memory_space<hbm>> -> memref<1x158x128xi32, #tpu.memory_space<hbm>>
      %dma_start3A_57 = tpu.memref_squeeze %dma_start3A_56 : memref<1x158x128xi32, #tpu.memory_space<hbm>> -> memref<158x128xi32, #tpu.memory_space<hbm>>
      %dma_start3A_58 = arith.constant 0 : i32
      %dma_start3A_59 = arith.constant 0 : i32
      %dma_start3A_60 = tpu.memref_slice %arg4[%arg1, %dma_start3A_58, %dma_start3A_59] : memref<16x158x128xi32, #tpu.memory_space<hbm>> -> memref<1x158x128xi32, #tpu.memory_space<hbm>>
      %dma_start3A_61 = tpu.memref_squeeze %dma_start3A_60 : memref<1x158x128xi32, #tpu.memory_space<hbm>> -> memref<158x128xi32, #tpu.memory_space<hbm>>
      tpu.enqueue_dma source(%dma_start3A_61 : memref<158x128xi32, #tpu.memory_space<hbm>>) target(%arg8 : memref<158x128xi32, #tpu.memory_space<vmem>>) target_semaphore(%run_scoped3A_53 : memref<!tpu.dma_semaphore, #tpu.memory_space<semaphore_mem>>)
      %dma_wait3A_62 = arith.constant 0 : i32
      %dma_wait3A_63 = arith.constant 0 : i32
      %dma_wait3A_64 = tpu.memref_slice %arg4[%arg1, %dma_wait3A_62, %dma_wait3A_63] : memref<16x158x128xi32, #tpu.memory_space<hbm>> -> memref<1x158x128xi32, #tpu.memory_space<hbm>>
      %dma_wait3A_65 = tpu.memref_squeeze %dma_wait3A_64 : memref<1x158x128xi32, #tpu.memory_space<hbm>> -> memref<158x128xi32, #tpu.memory_space<hbm>>
      %dma_wait3A_66 = arith.constant 0 : i32
      %dma_wait3A_67 = arith.constant 0 : i32
      %dma_wait3A_68 = tpu.memref_slice %arg4[%arg1, %dma_wait3A_66, %dma_wait3A_67] : memref<16x158x128xi32, #tpu.memory_space<hbm>> -> memref<1x158x128xi32, #tpu.memory_space<hbm>>
      %dma_wait3A_69 = tpu.memref_squeeze %dma_wait3A_68 : memref<1x158x128xi32, #tpu.memory_space<hbm>> -> memref<158x128xi32, #tpu.memory_space<hbm>>
      tpu.wait_dma2 semaphore(%run_scoped3A_53 : memref<!tpu.dma_semaphore, #tpu.memory_space<semaphore_mem>>) src(%dma_wait3A_69 : memref<158x128xi32, #tpu.memory_space<hbm>>) dst(%arg8 : memref<158x128xi32, #tpu.memory_space<vmem>>)
      tpu.yield
    }) : () -> ()
    %mul3A = arith.constant 632 : i32
    %mul3A_0 = arith.muli %arg1, %mul3A : i32
    "tpu.region"() ({
      %run_scoped3A_53 = tpu.sem_alloc : memref<!tpu.dma_semaphore, #tpu.memory_space<semaphore_mem>>
      %dma_start3A_54 = arith.constant 0 : i32
      %dma_start3A_55 = tpu.memref_slice %arg13[%mul3A_0, %dma_start3A_54] : memref<10112x64xf32, #tpu.memory_space<vmem_shared>> -> memref<632x64xf32, #tpu.memory_space<vmem_shared>>
      tpu.enqueue_dma source(%arg5 : memref<632x64xf32, #tpu.memory_space<hbm>>) target(%dma_start3A_55 : memref<632x64xf32, #tpu.memory_space<vmem_shared>>) target_semaphore(%run_scoped3A_53 : memref<!tpu.dma_semaphore, #tpu.memory_space<semaphore_mem>>)
      %dma_wait3A_56 = arith.constant 0 : i32
      %dma_wait3A_57 = tpu.memref_slice %arg13[%mul3A_0, %dma_wait3A_56] : memref<10112x64xf32, #tpu.memory_space<vmem_shared>> -> memref<632x64xf32, #tpu.memory_space<vmem_shared>>
      tpu.wait_dma2 semaphore(%run_scoped3A_53 : memref<!tpu.dma_semaphore, #tpu.memory_space<semaphore_mem>>) src(%arg5 : memref<632x64xf32, #tpu.memory_space<hbm>>) dst(%dma_wait3A_57 : memref<632x64xf32, #tpu.memory_space<vmem_shared>>)
      tpu.yield
    }) : () -> ()
    %barrier3A = arith.constant 0 : index
    tpu.barrier barrier_id(%barrier3A)
    %dma_start3A = arith.constant 0 : i32
    %dma_start3A_1 = arith.constant 0 : i32
    %dma_start3A_2 = tpu.memref_slice %arg7[%dma_start3A, %dma_start3A_1] : memref<158x128xi32, #tpu.memory_space<vmem>> -> memref<1x128xi32, #tpu.memory_space<vmem>>
    %dma_start3A_3 = tpu.memref_squeeze %dma_start3A_2 : memref<1x128xi32, #tpu.memory_space<vmem>> -> memref<128xi32, #tpu.memory_space<vmem>>
    %dma_start3A_4 = arith.constant 0 : i32
    %dma_start3A_5 = arith.constant 0 : i32
    %dma_start3A_6 = tpu.memref_slice %arg2[%arg0, %dma_start3A_4, %dma_start3A_5] : memref<2x10000x64xf32, #tpu.memory_space<hbm>> -> memref<1x10000x64xf32, #tpu.memory_space<hbm>>
    %dma_start3A_7 = tpu.memref_squeeze %dma_start3A_6 : memref<1x10000x64xf32, #tpu.memory_space<hbm>> -> memref<10000x64xf32, #tpu.memory_space<hbm>>
    %dma_start3A_8 = arith.constant 0 : i32
    %dma_start3A_9 = arith.constant 0 : i32
    %dma_start3A_10 = tpu.memref_slice %dma_start3A_7[%dma_start3A_8, %dma_start3A_9] : memref<10000x64xf32, #tpu.memory_space<hbm>> -> memref<10000x64xf32, #tpu.memory_space<hbm>>
    tpu.enqueue_indirect_dma source(%dma_start3A_10 : memref<10000x64xf32, #tpu.memory_space<hbm>>) target(%arg9 : memref<128x64xf32, #tpu.memory_space<vmem>>) offsets(%dma_start3A_3 : memref<128xi32, #tpu.memory_space<vmem>>) semaphore(%arg11 : memref<!tpu.dma_semaphore, #tpu.memory_space<semaphore_mem>>)
    %dma_start3A_11 = arith.constant 1 : i32
    %dma_start3A_12 = arith.constant 0 : i32
    %dma_start3A_13 = tpu.memref_slice %arg7[%dma_start3A_11, %dma_start3A_12] : memref<158x128xi32, #tpu.memory_space<vmem>> -> memref<1x128xi32, #tpu.memory_space<vmem>>
    %dma_start3A_14 = tpu.memref_squeeze %dma_start3A_13 : memref<1x128xi32, #tpu.memory_space<vmem>> -> memref<128xi32, #tpu.memory_space<vmem>>
    %dma_start3A_15 = arith.constant 0 : i32
    %dma_start3A_16 = arith.constant 0 : i32
    %dma_start3A_17 = tpu.memref_slice %arg2[%arg0, %dma_start3A_15, %dma_start3A_16] : memref<2x10000x64xf32, #tpu.memory_space<hbm>> -> memref<1x10000x64xf32, #tpu.memory_space<hbm>>
    %dma_start3A_18 = tpu.memref_squeeze %dma_start3A_17 : memref<1x10000x64xf32, #tpu.memory_space<hbm>> -> memref<10000x64xf32, #tpu.memory_space<hbm>>
    %dma_start3A_19 = arith.constant 0 : i32
    %dma_start3A_20 = arith.constant 0 : i32
    %dma_start3A_21 = tpu.memref_slice %dma_start3A_18[%dma_start3A_19, %dma_start3A_20] : memref<10000x64xf32, #tpu.memory_space<hbm>> -> memref<10000x64xf32, #tpu.memory_space<hbm>>
    tpu.enqueue_indirect_dma source(%dma_start3A_21 : memref<10000x64xf32, #tpu.memory_space<hbm>>) target(%arg10 : memref<128x64xf32, #tpu.memory_space<vmem>>) offsets(%dma_start3A_14 : memref<128xi32, #tpu.memory_space<vmem>>) semaphore(%arg12 : memref<!tpu.dma_semaphore, #tpu.memory_space<semaphore_mem>>)
    %scan3A = arith.constant 0 : i32
    %scan3A_22 = arith.constant 78 : i32
    %scan3A_23 = arith.addi %scan3A, %scan3A_22 : i32
    %scan3A_24 = arith.constant 1 : i32
    scf.for %scan3A_53 = %scan3A to %scan3A_23 step %scan3A_24  : i32 {
      %mul3A_54 = arith.constant 2 : i32
      %mul3A_55 = arith.muli %scan3A_53, %mul3A_54 : i32
      %add3A = arith.constant 0 : i32
      %add3A_56 = arith.addi %add3A, %mul3A_55 : i32
      %add3A_57 = arith.constant 0 : i32
      %add3A_58 = arith.addi %add3A_56, %add3A_57 : i32
      %dma_wait3A_59 = arith.constant 0 : i32
      %dma_wait3A_60 = tpu.memref_slice %arg7[%add3A_58, %dma_wait3A_59] : memref<158x128xi32, #tpu.memory_space<vmem>> -> memref<1x128xi32, #tpu.memory_space<vmem>>
      %dma_wait3A_61 = tpu.memref_squeeze %dma_wait3A_60 : memref<1x128xi32, #tpu.memory_space<vmem>> -> memref<128xi32, #tpu.memory_space<vmem>>
      %dma_wait3A_62 = arith.constant 0 : i32
      %dma_wait3A_63 = arith.constant 0 : i32
      %dma_wait3A_64 = tpu.memref_slice %arg2[%arg0, %dma_wait3A_62, %dma_wait3A_63] : memref<2x10000x64xf32, #tpu.memory_space<hbm>> -> memref<1x10000x64xf32, #tpu.memory_space<hbm>>
      %dma_wait3A_65 = tpu.memref_squeeze %dma_wait3A_64 : memref<1x10000x64xf32, #tpu.memory_space<hbm>> -> memref<10000x64xf32, #tpu.memory_space<hbm>>
      %dma_wait3A_66 = arith.constant 0 : i32
      %dma_wait3A_67 = arith.constant 0 : i32
      %dma_wait3A_68 = tpu.memref_slice %dma_wait3A_65[%dma_wait3A_66, %dma_wait3A_67] : memref<10000x64xf32, #tpu.memory_space<hbm>> -> memref<10000x64xf32, #tpu.memory_space<hbm>>
      tpu.wait_indirect_dma semaphore(%arg11 : memref<!tpu.dma_semaphore, #tpu.memory_space<semaphore_mem>>) src(%dma_wait3A_68 : memref<10000x64xf32, #tpu.memory_space<hbm>>) dst(%arg9 : memref<128x64xf32, #tpu.memory_space<vmem>>)
      "tpu.region"() ({
        %run_scoped3A_105 = tpu.sem_alloc : memref<!tpu.dma_semaphore, #tpu.memory_space<semaphore_mem>>
        %dma_start3A_106 = arith.constant 0 : i32
        %dma_start3A_107 = tpu.memref_slice %arg8[%add3A_58, %dma_start3A_106] : memref<158x128xi32, #tpu.memory_space<vmem>> -> memref<1x128xi32, #tpu.memory_space<vmem>>
        %dma_start3A_108 = tpu.memref_squeeze %dma_start3A_107 : memref<1x128xi32, #tpu.memory_space<vmem>> -> memref<128xi32, #tpu.memory_space<vmem>>
        %dma_start3A_109 = arith.constant 0 : i32
        %dma_start3A_110 = arith.constant 0 : i32
        %dma_start3A_111 = tpu.memref_slice %arg13[%dma_start3A_109, %dma_start3A_110] : memref<10112x64xf32, #tpu.memory_space<vmem_shared>> -> memref<10112x64xf32, #tpu.memory_space<vmem_shared>>
        tpu.enqueue_indirect_dma source(%arg9 : memref<128x64xf32, #tpu.memory_space<vmem>>) target(%dma_start3A_111 : memref<10112x64xf32, #tpu.memory_space<vmem_shared>>) offsets(%dma_start3A_108 : memref<128xi32, #tpu.memory_space<vmem>>) semaphore(%run_scoped3A_105 : memref<!tpu.dma_semaphore, #tpu.memory_space<semaphore_mem>>) {add = true}
        %dma_wait3A_112 = arith.constant 0 : i32
        %dma_wait3A_113 = tpu.memref_slice %arg8[%add3A_58, %dma_wait3A_112] : memref<158x128xi32, #tpu.memory_space<vmem>> -> memref<1x128xi32, #tpu.memory_space<vmem>>
        %dma_wait3A_114 = tpu.memref_squeeze %dma_wait3A_113 : memref<1x128xi32, #tpu.memory_space<vmem>> -> memref<128xi32, #tpu.memory_space<vmem>>
        %dma_wait3A_115 = arith.constant 0 : i32
        %dma_wait3A_116 = arith.constant 0 : i32
        %dma_wait3A_117 = tpu.memref_slice %arg13[%dma_wait3A_115, %dma_wait3A_116] : memref<10112x64xf32, #tpu.memory_space<vmem_shared>> -> memref<10112x64xf32, #tpu.memory_space<vmem_shared>>
        tpu.wait_indirect_dma semaphore(%run_scoped3A_105 : memref<!tpu.dma_semaphore, #tpu.memory_space<semaphore_mem>>) src(%arg9 : memref<128x64xf32, #tpu.memory_space<vmem>>) dst(%dma_wait3A_117 : memref<10112x64xf32, #tpu.memory_space<vmem_shared>>)
        tpu.yield
      }) : () -> ()
      %add3A_69 = arith.constant 2 : i32
      %add3A_70 = arith.addi %add3A_58, %add3A_69 : i32
      %dma_start3A_71 = arith.constant 0 : i32
      %dma_start3A_72 = tpu.memref_slice %arg7[%add3A_70, %dma_start3A_71] : memref<158x128xi32, #tpu.memory_space<vmem>> -> memref<1x128xi32, #tpu.memory_space<vmem>>
      %dma_start3A_73 = tpu.memref_squeeze %dma_start3A_72 : memref<1x128xi32, #tpu.memory_space<vmem>> -> memref<128xi32, #tpu.memory_space<vmem>>
      %dma_start3A_74 = arith.constant 0 : i32
      %dma_start3A_75 = arith.constant 0 : i32
      %dma_start3A_76 = tpu.memref_slice %arg2[%arg0, %dma_start3A_74, %dma_start3A_75] : memref<2x10000x64xf32, #tpu.memory_space<hbm>> -> memref<1x10000x64xf32, #tpu.memory_space<hbm>>
      %dma_start3A_77 = tpu.memref_squeeze %dma_start3A_76 : memref<1x10000x64xf32, #tpu.memory_space<hbm>> -> memref<10000x64xf32, #tpu.memory_space<hbm>>
      %dma_start3A_78 = arith.constant 0 : i32
      %dma_start3A_79 = arith.constant 0 : i32
      %dma_start3A_80 = tpu.memref_slice %dma_start3A_77[%dma_start3A_78, %dma_start3A_79] : memref<10000x64xf32, #tpu.memory_space<hbm>> -> memref<10000x64xf32, #tpu.memory_space<hbm>>
      tpu.enqueue_indirect_dma source(%dma_start3A_80 : memref<10000x64xf32, #tpu.memory_space<hbm>>) target(%arg9 : memref<128x64xf32, #tpu.memory_space<vmem>>) offsets(%dma_start3A_73 : memref<128xi32, #tpu.memory_space<vmem>>) semaphore(%arg11 : memref<!tpu.dma_semaphore, #tpu.memory_space<semaphore_mem>>)
      %add3A_81 = arith.constant 1 : i32
      %add3A_82 = arith.addi %add3A_56, %add3A_81 : i32
      %dma_wait3A_83 = arith.constant 0 : i32
      %dma_wait3A_84 = tpu.memref_slice %arg7[%add3A_82, %dma_wait3A_83] : memref<158x128xi32, #tpu.memory_space<vmem>> -> memref<1x128xi32, #tpu.memory_space<vmem>>
      %dma_wait3A_85 = tpu.memref_squeeze %dma_wait3A_84 : memref<1x128xi32, #tpu.memory_space<vmem>> -> memref<128xi32, #tpu.memory_space<vmem>>
      %dma_wait3A_86 = arith.constant 0 : i32
      %dma_wait3A_87 = arith.constant 0 : i32
      %dma_wait3A_88 = tpu.memref_slice %arg2[%arg0, %dma_wait3A_86, %dma_wait3A_87] : memref<2x10000x64xf32, #tpu.memory_space<hbm>> -> memref<1x10000x64xf32, #tpu.memory_space<hbm>>
      %dma_wait3A_89 = tpu.memref_squeeze %dma_wait3A_88 : memref<1x10000x64xf32, #tpu.memory_space<hbm>> -> memref<10000x64xf32, #tpu.memory_space<hbm>>
      %dma_wait3A_90 = arith.constant 0 : i32
      %dma_wait3A_91 = arith.constant 0 : i32
      %dma_wait3A_92 = tpu.memref_slice %dma_wait3A_89[%dma_wait3A_90, %dma_wait3A_91] : memref<10000x64xf32, #tpu.memory_space<hbm>> -> memref<10000x64xf32, #tpu.memory_space<hbm>>
      tpu.wait_indirect_dma semaphore(%arg12 : memref<!tpu.dma_semaphore, #tpu.memory_space<semaphore_mem>>) src(%dma_wait3A_92 : memref<10000x64xf32, #tpu.memory_space<hbm>>) dst(%arg10 : memref<128x64xf32, #tpu.memory_space<vmem>>)
      "tpu.region"() ({
        %run_scoped3A_105 = tpu.sem_alloc : memref<!tpu.dma_semaphore, #tpu.memory_space<semaphore_mem>>
        %dma_start3A_106 = arith.constant 0 : i32
        %dma_start3A_107 = tpu.memref_slice %arg8[%add3A_82, %dma_start3A_106] : memref<158x128xi32, #tpu.memory_space<vmem>> -> memref<1x128xi32, #tpu.memory_space<vmem>>
        %dma_start3A_108 = tpu.memref_squeeze %dma_start3A_107 : memref<1x128xi32, #tpu.memory_space<vmem>> -> memref<128xi32, #tpu.memory_space<vmem>>
        %dma_start3A_109 = arith.constant 0 : i32
        %dma_start3A_110 = arith.constant 0 : i32
        %dma_start3A_111 = tpu.memref_slice %arg13[%dma_start3A_109, %dma_start3A_110] : memref<10112x64xf32, #tpu.memory_space<vmem_shared>> -> memref<10112x64xf32, #tpu.memory_space<vmem_shared>>
        tpu.enqueue_indirect_dma source(%arg10 : memref<128x64xf32, #tpu.memory_space<vmem>>) target(%dma_start3A_111 : memref<10112x64xf32, #tpu.memory_space<vmem_shared>>) offsets(%dma_start3A_108 : memref<128xi32, #tpu.memory_space<vmem>>) semaphore(%run_scoped3A_105 : memref<!tpu.dma_semaphore, #tpu.memory_space<semaphore_mem>>) {add = true}
        %dma_wait3A_112 = arith.constant 0 : i32
        %dma_wait3A_113 = tpu.memref_slice %arg8[%add3A_82, %dma_wait3A_112] : memref<158x128xi32, #tpu.memory_space<vmem>> -> memref<1x128xi32, #tpu.memory_space<vmem>>
        %dma_wait3A_114 = tpu.memref_squeeze %dma_wait3A_113 : memref<1x128xi32, #tpu.memory_space<vmem>> -> memref<128xi32, #tpu.memory_space<vmem>>
        %dma_wait3A_115 = arith.constant 0 : i32
        %dma_wait3A_116 = arith.constant 0 : i32
        %dma_wait3A_117 = tpu.memref_slice %arg13[%dma_wait3A_115, %dma_wait3A_116] : memref<10112x64xf32, #tpu.memory_space<vmem_shared>> -> memref<10112x64xf32, #tpu.memory_space<vmem_shared>>
        tpu.wait_indirect_dma semaphore(%run_scoped3A_105 : memref<!tpu.dma_semaphore, #tpu.memory_space<semaphore_mem>>) src(%arg10 : memref<128x64xf32, #tpu.memory_space<vmem>>) dst(%dma_wait3A_117 : memref<10112x64xf32, #tpu.memory_space<vmem_shared>>)
        tpu.yield
      }) : () -> ()
      %add3A_93 = arith.constant 2 : i32
      %add3A_94 = arith.addi %add3A_82, %add3A_93 : i32
      %dma_start3A_95 = arith.constant 0 : i32
      %dma_start3A_96 = tpu.memref_slice %arg7[%add3A_94, %dma_start3A_95] : memref<158x128xi32, #tpu.memory_space<vmem>> -> memref<1x128xi32, #tpu.memory_space<vmem>>
      %dma_start3A_97 = tpu.memref_squeeze %dma_start3A_96 : memref<1x128xi32, #tpu.memory_space<vmem>> -> memref<128xi32, #tpu.memory_space<vmem>>
      %dma_start3A_98 = arith.constant 0 : i32
      %dma_start3A_99 = arith.constant 0 : i32
      %dma_start3A_100 = tpu.memref_slice %arg2[%arg0, %dma_start3A_98, %dma_start3A_99] : memref<2x10000x64xf32, #tpu.memory_space<hbm>> -> memref<1x10000x64xf32, #tpu.memory_space<hbm>>
      %dma_start3A_101 = tpu.memref_squeeze %dma_start3A_100 : memref<1x10000x64xf32, #tpu.memory_space<hbm>> -> memref<10000x64xf32, #tpu.memory_space<hbm>>
      %dma_start3A_102 = arith.constant 0 : i32
      %dma_start3A_103 = arith.constant 0 : i32
      %dma_start3A_104 = tpu.memref_slice %dma_start3A_101[%dma_start3A_102, %dma_start3A_103] : memref<10000x64xf32, #tpu.memory_space<hbm>> -> memref<10000x64xf32, #tpu.memory_space<hbm>>
      tpu.enqueue_indirect_dma source(%dma_start3A_104 : memref<10000x64xf32, #tpu.memory_space<hbm>>) target(%arg10 : memref<128x64xf32, #tpu.memory_space<vmem>>) offsets(%dma_start3A_97 : memref<128xi32, #tpu.memory_space<vmem>>) semaphore(%arg12 : memref<!tpu.dma_semaphore, #tpu.memory_space<semaphore_mem>>)
    }
    %scan3A_25 = arith.constant 78 : i32
    %dma_wait3A = arith.constant 156 : i32
    %dma_wait3A_26 = arith.constant 0 : i32
    %dma_wait3A_27 = tpu.memref_slice %arg7[%dma_wait3A, %dma_wait3A_26] : memref<158x128xi32, #tpu.memory_space<vmem>> -> memref<1x128xi32, #tpu.memory_space<vmem>>
    %dma_wait3A_28 = tpu.memref_squeeze %dma_wait3A_27 : memref<1x128xi32, #tpu.memory_space<vmem>> -> memref<128xi32, #tpu.memory_space<vmem>>
    %dma_wait3A_29 = arith.constant 0 : i32
    %dma_wait3A_30 = arith.constant 0 : i32
    %dma_wait3A_31 = tpu.memref_slice %arg2[%arg0, %dma_wait3A_29, %dma_wait3A_30] : memref<2x10000x64xf32, #tpu.memory_space<hbm>> -> memref<1x10000x64xf32, #tpu.memory_space<hbm>>
    %dma_wait3A_32 = tpu.memref_squeeze %dma_wait3A_31 : memref<1x10000x64xf32, #tpu.memory_space<hbm>> -> memref<10000x64xf32, #tpu.memory_space<hbm>>
    %dma_wait3A_33 = arith.constant 0 : i32
    %dma_wait3A_34 = arith.constant 0 : i32
    %dma_wait3A_35 = tpu.memref_slice %dma_wait3A_32[%dma_wait3A_33, %dma_wait3A_34] : memref<10000x64xf32, #tpu.memory_space<hbm>> -> memref<10000x64xf32, #tpu.memory_space<hbm>>
    tpu.wait_indirect_dma semaphore(%arg11 : memref<!tpu.dma_semaphore, #tpu.memory_space<semaphore_mem>>) src(%dma_wait3A_35 : memref<10000x64xf32, #tpu.memory_space<hbm>>) dst(%arg9 : memref<128x64xf32, #tpu.memory_space<vmem>>)
    %run_scoped3A = arith.constant 156 : i32
    "tpu.region"() ({
      %run_scoped3A_53 = tpu.sem_alloc : memref<!tpu.dma_semaphore, #tpu.memory_space<semaphore_mem>>
      %dma_start3A_54 = arith.constant 0 : i32
      %dma_start3A_55 = tpu.memref_slice %arg8[%run_scoped3A, %dma_start3A_54] : memref<158x128xi32, #tpu.memory_space<vmem>> -> memref<1x128xi32, #tpu.memory_space<vmem>>
      %dma_start3A_56 = tpu.memref_squeeze %dma_start3A_55 : memref<1x128xi32, #tpu.memory_space<vmem>> -> memref<128xi32, #tpu.memory_space<vmem>>
      %dma_start3A_57 = arith.constant 0 : i32
      %dma_start3A_58 = arith.constant 0 : i32
      %dma_start3A_59 = tpu.memref_slice %arg13[%dma_start3A_57, %dma_start3A_58] : memref<10112x64xf32, #tpu.memory_space<vmem_shared>> -> memref<10112x64xf32, #tpu.memory_space<vmem_shared>>
      tpu.enqueue_indirect_dma source(%arg9 : memref<128x64xf32, #tpu.memory_space<vmem>>) target(%dma_start3A_59 : memref<10112x64xf32, #tpu.memory_space<vmem_shared>>) offsets(%dma_start3A_56 : memref<128xi32, #tpu.memory_space<vmem>>) semaphore(%run_scoped3A_53 : memref<!tpu.dma_semaphore, #tpu.memory_space<semaphore_mem>>) {add = true}
      %dma_wait3A_60 = arith.constant 0 : i32
      %dma_wait3A_61 = tpu.memref_slice %arg8[%run_scoped3A, %dma_wait3A_60] : memref<158x128xi32, #tpu.memory_space<vmem>> -> memref<1x128xi32, #tpu.memory_space<vmem>>
      %dma_wait3A_62 = tpu.memref_squeeze %dma_wait3A_61 : memref<1x128xi32, #tpu.memory_space<vmem>> -> memref<128xi32, #tpu.memory_space<vmem>>
      %dma_wait3A_63 = arith.constant 0 : i32
      %dma_wait3A_64 = arith.constant 0 : i32
      %dma_wait3A_65 = tpu.memref_slice %arg13[%dma_wait3A_63, %dma_wait3A_64] : memref<10112x64xf32, #tpu.memory_space<vmem_shared>> -> memref<10112x64xf32, #tpu.memory_space<vmem_shared>>
      tpu.wait_indirect_dma semaphore(%run_scoped3A_53 : memref<!tpu.dma_semaphore, #tpu.memory_space<semaphore_mem>>) src(%arg9 : memref<128x64xf32, #tpu.memory_space<vmem>>) dst(%dma_wait3A_65 : memref<10112x64xf32, #tpu.memory_space<vmem_shared>>)
      tpu.yield
    }) : () -> ()
    %dma_wait3A_36 = arith.constant 157 : i32
    %dma_wait3A_37 = arith.constant 0 : i32
    %dma_wait3A_38 = tpu.memref_slice %arg7[%dma_wait3A_36, %dma_wait3A_37] : memref<158x128xi32, #tpu.memory_space<vmem>> -> memref<1x128xi32, #tpu.memory_space<vmem>>
    %dma_wait3A_39 = tpu.memref_squeeze %dma_wait3A_38 : memref<1x128xi32, #tpu.memory_space<vmem>> -> memref<128xi32, #tpu.memory_space<vmem>>
    %dma_wait3A_40 = arith.constant 0 : i32
    %dma_wait3A_41 = arith.constant 0 : i32
    %dma_wait3A_42 = tpu.memref_slice %arg2[%arg0, %dma_wait3A_40, %dma_wait3A_41] : memref<2x10000x64xf32, #tpu.memory_space<hbm>> -> memref<1x10000x64xf32, #tpu.memory_space<hbm>>
    %dma_wait3A_43 = tpu.memref_squeeze %dma_wait3A_42 : memref<1x10000x64xf32, #tpu.memory_space<hbm>> -> memref<10000x64xf32, #tpu.memory_space<hbm>>
    %dma_wait3A_44 = arith.constant 0 : i32
    %dma_wait3A_45 = arith.constant 0 : i32
    %dma_wait3A_46 = tpu.memref_slice %dma_wait3A_43[%dma_wait3A_44, %dma_wait3A_45] : memref<10000x64xf32, #tpu.memory_space<hbm>> -> memref<10000x64xf32, #tpu.memory_space<hbm>>
    tpu.wait_indirect_dma semaphore(%arg12 : memref<!tpu.dma_semaphore, #tpu.memory_space<semaphore_mem>>) src(%dma_wait3A_46 : memref<10000x64xf32, #tpu.memory_space<hbm>>) dst(%arg10 : memref<128x64xf32, #tpu.memory_space<vmem>>)
    %run_scoped3A_47 = arith.constant 157 : i32
    "tpu.region"() ({
      %run_scoped3A_53 = tpu.sem_alloc : memref<!tpu.dma_semaphore, #tpu.memory_space<semaphore_mem>>
      %dma_start3A_54 = arith.constant 0 : i32
      %dma_start3A_55 = tpu.memref_slice %arg8[%run_scoped3A_47, %dma_start3A_54] : memref<158x128xi32, #tpu.memory_space<vmem>> -> memref<1x128xi32, #tpu.memory_space<vmem>>
      %dma_start3A_56 = tpu.memref_squeeze %dma_start3A_55 : memref<1x128xi32, #tpu.memory_space<vmem>> -> memref<128xi32, #tpu.memory_space<vmem>>
      %dma_start3A_57 = arith.constant 0 : i32
      %dma_start3A_58 = arith.constant 0 : i32
      %dma_start3A_59 = tpu.memref_slice %arg13[%dma_start3A_57, %dma_start3A_58] : memref<10112x64xf32, #tpu.memory_space<vmem_shared>> -> memref<10112x64xf32, #tpu.memory_space<vmem_shared>>
      tpu.enqueue_indirect_dma source(%arg10 : memref<128x64xf32, #tpu.memory_space<vmem>>) target(%dma_start3A_59 : memref<10112x64xf32, #tpu.memory_space<vmem_shared>>) offsets(%dma_start3A_56 : memref<128xi32, #tpu.memory_space<vmem>>) semaphore(%run_scoped3A_53 : memref<!tpu.dma_semaphore, #tpu.memory_space<semaphore_mem>>) {add = true}
      %dma_wait3A_60 = arith.constant 0 : i32
      %dma_wait3A_61 = tpu.memref_slice %arg8[%run_scoped3A_47, %dma_wait3A_60] : memref<158x128xi32, #tpu.memory_space<vmem>> -> memref<1x128xi32, #tpu.memory_space<vmem>>
      %dma_wait3A_62 = tpu.memref_squeeze %dma_wait3A_61 : memref<1x128xi32, #tpu.memory_space<vmem>> -> memref<128xi32, #tpu.memory_space<vmem>>
      %dma_wait3A_63 = arith.constant 0 : i32
      %dma_wait3A_64 = arith.constant 0 : i32
      %dma_wait3A_65 = tpu.memref_slice %arg13[%dma_wait3A_63, %dma_wait3A_64] : memref<10112x64xf32, #tpu.memory_space<vmem_shared>> -> memref<10112x64xf32, #tpu.memory_space<vmem_shared>>
      tpu.wait_indirect_dma semaphore(%run_scoped3A_53 : memref<!tpu.dma_semaphore, #tpu.memory_space<semaphore_mem>>) src(%arg10 : memref<128x64xf32, #tpu.memory_space<vmem>>) dst(%dma_wait3A_65 : memref<10112x64xf32, #tpu.memory_space<vmem_shared>>)
      tpu.yield
    }) : () -> ()
    %barrier3A_48 = arith.constant 0 : index
    tpu.barrier barrier_id(%barrier3A_48)
    %mul3A_49 = arith.constant 632 : i32
    %mul3A_50 = arith.muli %arg1, %mul3A_49 : i32
    %mul3A_51 = arith.constant 632 : i32
    %mul3A_52 = arith.muli %arg1, %mul3A_51 : i32
    "tpu.region"() ({
      %run_scoped3A_53 = tpu.sem_alloc : memref<!tpu.dma_semaphore, #tpu.memory_space<semaphore_mem>>
      %dma_start3A_54 = arith.constant 0 : i32
      %dma_start3A_55 = tpu.memref_slice %arg6[%arg0, %mul3A_52, %dma_start3A_54] : memref<2x10112x64xf32, #tpu.memory_space<hbm>> -> memref<1x632x64xf32, #tpu.memory_space<hbm>>
      %dma_start3A_56 = tpu.memref_squeeze %dma_start3A_55 : memref<1x632x64xf32, #tpu.memory_space<hbm>> -> memref<632x64xf32, #tpu.memory_space<hbm>>
      %dma_start3A_57 = arith.constant 0 : i32
      %dma_start3A_58 = tpu.memref_slice %arg13[%mul3A_50, %dma_start3A_57] : memref<10112x64xf32, #tpu.memory_space<vmem_shared>> -> memref<632x64xf32, #tpu.memory_space<vmem_shared>>
      tpu.enqueue_dma source(%dma_start3A_58 : memref<632x64xf32, #tpu.memory_space<vmem_shared>>) target(%dma_start3A_56 : memref<632x64xf32, #tpu.memory_space<hbm>>) target_semaphore(%run_scoped3A_53 : memref<!tpu.dma_semaphore, #tpu.memory_space<semaphore_mem>>)
      %dma_wait3A_59 = arith.constant 0 : i32
      %dma_wait3A_60 = tpu.memref_slice %arg6[%arg0, %mul3A_52, %dma_wait3A_59] : memref<2x10112x64xf32, #tpu.memory_space<hbm>> -> memref<1x632x64xf32, #tpu.memory_space<hbm>>
      %dma_wait3A_61 = tpu.memref_squeeze %dma_wait3A_60 : memref<1x632x64xf32, #tpu.memory_space<hbm>> -> memref<632x64xf32, #tpu.memory_space<hbm>>
      %dma_wait3A_62 = arith.constant 0 : i32
      %dma_wait3A_63 = tpu.memref_slice %arg13[%mul3A_50, %dma_wait3A_62] : memref<10112x64xf32, #tpu.memory_space<vmem_shared>> -> memref<632x64xf32, #tpu.memory_space<vmem_shared>>
      tpu.wait_dma2 semaphore(%run_scoped3A_53 : memref<!tpu.dma_semaphore, #tpu.memory_space<semaphore_mem>>) src(%dma_wait3A_63 : memref<632x64xf32, #tpu.memory_space<vmem_shared>>) dst(%dma_wait3A_61 : memref<632x64xf32, #tpu.memory_space<hbm>>)
      tpu.yield
    }) : () -> ()
    return
  }
}

#map = affine_map<(d0, d1) -> (0, 0, 0)>
#map1 = affine_map<(d0, d1) -> (0, 0)>
module attributes {stable_mosaic.version = 14 : i64} {
  func.func @body(%arg0: i32, %arg1: i32, %arg2: memref<16x158x128xi32, #tpu.memory_space<hbm>>, %arg3: memref<128x16xf32, #tpu.memory_space<hbm>>, %arg4: memref<632x16xf32, #tpu.memory_space<hbm>>, %arg5: memref<2x10112x16xf32, #tpu.memory_space<hbm>>, %arg6: memref<158x128xi32, #tpu.memory_space<vmem>>, %arg7: memref<128x16xf32, #tpu.memory_space<vmem>>, %arg8: memref<10112x16xf32, #tpu.memory_space<vmem_shared>>) attributes {dimension_semantics = [#tpu.dimension_semantics<core_parallel>, #tpu.dimension_semantics<subcore_parallel>], iteration_bounds = array<i64: 2, 16>, scalar_prefetch = 0 : i64, scratch_operands = 3 : i64, tpu.core_type = #tpu.core_type<sc_vector_subcore>, window_params = [{transform_indices = #map}, {transform_indices = #map1}, {transform_indices = #map1}, {transform_indices = #map}]} {
    "tpu.region"() ({
      %run_scoped3A = tpu.sem_alloc : memref<!tpu.dma_semaphore, #tpu.memory_space<semaphore_mem>>
      %dma_start3A = arith.constant 0 : i32
      %dma_start3A_20 = arith.constant 0 : i32
      %dma_start3A_21 = tpu.memref_slice %arg2[%arg1, %dma_start3A, %dma_start3A_20] : memref<16x158x128xi32, #tpu.memory_space<hbm>> -> memref<1x158x128xi32, #tpu.memory_space<hbm>>
      %dma_start3A_22 = tpu.memref_squeeze %dma_start3A_21 : memref<1x158x128xi32, #tpu.memory_space<hbm>> -> memref<158x128xi32, #tpu.memory_space<hbm>>
      %dma_start3A_23 = arith.constant 0 : i32
      %dma_start3A_24 = arith.constant 0 : i32
      %dma_start3A_25 = tpu.memref_slice %arg2[%arg1, %dma_start3A_23, %dma_start3A_24] : memref<16x158x128xi32, #tpu.memory_space<hbm>> -> memref<1x158x128xi32, #tpu.memory_space<hbm>>
      %dma_start3A_26 = tpu.memref_squeeze %dma_start3A_25 : memref<1x158x128xi32, #tpu.memory_space<hbm>> -> memref<158x128xi32, #tpu.memory_space<hbm>>
      tpu.enqueue_dma source(%dma_start3A_26 : memref<158x128xi32, #tpu.memory_space<hbm>>) target(%arg6 : memref<158x128xi32, #tpu.memory_space<vmem>>) target_semaphore(%run_scoped3A : memref<!tpu.dma_semaphore, #tpu.memory_space<semaphore_mem>>)
      %dma_wait3A = arith.constant 0 : i32
      %dma_wait3A_27 = arith.constant 0 : i32
      %dma_wait3A_28 = tpu.memref_slice %arg2[%arg1, %dma_wait3A, %dma_wait3A_27] : memref<16x158x128xi32, #tpu.memory_space<hbm>> -> memref<1x158x128xi32, #tpu.memory_space<hbm>>
      %dma_wait3A_29 = tpu.memref_squeeze %dma_wait3A_28 : memref<1x158x128xi32, #tpu.memory_space<hbm>> -> memref<158x128xi32, #tpu.memory_space<hbm>>
      %dma_wait3A_30 = arith.constant 0 : i32
      %dma_wait3A_31 = arith.constant 0 : i32
      %dma_wait3A_32 = tpu.memref_slice %arg2[%arg1, %dma_wait3A_30, %dma_wait3A_31] : memref<16x158x128xi32, #tpu.memory_space<hbm>> -> memref<1x158x128xi32, #tpu.memory_space<hbm>>
      %dma_wait3A_33 = tpu.memref_squeeze %dma_wait3A_32 : memref<1x158x128xi32, #tpu.memory_space<hbm>> -> memref<158x128xi32, #tpu.memory_space<hbm>>
      tpu.wait_dma2 semaphore(%run_scoped3A : memref<!tpu.dma_semaphore, #tpu.memory_space<semaphore_mem>>) src(%dma_wait3A_33 : memref<158x128xi32, #tpu.memory_space<hbm>>) dst(%arg6 : memref<158x128xi32, #tpu.memory_space<vmem>>)
      tpu.yield
    }) : () -> ()
    "tpu.region"() ({
      %run_scoped3A = tpu.sem_alloc : memref<!tpu.dma_semaphore, #tpu.memory_space<semaphore_mem>>
      tpu.enqueue_dma source(%arg3 : memref<128x16xf32, #tpu.memory_space<hbm>>) target(%arg7 : memref<128x16xf32, #tpu.memory_space<vmem>>) target_semaphore(%run_scoped3A : memref<!tpu.dma_semaphore, #tpu.memory_space<semaphore_mem>>)
      tpu.wait_dma2 semaphore(%run_scoped3A : memref<!tpu.dma_semaphore, #tpu.memory_space<semaphore_mem>>) src(%arg3 : memref<128x16xf32, #tpu.memory_space<hbm>>) dst(%arg7 : memref<128x16xf32, #tpu.memory_space<vmem>>)
      tpu.yield
    }) : () -> ()
    %mul3A = arith.constant 632 : i32
    %mul3A_0 = arith.muli %arg1, %mul3A : i32
    "tpu.region"() ({
      %run_scoped3A = tpu.sem_alloc : memref<!tpu.dma_semaphore, #tpu.memory_space<semaphore_mem>>
      %dma_start3A = arith.constant 0 : i32
      %dma_start3A_20 = tpu.memref_slice %arg8[%mul3A_0, %dma_start3A] : memref<10112x16xf32, #tpu.memory_space<vmem_shared>> -> memref<632x16xf32, #tpu.memory_space<vmem_shared>>
      tpu.enqueue_dma source(%arg4 : memref<632x16xf32, #tpu.memory_space<hbm>>) target(%dma_start3A_20 : memref<632x16xf32, #tpu.memory_space<vmem_shared>>) target_semaphore(%run_scoped3A : memref<!tpu.dma_semaphore, #tpu.memory_space<semaphore_mem>>)
      %dma_wait3A = arith.constant 0 : i32
      %dma_wait3A_21 = tpu.memref_slice %arg8[%mul3A_0, %dma_wait3A] : memref<10112x16xf32, #tpu.memory_space<vmem_shared>> -> memref<632x16xf32, #tpu.memory_space<vmem_shared>>
      tpu.wait_dma2 semaphore(%run_scoped3A : memref<!tpu.dma_semaphore, #tpu.memory_space<semaphore_mem>>) src(%arg4 : memref<632x16xf32, #tpu.memory_space<hbm>>) dst(%dma_wait3A_21 : memref<632x16xf32, #tpu.memory_space<vmem_shared>>)
      tpu.yield
    }) : () -> ()
    %barrier3A = arith.constant 0 : index
    tpu.barrier barrier_id(%barrier3A)
    %sub3A = arith.constant 158 : i32
    %sub3A_1 = arith.subi %sub3A, %arg0 : i32
    %sub3A_2 = arith.constant 2 : i32
    %sub3A_3 = arith.constant 1 : i32
    %sub3A_4 = arith.subi %sub3A_2, %sub3A_3 : i32
    %add3A = arith.addi %sub3A_1, %sub3A_4 : i32
    %div3A = arith.constant 2 : i32
    %div3A_5 = arith.divsi %add3A, %div3A : i32
    %while3A = arith.constant 2 : i32
    %while3A_6 = arith.constant 0 : i32
    %while3A_7 = arith.subi %div3A_5, %while3A_6 : i32
    %while3A_8 = arith.addi %while3A_6, %while3A_7 : i32
    %while3A_9 = arith.constant 1 : i32
    %while3A_10 = arith.divsi %while3A_7, %while3A_9 : i32
    %while3A_11 = arith.muli %while3A_10, %while3A_9 : i32
    %while3A_12 = arith.addi %while3A_6, %while3A_11 : i32
    %while3A_13 = arith.constant 1 : i32
    scf.for %while3A_20 = %while3A_6 to %while3A_12 step %while3A_13  : i32 {
      %mul3A_21 = arith.muli %while3A_20, %while3A : i32
      %add3A_22 = arith.addi %arg0, %mul3A_21 : i32
      "tpu.region"() ({
        %run_scoped3A = tpu.sem_alloc : memref<!tpu.dma_semaphore, #tpu.memory_space<semaphore_mem>>
        %dma_start3A = arith.constant 0 : i32
        %dma_start3A_23 = tpu.memref_slice %arg6[%add3A_22, %dma_start3A] : memref<158x128xi32, #tpu.memory_space<vmem>> -> memref<1x128xi32, #tpu.memory_space<vmem>>
        %dma_start3A_24 = tpu.memref_squeeze %dma_start3A_23 : memref<1x128xi32, #tpu.memory_space<vmem>> -> memref<128xi32, #tpu.memory_space<vmem>>
        %dma_start3A_25 = arith.constant 0 : i32
        %dma_start3A_26 = arith.constant 0 : i32
        %dma_start3A_27 = tpu.memref_slice %arg8[%dma_start3A_25, %dma_start3A_26] : memref<10112x16xf32, #tpu.memory_space<vmem_shared>> -> memref<10112x16xf32, #tpu.memory_space<vmem_shared>>
        tpu.enqueue_indirect_dma source(%arg7 : memref<128x16xf32, #tpu.memory_space<vmem>>) target(%dma_start3A_27 : memref<10112x16xf32, #tpu.memory_space<vmem_shared>>) offsets(%dma_start3A_24 : memref<128xi32, #tpu.memory_space<vmem>>) semaphore(%run_scoped3A : memref<!tpu.dma_semaphore, #tpu.memory_space<semaphore_mem>>) {add = true}
        %dma_wait3A = arith.constant 0 : i32
        %dma_wait3A_28 = tpu.memref_slice %arg6[%add3A_22, %dma_wait3A] : memref<158x128xi32, #tpu.memory_space<vmem>> -> memref<1x128xi32, #tpu.memory_space<vmem>>
        %dma_wait3A_29 = tpu.memref_squeeze %dma_wait3A_28 : memref<1x128xi32, #tpu.memory_space<vmem>> -> memref<128xi32, #tpu.memory_space<vmem>>
        %dma_wait3A_30 = arith.constant 0 : i32
        %dma_wait3A_31 = arith.constant 0 : i32
        %dma_wait3A_32 = tpu.memref_slice %arg8[%dma_wait3A_30, %dma_wait3A_31] : memref<10112x16xf32, #tpu.memory_space<vmem_shared>> -> memref<10112x16xf32, #tpu.memory_space<vmem_shared>>
        tpu.wait_indirect_dma semaphore(%run_scoped3A : memref<!tpu.dma_semaphore, #tpu.memory_space<semaphore_mem>>) src(%arg7 : memref<128x16xf32, #tpu.memory_space<vmem>>) dst(%dma_wait3A_32 : memref<10112x16xf32, #tpu.memory_space<vmem_shared>>)
        tpu.yield
      }) : () -> ()
    }
    %while3A_14 = arith.constant 1 : i32
    scf.for %while3A_20 = %while3A_12 to %while3A_8 step %while3A_14  : i32 {
      %mul3A_21 = arith.muli %while3A_20, %while3A : i32
      %add3A_22 = arith.addi %arg0, %mul3A_21 : i32
      "tpu.region"() ({
        %run_scoped3A = tpu.sem_alloc : memref<!tpu.dma_semaphore, #tpu.memory_space<semaphore_mem>>
        %dma_start3A = arith.constant 0 : i32
        %dma_start3A_23 = tpu.memref_slice %arg6[%add3A_22, %dma_start3A] : memref<158x128xi32, #tpu.memory_space<vmem>> -> memref<1x128xi32, #tpu.memory_space<vmem>>
        %dma_start3A_24 = tpu.memref_squeeze %dma_start3A_23 : memref<1x128xi32, #tpu.memory_space<vmem>> -> memref<128xi32, #tpu.memory_space<vmem>>
        %dma_start3A_25 = arith.constant 0 : i32
        %dma_start3A_26 = arith.constant 0 : i32
        %dma_start3A_27 = tpu.memref_slice %arg8[%dma_start3A_25, %dma_start3A_26] : memref<10112x16xf32, #tpu.memory_space<vmem_shared>> -> memref<10112x16xf32, #tpu.memory_space<vmem_shared>>
        tpu.enqueue_indirect_dma source(%arg7 : memref<128x16xf32, #tpu.memory_space<vmem>>) target(%dma_start3A_27 : memref<10112x16xf32, #tpu.memory_space<vmem_shared>>) offsets(%dma_start3A_24 : memref<128xi32, #tpu.memory_space<vmem>>) semaphore(%run_scoped3A : memref<!tpu.dma_semaphore, #tpu.memory_space<semaphore_mem>>) {add = true}
        %dma_wait3A = arith.constant 0 : i32
        %dma_wait3A_28 = tpu.memref_slice %arg6[%add3A_22, %dma_wait3A] : memref<158x128xi32, #tpu.memory_space<vmem>> -> memref<1x128xi32, #tpu.memory_space<vmem>>
        %dma_wait3A_29 = tpu.memref_squeeze %dma_wait3A_28 : memref<1x128xi32, #tpu.memory_space<vmem>> -> memref<128xi32, #tpu.memory_space<vmem>>
        %dma_wait3A_30 = arith.constant 0 : i32
        %dma_wait3A_31 = arith.constant 0 : i32
        %dma_wait3A_32 = tpu.memref_slice %arg8[%dma_wait3A_30, %dma_wait3A_31] : memref<10112x16xf32, #tpu.memory_space<vmem_shared>> -> memref<10112x16xf32, #tpu.memory_space<vmem_shared>>
        tpu.wait_indirect_dma semaphore(%run_scoped3A : memref<!tpu.dma_semaphore, #tpu.memory_space<semaphore_mem>>) src(%arg7 : memref<128x16xf32, #tpu.memory_space<vmem>>) dst(%dma_wait3A_32 : memref<10112x16xf32, #tpu.memory_space<vmem_shared>>)
        tpu.yield
      }) : () -> ()
    }
    %barrier3A_15 = arith.constant 0 : index
    tpu.barrier barrier_id(%barrier3A_15)
    %mul3A_16 = arith.constant 632 : i32
    %mul3A_17 = arith.muli %arg1, %mul3A_16 : i32
    %mul3A_18 = arith.constant 632 : i32
    %mul3A_19 = arith.muli %arg1, %mul3A_18 : i32
    "tpu.region"() ({
      %run_scoped3A = tpu.sem_alloc : memref<!tpu.dma_semaphore, #tpu.memory_space<semaphore_mem>>
      %dma_start3A = arith.constant 0 : i32
      %dma_start3A_20 = tpu.memref_slice %arg5[%arg0, %mul3A_19, %dma_start3A] : memref<2x10112x16xf32, #tpu.memory_space<hbm>> -> memref<1x632x16xf32, #tpu.memory_space<hbm>>
      %dma_start3A_21 = tpu.memref_squeeze %dma_start3A_20 : memref<1x632x16xf32, #tpu.memory_space<hbm>> -> memref<632x16xf32, #tpu.memory_space<hbm>>
      %dma_start3A_22 = arith.constant 0 : i32
      %dma_start3A_23 = tpu.memref_slice %arg8[%mul3A_17, %dma_start3A_22] : memref<10112x16xf32, #tpu.memory_space<vmem_shared>> -> memref<632x16xf32, #tpu.memory_space<vmem_shared>>
      tpu.enqueue_dma source(%dma_start3A_23 : memref<632x16xf32, #tpu.memory_space<vmem_shared>>) target(%dma_start3A_21 : memref<632x16xf32, #tpu.memory_space<hbm>>) target_semaphore(%run_scoped3A : memref<!tpu.dma_semaphore, #tpu.memory_space<semaphore_mem>>)
      %dma_wait3A = arith.constant 0 : i32
      %dma_wait3A_24 = tpu.memref_slice %arg5[%arg0, %mul3A_19, %dma_wait3A] : memref<2x10112x16xf32, #tpu.memory_space<hbm>> -> memref<1x632x16xf32, #tpu.memory_space<hbm>>
      %dma_wait3A_25 = tpu.memref_squeeze %dma_wait3A_24 : memref<1x632x16xf32, #tpu.memory_space<hbm>> -> memref<632x16xf32, #tpu.memory_space<hbm>>
      %dma_wait3A_26 = arith.constant 0 : i32
      %dma_wait3A_27 = tpu.memref_slice %arg8[%mul3A_17, %dma_wait3A_26] : memref<10112x16xf32, #tpu.memory_space<vmem_shared>> -> memref<632x16xf32, #tpu.memory_space<vmem_shared>>
      tpu.wait_dma2 semaphore(%run_scoped3A : memref<!tpu.dma_semaphore, #tpu.memory_space<semaphore_mem>>) src(%dma_wait3A_27 : memref<632x16xf32, #tpu.memory_space<vmem_shared>>) dst(%dma_wait3A_25 : memref<632x16xf32, #tpu.memory_space<hbm>>)
      tpu.yield
    }) : () -> ()
    return
  }
}

#map = affine_map<(d0, d1) -> (0, 0, 0)>
#map1 = affine_map<(d0, d1) -> (0, 0)>
module attributes {stable_mosaic.version = 14 : i64} {
  func.func @body(%arg0: i32, %arg1: i32, %arg2: memref<2x10000x64xf32, #tpu.memory_space<hbm>>, %arg3: memref<16x158x128xi32, #tpu.memory_space<hbm>>, %arg4: memref<16x158x128xi32, #tpu.memory_space<hbm>>, %arg5: memref<632x64xf32, #tpu.memory_space<hbm>>, %arg6: memref<2x10112x64xf32, #tpu.memory_space<hbm>>, %arg7: memref<158x128xi32, #tpu.memory_space<vmem>>, %arg8: memref<158x128xi32, #tpu.memory_space<vmem>>, %arg9: memref<128x64xf32, #tpu.memory_space<vmem>>, %arg10: memref<128x64xf32, #tpu.memory_space<vmem>>, %arg11: memref<!tpu.dma_semaphore, #tpu.memory_space<semaphore_mem>>, %arg12: memref<!tpu.dma_semaphore, #tpu.memory_space<semaphore_mem>>, %arg13: memref<10112x64xf32, #tpu.memory_space<vmem_shared>>) attributes {dimension_semantics = [#tpu.dimension_semantics<core_parallel>, #tpu.dimension_semantics<subcore_parallel>], iteration_bounds = array<i64: 2, 16>, scalar_prefetch = 0 : i64, scratch_operands = 7 : i64, tpu.core_type = #tpu.core_type<sc_vector_subcore>, window_params = [{transform_indices = #map}, {transform_indices = #map}, {transform_indices = #map}, {transform_indices = #map1}, {transform_indices = #map}]} {
    "tpu.region"() ({
      %run_scoped3A_53 = tpu.sem_alloc : memref<!tpu.dma_semaphore, #tpu.memory_space<semaphore_mem>>
      %dma_start3A_54 = arith.constant 0 : i32
      %dma_start3A_55 = arith.constant 0 : i32
      %dma_start3A_56 = tpu.memref_slice %arg3[%arg1, %dma_start3A_54, %dma_start3A_55] : memref<16x158x128xi32, #tpu.memory_space<hbm>> -> memref<1x158x128xi32, #tpu.memory_space<hbm>>
      %dma_start3A_57 = tpu.memref_squeeze %dma_start3A_56 : memref<1x158x128xi32, #tpu.memory_space<hbm>> -> memref<158x128xi32, #tpu.memory_space<hbm>>
      %dma_start3A_58 = arith.constant 0 : i32
      %dma_start3A_59 = arith.constant 0 : i32
      %dma_start3A_60 = tpu.memref_slice %arg3[%arg1, %dma_start3A_58, %dma_start3A_59] : memref<16x158x128xi32, #tpu.memory_space<hbm>> -> memref<1x158x128xi32, #tpu.memory_space<hbm>>
      %dma_start3A_61 = tpu.memref_squeeze %dma_start3A_60 : memref<1x158x128xi32, #tpu.memory_space<hbm>> -> memref<158x128xi32, #tpu.memory_space<hbm>>
      tpu.enqueue_dma source(%dma_start3A_61 : memref<158x128xi32, #tpu.memory_space<hbm>>) target(%arg7 : memref<158x128xi32, #tpu.memory_space<vmem>>) target_semaphore(%run_scoped3A_53 : memref<!tpu.dma_semaphore, #tpu.memory_space<semaphore_mem>>)
      %dma_wait3A_62 = arith.constant 0 : i32
      %dma_wait3A_63 = arith.constant 0 : i32
      %dma_wait3A_64 = tpu.memref_slice %arg3[%arg1, %dma_wait3A_62, %dma_wait3A_63] : memref<16x158x128xi32, #tpu.memory_space<hbm>> -> memref<1x158x128xi32, #tpu.memory_space<hbm>>
      %dma_wait3A_65 = tpu.memref_squeeze %dma_wait3A_64 : memref<1x158x128xi32, #tpu.memory_space<hbm>> -> memref<158x128xi32, #tpu.memory_space<hbm>>
      %dma_wait3A_66 = arith.constant 0 : i32
      %dma_wait3A_67 = arith.constant 0 : i32
      %dma_wait3A_68 = tpu.memref_slice %arg3[%arg1, %dma_wait3A_66, %dma_wait3A_67] : memref<16x158x128xi32, #tpu.memory_space<hbm>> -> memref<1x158x128xi32, #tpu.memory_space<hbm>>
      %dma_wait3A_69 = tpu.memref_squeeze %dma_wait3A_68 : memref<1x158x128xi32, #tpu.memory_space<hbm>> -> memref<158x128xi32, #tpu.memory_space<hbm>>
      tpu.wait_dma2 semaphore(%run_scoped3A_53 : memref<!tpu.dma_semaphore, #tpu.memory_space<semaphore_mem>>) src(%dma_wait3A_69 : memref<158x128xi32, #tpu.memory_space<hbm>>) dst(%arg7 : memref<158x128xi32, #tpu.memory_space<vmem>>)
      tpu.yield
    }) : () -> ()
    "tpu.region"() ({
      %run_scoped3A_53 = tpu.sem_alloc : memref<!tpu.dma_semaphore, #tpu.memory_space<semaphore_mem>>
      %dma_start3A_54 = arith.constant 0 : i32
      %dma_start3A_55 = arith.constant 0 : i32
      %dma_start3A_56 = tpu.memref_slice %arg4[%arg1, %dma_start3A_54, %dma_start3A_55] : memref<16x158x128xi32, #tpu.memory_space<hbm>> -> memref<1x158x128xi32, #tpu.memory_space<hbm>>
      %dma_start3A_57 = tpu.memref_squeeze %dma_start3A_56 : memref<1x158x128xi32, #tpu.memory_space<hbm>> -> memref<158x128xi32, #tpu.memory_space<hbm>>
      %dma_start3A_58 = arith.constant 0 : i32
      %dma_start3A_59 = arith.constant 0 : i32
      %dma_start3A_60 = tpu.memref_slice %arg4[%arg1, %dma_start3A_58, %dma_start3A_59] : memref<16x158x128xi32, #tpu.memory_space<hbm>> -> memref<1x158x128xi32, #tpu.memory_space<hbm>>
      %dma_start3A_61 = tpu.memref_squeeze %dma_start3A_60 : memref<1x158x128xi32, #tpu.memory_space<hbm>> -> memref<158x128xi32, #tpu.memory_space<hbm>>
      tpu.enqueue_dma source(%dma_start3A_61 : memref<158x128xi32, #tpu.memory_space<hbm>>) target(%arg8 : memref<158x128xi32, #tpu.memory_space<vmem>>) target_semaphore(%run_scoped3A_53 : memref<!tpu.dma_semaphore, #tpu.memory_space<semaphore_mem>>)
      %dma_wait3A_62 = arith.constant 0 : i32
      %dma_wait3A_63 = arith.constant 0 : i32
      %dma_wait3A_64 = tpu.memref_slice %arg4[%arg1, %dma_wait3A_62, %dma_wait3A_63] : memref<16x158x128xi32, #tpu.memory_space<hbm>> -> memref<1x158x128xi32, #tpu.memory_space<hbm>>
      %dma_wait3A_65 = tpu.memref_squeeze %dma_wait3A_64 : memref<1x158x128xi32, #tpu.memory_space<hbm>> -> memref<158x128xi32, #tpu.memory_space<hbm>>
      %dma_wait3A_66 = arith.constant 0 : i32
      %dma_wait3A_67 = arith.constant 0 : i32
      %dma_wait3A_68 = tpu.memref_slice %arg4[%arg1, %dma_wait3A_66, %dma_wait3A_67] : memref<16x158x128xi32, #tpu.memory_space<hbm>> -> memref<1x158x128xi32, #tpu.memory_space<hbm>>
      %dma_wait3A_69 = tpu.memref_squeeze %dma_wait3A_68 : memref<1x158x128xi32, #tpu.memory_space<hbm>> -> memref<158x128xi32, #tpu.memory_space<hbm>>
      tpu.wait_dma2 semaphore(%run_scoped3A_53 : memref<!tpu.dma_semaphore, #tpu.memory_space<semaphore_mem>>) src(%dma_wait3A_69 : memref<158x128xi32, #tpu.memory_space<hbm>>) dst(%arg8 : memref<158x128xi32, #tpu.memory_space<vmem>>)
      tpu.yield
    }) : () -> ()
    %mul3A = arith.constant 632 : i32
    %mul3A_0 = arith.muli %arg1, %mul3A : i32
    "tpu.region"() ({
      %run_scoped3A_53 = tpu.sem_alloc : memref<!tpu.dma_semaphore, #tpu.memory_space<semaphore_mem>>
      %dma_start3A_54 = arith.constant 0 : i32
      %dma_start3A_55 = tpu.memref_slice %arg13[%mul3A_0, %dma_start3A_54] : memref<10112x64xf32, #tpu.memory_space<vmem_shared>> -> memref<632x64xf32, #tpu.memory_space<vmem_shared>>
      tpu.enqueue_dma source(%arg5 : memref<632x64xf32, #tpu.memory_space<hbm>>) target(%dma_start3A_55 : memref<632x64xf32, #tpu.memory_space<vmem_shared>>) target_semaphore(%run_scoped3A_53 : memref<!tpu.dma_semaphore, #tpu.memory_space<semaphore_mem>>)
      %dma_wait3A_56 = arith.constant 0 : i32
      %dma_wait3A_57 = tpu.memref_slice %arg13[%mul3A_0, %dma_wait3A_56] : memref<10112x64xf32, #tpu.memory_space<vmem_shared>> -> memref<632x64xf32, #tpu.memory_space<vmem_shared>>
      tpu.wait_dma2 semaphore(%run_scoped3A_53 : memref<!tpu.dma_semaphore, #tpu.memory_space<semaphore_mem>>) src(%arg5 : memref<632x64xf32, #tpu.memory_space<hbm>>) dst(%dma_wait3A_57 : memref<632x64xf32, #tpu.memory_space<vmem_shared>>)
      tpu.yield
    }) : () -> ()
    %barrier3A = arith.constant 0 : index
    tpu.barrier barrier_id(%barrier3A)
    %dma_start3A = arith.constant 0 : i32
    %dma_start3A_1 = arith.constant 0 : i32
    %dma_start3A_2 = tpu.memref_slice %arg7[%dma_start3A, %dma_start3A_1] : memref<158x128xi32, #tpu.memory_space<vmem>> -> memref<1x128xi32, #tpu.memory_space<vmem>>
    %dma_start3A_3 = tpu.memref_squeeze %dma_start3A_2 : memref<1x128xi32, #tpu.memory_space<vmem>> -> memref<128xi32, #tpu.memory_space<vmem>>
    %dma_start3A_4 = arith.constant 0 : i32
    %dma_start3A_5 = arith.constant 0 : i32
    %dma_start3A_6 = tpu.memref_slice %arg2[%arg0, %dma_start3A_4, %dma_start3A_5] : memref<2x10000x64xf32, #tpu.memory_space<hbm>> -> memref<1x10000x64xf32, #tpu.memory_space<hbm>>
    %dma_start3A_7 = tpu.memref_squeeze %dma_start3A_6 : memref<1x10000x64xf32, #tpu.memory_space<hbm>> -> memref<10000x64xf32, #tpu.memory_space<hbm>>
    %dma_start3A_8 = arith.constant 0 : i32
    %dma_start3A_9 = arith.constant 0 : i32
    %dma_start3A_10 = tpu.memref_slice %dma_start3A_7[%dma_start3A_8, %dma_start3A_9] : memref<10000x64xf32, #tpu.memory_space<hbm>> -> memref<10000x64xf32, #tpu.memory_space<hbm>>
    tpu.enqueue_indirect_dma source(%dma_start3A_10 : memref<10000x64xf32, #tpu.memory_space<hbm>>) target(%arg9 : memref<128x64xf32, #tpu.memory_space<vmem>>) offsets(%dma_start3A_3 : memref<128xi32, #tpu.memory_space<vmem>>) semaphore(%arg11 : memref<!tpu.dma_semaphore, #tpu.memory_space<semaphore_mem>>)
    %dma_start3A_11 = arith.constant 1 : i32
    %dma_start3A_12 = arith.constant 0 : i32
    %dma_start3A_13 = tpu.memref_slice %arg7[%dma_start3A_11, %dma_start3A_12] : memref<158x128xi32, #tpu.memory_space<vmem>> -> memref<1x128xi32, #tpu.memory_space<vmem>>
    %dma_start3A_14 = tpu.memref_squeeze %dma_start3A_13 : memref<1x128xi32, #tpu.memory_space<vmem>> -> memref<128xi32, #tpu.memory_space<vmem>>
    %dma_start3A_15 = arith.constant 0 : i32
    %dma_start3A_16 = arith.constant 0 : i32
    %dma_start3A_17 = tpu.memref_slice %arg2[%arg0, %dma_start3A_15, %dma_start3A_16] : memref<2x10000x64xf32, #tpu.memory_space<hbm>> -> memref<1x10000x64xf32, #tpu.memory_space<hbm>>
    %dma_start3A_18 = tpu.memref_squeeze %dma_start3A_17 : memref<1x10000x64xf32, #tpu.memory_space<hbm>> -> memref<10000x64xf32, #tpu.memory_space<hbm>>
    %dma_start3A_19 = arith.constant 0 : i32
    %dma_start3A_20 = arith.constant 0 : i32
    %dma_start3A_21 = tpu.memref_slice %dma_start3A_18[%dma_start3A_19, %dma_start3A_20] : memref<10000x64xf32, #tpu.memory_space<hbm>> -> memref<10000x64xf32, #tpu.memory_space<hbm>>
    tpu.enqueue_indirect_dma source(%dma_start3A_21 : memref<10000x64xf32, #tpu.memory_space<hbm>>) target(%arg10 : memref<128x64xf32, #tpu.memory_space<vmem>>) offsets(%dma_start3A_14 : memref<128xi32, #tpu.memory_space<vmem>>) semaphore(%arg12 : memref<!tpu.dma_semaphore, #tpu.memory_space<semaphore_mem>>)
    %scan3A = arith.constant 0 : i32
    %scan3A_22 = arith.constant 78 : i32
    %scan3A_23 = arith.addi %scan3A, %scan3A_22 : i32
    %scan3A_24 = arith.constant 1 : i32
    scf.for %scan3A_53 = %scan3A to %scan3A_23 step %scan3A_24  : i32 {
      %mul3A_54 = arith.constant 2 : i32
      %mul3A_55 = arith.muli %scan3A_53, %mul3A_54 : i32
      %add3A = arith.constant 0 : i32
      %add3A_56 = arith.addi %add3A, %mul3A_55 : i32
      %add3A_57 = arith.constant 0 : i32
      %add3A_58 = arith.addi %add3A_56, %add3A_57 : i32
      %dma_wait3A_59 = arith.constant 0 : i32
      %dma_wait3A_60 = tpu.memref_slice %arg7[%add3A_58, %dma_wait3A_59] : memref<158x128xi32, #tpu.memory_space<vmem>> -> memref<1x128xi32, #tpu.memory_space<vmem>>
      %dma_wait3A_61 = tpu.memref_squeeze %dma_wait3A_60 : memref<1x128xi32, #tpu.memory_space<vmem>> -> memref<128xi32, #tpu.memory_space<vmem>>
      %dma_wait3A_62 = arith.constant 0 : i32
      %dma_wait3A_63 = arith.constant 0 : i32
      %dma_wait3A_64 = tpu.memref_slice %arg2[%arg0, %dma_wait3A_62, %dma_wait3A_63] : memref<2x10000x64xf32, #tpu.memory_space<hbm>> -> memref<1x10000x64xf32, #tpu.memory_space<hbm>>
      %dma_wait3A_65 = tpu.memref_squeeze %dma_wait3A_64 : memref<1x10000x64xf32, #tpu.memory_space<hbm>> -> memref<10000x64xf32, #tpu.memory_space<hbm>>
      %dma_wait3A_66 = arith.constant 0 : i32
      %dma_wait3A_67 = arith.constant 0 : i32
      %dma_wait3A_68 = tpu.memref_slice %dma_wait3A_65[%dma_wait3A_66, %dma_wait3A_67] : memref<10000x64xf32, #tpu.memory_space<hbm>> -> memref<10000x64xf32, #tpu.memory_space<hbm>>
      tpu.wait_indirect_dma semaphore(%arg11 : memref<!tpu.dma_semaphore, #tpu.memory_space<semaphore_mem>>) src(%dma_wait3A_68 : memref<10000x64xf32, #tpu.memory_space<hbm>>) dst(%arg9 : memref<128x64xf32, #tpu.memory_space<vmem>>)
      "tpu.region"() ({
        %run_scoped3A_105 = tpu.sem_alloc : memref<!tpu.dma_semaphore, #tpu.memory_space<semaphore_mem>>
        %dma_start3A_106 = arith.constant 0 : i32
        %dma_start3A_107 = tpu.memref_slice %arg8[%add3A_58, %dma_start3A_106] : memref<158x128xi32, #tpu.memory_space<vmem>> -> memref<1x128xi32, #tpu.memory_space<vmem>>
        %dma_start3A_108 = tpu.memref_squeeze %dma_start3A_107 : memref<1x128xi32, #tpu.memory_space<vmem>> -> memref<128xi32, #tpu.memory_space<vmem>>
        %dma_start3A_109 = arith.constant 0 : i32
        %dma_start3A_110 = arith.constant 0 : i32
        %dma_start3A_111 = tpu.memref_slice %arg13[%dma_start3A_109, %dma_start3A_110] : memref<10112x64xf32, #tpu.memory_space<vmem_shared>> -> memref<10112x64xf32, #tpu.memory_space<vmem_shared>>
        tpu.enqueue_indirect_dma source(%arg9 : memref<128x64xf32, #tpu.memory_space<vmem>>) target(%dma_start3A_111 : memref<10112x64xf32, #tpu.memory_space<vmem_shared>>) offsets(%dma_start3A_108 : memref<128xi32, #tpu.memory_space<vmem>>) semaphore(%run_scoped3A_105 : memref<!tpu.dma_semaphore, #tpu.memory_space<semaphore_mem>>) {add = true}
        %dma_wait3A_112 = arith.constant 0 : i32
        %dma_wait3A_113 = tpu.memref_slice %arg8[%add3A_58, %dma_wait3A_112] : memref<158x128xi32, #tpu.memory_space<vmem>> -> memref<1x128xi32, #tpu.memory_space<vmem>>
        %dma_wait3A_114 = tpu.memref_squeeze %dma_wait3A_113 : memref<1x128xi32, #tpu.memory_space<vmem>> -> memref<128xi32, #tpu.memory_space<vmem>>
        %dma_wait3A_115 = arith.constant 0 : i32
        %dma_wait3A_116 = arith.constant 0 : i32
        %dma_wait3A_117 = tpu.memref_slice %arg13[%dma_wait3A_115, %dma_wait3A_116] : memref<10112x64xf32, #tpu.memory_space<vmem_shared>> -> memref<10112x64xf32, #tpu.memory_space<vmem_shared>>
        tpu.wait_indirect_dma semaphore(%run_scoped3A_105 : memref<!tpu.dma_semaphore, #tpu.memory_space<semaphore_mem>>) src(%arg9 : memref<128x64xf32, #tpu.memory_space<vmem>>) dst(%dma_wait3A_117 : memref<10112x64xf32, #tpu.memory_space<vmem_shared>>)
        tpu.yield
      }) : () -> ()
      %add3A_69 = arith.constant 2 : i32
      %add3A_70 = arith.addi %add3A_58, %add3A_69 : i32
      %dma_start3A_71 = arith.constant 0 : i32
      %dma_start3A_72 = tpu.memref_slice %arg7[%add3A_70, %dma_start3A_71] : memref<158x128xi32, #tpu.memory_space<vmem>> -> memref<1x128xi32, #tpu.memory_space<vmem>>
      %dma_start3A_73 = tpu.memref_squeeze %dma_start3A_72 : memref<1x128xi32, #tpu.memory_space<vmem>> -> memref<128xi32, #tpu.memory_space<vmem>>
      %dma_start3A_74 = arith.constant 0 : i32
      %dma_start3A_75 = arith.constant 0 : i32
      %dma_start3A_76 = tpu.memref_slice %arg2[%arg0, %dma_start3A_74, %dma_start3A_75] : memref<2x10000x64xf32, #tpu.memory_space<hbm>> -> memref<1x10000x64xf32, #tpu.memory_space<hbm>>
      %dma_start3A_77 = tpu.memref_squeeze %dma_start3A_76 : memref<1x10000x64xf32, #tpu.memory_space<hbm>> -> memref<10000x64xf32, #tpu.memory_space<hbm>>
      %dma_start3A_78 = arith.constant 0 : i32
      %dma_start3A_79 = arith.constant 0 : i32
      %dma_start3A_80 = tpu.memref_slice %dma_start3A_77[%dma_start3A_78, %dma_start3A_79] : memref<10000x64xf32, #tpu.memory_space<hbm>> -> memref<10000x64xf32, #tpu.memory_space<hbm>>
      tpu.enqueue_indirect_dma source(%dma_start3A_80 : memref<10000x64xf32, #tpu.memory_space<hbm>>) target(%arg9 : memref<128x64xf32, #tpu.memory_space<vmem>>) offsets(%dma_start3A_73 : memref<128xi32, #tpu.memory_space<vmem>>) semaphore(%arg11 : memref<!tpu.dma_semaphore, #tpu.memory_space<semaphore_mem>>)
      %add3A_81 = arith.constant 1 : i32
      %add3A_82 = arith.addi %add3A_56, %add3A_81 : i32
      %dma_wait3A_83 = arith.constant 0 : i32
      %dma_wait3A_84 = tpu.memref_slice %arg7[%add3A_82, %dma_wait3A_83] : memref<158x128xi32, #tpu.memory_space<vmem>> -> memref<1x128xi32, #tpu.memory_space<vmem>>
      %dma_wait3A_85 = tpu.memref_squeeze %dma_wait3A_84 : memref<1x128xi32, #tpu.memory_space<vmem>> -> memref<128xi32, #tpu.memory_space<vmem>>
      %dma_wait3A_86 = arith.constant 0 : i32
      %dma_wait3A_87 = arith.constant 0 : i32
      %dma_wait3A_88 = tpu.memref_slice %arg2[%arg0, %dma_wait3A_86, %dma_wait3A_87] : memref<2x10000x64xf32, #tpu.memory_space<hbm>> -> memref<1x10000x64xf32, #tpu.memory_space<hbm>>
      %dma_wait3A_89 = tpu.memref_squeeze %dma_wait3A_88 : memref<1x10000x64xf32, #tpu.memory_space<hbm>> -> memref<10000x64xf32, #tpu.memory_space<hbm>>
      %dma_wait3A_90 = arith.constant 0 : i32
      %dma_wait3A_91 = arith.constant 0 : i32
      %dma_wait3A_92 = tpu.memref_slice %dma_wait3A_89[%dma_wait3A_90, %dma_wait3A_91] : memref<10000x64xf32, #tpu.memory_space<hbm>> -> memref<10000x64xf32, #tpu.memory_space<hbm>>
      tpu.wait_indirect_dma semaphore(%arg12 : memref<!tpu.dma_semaphore, #tpu.memory_space<semaphore_mem>>) src(%dma_wait3A_92 : memref<10000x64xf32, #tpu.memory_space<hbm>>) dst(%arg10 : memref<128x64xf32, #tpu.memory_space<vmem>>)
      "tpu.region"() ({
        %run_scoped3A_105 = tpu.sem_alloc : memref<!tpu.dma_semaphore, #tpu.memory_space<semaphore_mem>>
        %dma_start3A_106 = arith.constant 0 : i32
        %dma_start3A_107 = tpu.memref_slice %arg8[%add3A_82, %dma_start3A_106] : memref<158x128xi32, #tpu.memory_space<vmem>> -> memref<1x128xi32, #tpu.memory_space<vmem>>
        %dma_start3A_108 = tpu.memref_squeeze %dma_start3A_107 : memref<1x128xi32, #tpu.memory_space<vmem>> -> memref<128xi32, #tpu.memory_space<vmem>>
        %dma_start3A_109 = arith.constant 0 : i32
        %dma_start3A_110 = arith.constant 0 : i32
        %dma_start3A_111 = tpu.memref_slice %arg13[%dma_start3A_109, %dma_start3A_110] : memref<10112x64xf32, #tpu.memory_space<vmem_shared>> -> memref<10112x64xf32, #tpu.memory_space<vmem_shared>>
        tpu.enqueue_indirect_dma source(%arg10 : memref<128x64xf32, #tpu.memory_space<vmem>>) target(%dma_start3A_111 : memref<10112x64xf32, #tpu.memory_space<vmem_shared>>) offsets(%dma_start3A_108 : memref<128xi32, #tpu.memory_space<vmem>>) semaphore(%run_scoped3A_105 : memref<!tpu.dma_semaphore, #tpu.memory_space<semaphore_mem>>) {add = true}
        %dma_wait3A_112 = arith.constant 0 : i32
        %dma_wait3A_113 = tpu.memref_slice %arg8[%add3A_82, %dma_wait3A_112] : memref<158x128xi32, #tpu.memory_space<vmem>> -> memref<1x128xi32, #tpu.memory_space<vmem>>
        %dma_wait3A_114 = tpu.memref_squeeze %dma_wait3A_113 : memref<1x128xi32, #tpu.memory_space<vmem>> -> memref<128xi32, #tpu.memory_space<vmem>>
        %dma_wait3A_115 = arith.constant 0 : i32
        %dma_wait3A_116 = arith.constant 0 : i32
        %dma_wait3A_117 = tpu.memref_slice %arg13[%dma_wait3A_115, %dma_wait3A_116] : memref<10112x64xf32, #tpu.memory_space<vmem_shared>> -> memref<10112x64xf32, #tpu.memory_space<vmem_shared>>
        tpu.wait_indirect_dma semaphore(%run_scoped3A_105 : memref<!tpu.dma_semaphore, #tpu.memory_space<semaphore_mem>>) src(%arg10 : memref<128x64xf32, #tpu.memory_space<vmem>>) dst(%dma_wait3A_117 : memref<10112x64xf32, #tpu.memory_space<vmem_shared>>)
        tpu.yield
      }) : () -> ()
      %add3A_93 = arith.constant 2 : i32
      %add3A_94 = arith.addi %add3A_82, %add3A_93 : i32
      %dma_start3A_95 = arith.constant 0 : i32
      %dma_start3A_96 = tpu.memref_slice %arg7[%add3A_94, %dma_start3A_95] : memref<158x128xi32, #tpu.memory_space<vmem>> -> memref<1x128xi32, #tpu.memory_space<vmem>>
      %dma_start3A_97 = tpu.memref_squeeze %dma_start3A_96 : memref<1x128xi32, #tpu.memory_space<vmem>> -> memref<128xi32, #tpu.memory_space<vmem>>
      %dma_start3A_98 = arith.constant 0 : i32
      %dma_start3A_99 = arith.constant 0 : i32
      %dma_start3A_100 = tpu.memref_slice %arg2[%arg0, %dma_start3A_98, %dma_start3A_99] : memref<2x10000x64xf32, #tpu.memory_space<hbm>> -> memref<1x10000x64xf32, #tpu.memory_space<hbm>>
      %dma_start3A_101 = tpu.memref_squeeze %dma_start3A_100 : memref<1x10000x64xf32, #tpu.memory_space<hbm>> -> memref<10000x64xf32, #tpu.memory_space<hbm>>
      %dma_start3A_102 = arith.constant 0 : i32
      %dma_start3A_103 = arith.constant 0 : i32
      %dma_start3A_104 = tpu.memref_slice %dma_start3A_101[%dma_start3A_102, %dma_start3A_103] : memref<10000x64xf32, #tpu.memory_space<hbm>> -> memref<10000x64xf32, #tpu.memory_space<hbm>>
      tpu.enqueue_indirect_dma source(%dma_start3A_104 : memref<10000x64xf32, #tpu.memory_space<hbm>>) target(%arg10 : memref<128x64xf32, #tpu.memory_space<vmem>>) offsets(%dma_start3A_97 : memref<128xi32, #tpu.memory_space<vmem>>) semaphore(%arg12 : memref<!tpu.dma_semaphore, #tpu.memory_space<semaphore_mem>>)
    }
    %scan3A_25 = arith.constant 78 : i32
    %dma_wait3A = arith.constant 156 : i32
    %dma_wait3A_26 = arith.constant 0 : i32
    %dma_wait3A_27 = tpu.memref_slice %arg7[%dma_wait3A, %dma_wait3A_26] : memref<158x128xi32, #tpu.memory_space<vmem>> -> memref<1x128xi32, #tpu.memory_space<vmem>>
    %dma_wait3A_28 = tpu.memref_squeeze %dma_wait3A_27 : memref<1x128xi32, #tpu.memory_space<vmem>> -> memref<128xi32, #tpu.memory_space<vmem>>
    %dma_wait3A_29 = arith.constant 0 : i32
    %dma_wait3A_30 = arith.constant 0 : i32
    %dma_wait3A_31 = tpu.memref_slice %arg2[%arg0, %dma_wait3A_29, %dma_wait3A_30] : memref<2x10000x64xf32, #tpu.memory_space<hbm>> -> memref<1x10000x64xf32, #tpu.memory_space<hbm>>
    %dma_wait3A_32 = tpu.memref_squeeze %dma_wait3A_31 : memref<1x10000x64xf32, #tpu.memory_space<hbm>> -> memref<10000x64xf32, #tpu.memory_space<hbm>>
    %dma_wait3A_33 = arith.constant 0 : i32
    %dma_wait3A_34 = arith.constant 0 : i32
    %dma_wait3A_35 = tpu.memref_slice %dma_wait3A_32[%dma_wait3A_33, %dma_wait3A_34] : memref<10000x64xf32, #tpu.memory_space<hbm>> -> memref<10000x64xf32, #tpu.memory_space<hbm>>
    tpu.wait_indirect_dma semaphore(%arg11 : memref<!tpu.dma_semaphore, #tpu.memory_space<semaphore_mem>>) src(%dma_wait3A_35 : memref<10000x64xf32, #tpu.memory_space<hbm>>) dst(%arg9 : memref<128x64xf32, #tpu.memory_space<vmem>>)
    %run_scoped3A = arith.constant 156 : i32
    "tpu.region"() ({
      %run_scoped3A_53 = tpu.sem_alloc : memref<!tpu.dma_semaphore, #tpu.memory_space<semaphore_mem>>
      %dma_start3A_54 = arith.constant 0 : i32
      %dma_start3A_55 = tpu.memref_slice %arg8[%run_scoped3A, %dma_start3A_54] : memref<158x128xi32, #tpu.memory_space<vmem>> -> memref<1x128xi32, #tpu.memory_space<vmem>>
      %dma_start3A_56 = tpu.memref_squeeze %dma_start3A_55 : memref<1x128xi32, #tpu.memory_space<vmem>> -> memref<128xi32, #tpu.memory_space<vmem>>
      %dma_start3A_57 = arith.constant 0 : i32
      %dma_start3A_58 = arith.constant 0 : i32
      %dma_start3A_59 = tpu.memref_slice %arg13[%dma_start3A_57, %dma_start3A_58] : memref<10112x64xf32, #tpu.memory_space<vmem_shared>> -> memref<10112x64xf32, #tpu.memory_space<vmem_shared>>
      tpu.enqueue_indirect_dma source(%arg9 : memref<128x64xf32, #tpu.memory_space<vmem>>) target(%dma_start3A_59 : memref<10112x64xf32, #tpu.memory_space<vmem_shared>>) offsets(%dma_start3A_56 : memref<128xi32, #tpu.memory_space<vmem>>) semaphore(%run_scoped3A_53 : memref<!tpu.dma_semaphore, #tpu.memory_space<semaphore_mem>>) {add = true}
      %dma_wait3A_60 = arith.constant 0 : i32
      %dma_wait3A_61 = tpu.memref_slice %arg8[%run_scoped3A, %dma_wait3A_60] : memref<158x128xi32, #tpu.memory_space<vmem>> -> memref<1x128xi32, #tpu.memory_space<vmem>>
      %dma_wait3A_62 = tpu.memref_squeeze %dma_wait3A_61 : memref<1x128xi32, #tpu.memory_space<vmem>> -> memref<128xi32, #tpu.memory_space<vmem>>
      %dma_wait3A_63 = arith.constant 0 : i32
      %dma_wait3A_64 = arith.constant 0 : i32
      %dma_wait3A_65 = tpu.memref_slice %arg13[%dma_wait3A_63, %dma_wait3A_64] : memref<10112x64xf32, #tpu.memory_space<vmem_shared>> -> memref<10112x64xf32, #tpu.memory_space<vmem_shared>>
      tpu.wait_indirect_dma semaphore(%run_scoped3A_53 : memref<!tpu.dma_semaphore, #tpu.memory_space<semaphore_mem>>) src(%arg9 : memref<128x64xf32, #tpu.memory_space<vmem>>) dst(%dma_wait3A_65 : memref<10112x64xf32, #tpu.memory_space<vmem_shared>>)
      tpu.yield
    }) : () -> ()
    %dma_wait3A_36 = arith.constant 157 : i32
    %dma_wait3A_37 = arith.constant 0 : i32
    %dma_wait3A_38 = tpu.memref_slice %arg7[%dma_wait3A_36, %dma_wait3A_37] : memref<158x128xi32, #tpu.memory_space<vmem>> -> memref<1x128xi32, #tpu.memory_space<vmem>>
    %dma_wait3A_39 = tpu.memref_squeeze %dma_wait3A_38 : memref<1x128xi32, #tpu.memory_space<vmem>> -> memref<128xi32, #tpu.memory_space<vmem>>
    %dma_wait3A_40 = arith.constant 0 : i32
    %dma_wait3A_41 = arith.constant 0 : i32
    %dma_wait3A_42 = tpu.memref_slice %arg2[%arg0, %dma_wait3A_40, %dma_wait3A_41] : memref<2x10000x64xf32, #tpu.memory_space<hbm>> -> memref<1x10000x64xf32, #tpu.memory_space<hbm>>
    %dma_wait3A_43 = tpu.memref_squeeze %dma_wait3A_42 : memref<1x10000x64xf32, #tpu.memory_space<hbm>> -> memref<10000x64xf32, #tpu.memory_space<hbm>>
    %dma_wait3A_44 = arith.constant 0 : i32
    %dma_wait3A_45 = arith.constant 0 : i32
    %dma_wait3A_46 = tpu.memref_slice %dma_wait3A_43[%dma_wait3A_44, %dma_wait3A_45] : memref<10000x64xf32, #tpu.memory_space<hbm>> -> memref<10000x64xf32, #tpu.memory_space<hbm>>
    tpu.wait_indirect_dma semaphore(%arg12 : memref<!tpu.dma_semaphore, #tpu.memory_space<semaphore_mem>>) src(%dma_wait3A_46 : memref<10000x64xf32, #tpu.memory_space<hbm>>) dst(%arg10 : memref<128x64xf32, #tpu.memory_space<vmem>>)
    %run_scoped3A_47 = arith.constant 157 : i32
    "tpu.region"() ({
      %run_scoped3A_53 = tpu.sem_alloc : memref<!tpu.dma_semaphore, #tpu.memory_space<semaphore_mem>>
      %dma_start3A_54 = arith.constant 0 : i32
      %dma_start3A_55 = tpu.memref_slice %arg8[%run_scoped3A_47, %dma_start3A_54] : memref<158x128xi32, #tpu.memory_space<vmem>> -> memref<1x128xi32, #tpu.memory_space<vmem>>
      %dma_start3A_56 = tpu.memref_squeeze %dma_start3A_55 : memref<1x128xi32, #tpu.memory_space<vmem>> -> memref<128xi32, #tpu.memory_space<vmem>>
      %dma_start3A_57 = arith.constant 0 : i32
      %dma_start3A_58 = arith.constant 0 : i32
      %dma_start3A_59 = tpu.memref_slice %arg13[%dma_start3A_57, %dma_start3A_58] : memref<10112x64xf32, #tpu.memory_space<vmem_shared>> -> memref<10112x64xf32, #tpu.memory_space<vmem_shared>>
      tpu.enqueue_indirect_dma source(%arg10 : memref<128x64xf32, #tpu.memory_space<vmem>>) target(%dma_start3A_59 : memref<10112x64xf32, #tpu.memory_space<vmem_shared>>) offsets(%dma_start3A_56 : memref<128xi32, #tpu.memory_space<vmem>>) semaphore(%run_scoped3A_53 : memref<!tpu.dma_semaphore, #tpu.memory_space<semaphore_mem>>) {add = true}
      %dma_wait3A_60 = arith.constant 0 : i32
      %dma_wait3A_61 = tpu.memref_slice %arg8[%run_scoped3A_47, %dma_wait3A_60] : memref<158x128xi32, #tpu.memory_space<vmem>> -> memref<1x128xi32, #tpu.memory_space<vmem>>
      %dma_wait3A_62 = tpu.memref_squeeze %dma_wait3A_61 : memref<1x128xi32, #tpu.memory_space<vmem>> -> memref<128xi32, #tpu.memory_space<vmem>>
      %dma_wait3A_63 = arith.constant 0 : i32
      %dma_wait3A_64 = arith.constant 0 : i32
      %dma_wait3A_65 = tpu.memref_slice %arg13[%dma_wait3A_63, %dma_wait3A_64] : memref<10112x64xf32, #tpu.memory_space<vmem_shared>> -> memref<10112x64xf32, #tpu.memory_space<vmem_shared>>
      tpu.wait_indirect_dma semaphore(%run_scoped3A_53 : memref<!tpu.dma_semaphore, #tpu.memory_space<semaphore_mem>>) src(%arg10 : memref<128x64xf32, #tpu.memory_space<vmem>>) dst(%dma_wait3A_65 : memref<10112x64xf32, #tpu.memory_space<vmem_shared>>)
      tpu.yield
    }) : () -> ()
    %barrier3A_48 = arith.constant 0 : index
    tpu.barrier barrier_id(%barrier3A_48)
    %mul3A_49 = arith.constant 632 : i32
    %mul3A_50 = arith.muli %arg1, %mul3A_49 : i32
    %mul3A_51 = arith.constant 632 : i32
    %mul3A_52 = arith.muli %arg1, %mul3A_51 : i32
    "tpu.region"() ({
      %run_scoped3A_53 = tpu.sem_alloc : memref<!tpu.dma_semaphore, #tpu.memory_space<semaphore_mem>>
      %dma_start3A_54 = arith.constant 0 : i32
      %dma_start3A_55 = tpu.memref_slice %arg6[%arg0, %mul3A_52, %dma_start3A_54] : memref<2x10112x64xf32, #tpu.memory_space<hbm>> -> memref<1x632x64xf32, #tpu.memory_space<hbm>>
      %dma_start3A_56 = tpu.memref_squeeze %dma_start3A_55 : memref<1x632x64xf32, #tpu.memory_space<hbm>> -> memref<632x64xf32, #tpu.memory_space<hbm>>
      %dma_start3A_57 = arith.constant 0 : i32
      %dma_start3A_58 = tpu.memref_slice %arg13[%mul3A_50, %dma_start3A_57] : memref<10112x64xf32, #tpu.memory_space<vmem_shared>> -> memref<632x64xf32, #tpu.memory_space<vmem_shared>>
      tpu.enqueue_dma source(%dma_start3A_58 : memref<632x64xf32, #tpu.memory_space<vmem_shared>>) target(%dma_start3A_56 : memref<632x64xf32, #tpu.memory_space<hbm>>) target_semaphore(%run_scoped3A_53 : memref<!tpu.dma_semaphore, #tpu.memory_space<semaphore_mem>>)
      %dma_wait3A_59 = arith.constant 0 : i32
      %dma_wait3A_60 = tpu.memref_slice %arg6[%arg0, %mul3A_52, %dma_wait3A_59] : memref<2x10112x64xf32, #tpu.memory_space<hbm>> -> memref<1x632x64xf32, #tpu.memory_space<hbm>>
      %dma_wait3A_61 = tpu.memref_squeeze %dma_wait3A_60 : memref<1x632x64xf32, #tpu.memory_space<hbm>> -> memref<632x64xf32, #tpu.memory_space<hbm>>
      %dma_wait3A_62 = arith.constant 0 : i32
      %dma_wait3A_63 = tpu.memref_slice %arg13[%mul3A_50, %dma_wait3A_62] : memref<10112x64xf32, #tpu.memory_space<vmem_shared>> -> memref<632x64xf32, #tpu.memory_space<vmem_shared>>
      tpu.wait_dma2 semaphore(%run_scoped3A_53 : memref<!tpu.dma_semaphore, #tpu.memory_space<semaphore_mem>>) src(%dma_wait3A_63 : memref<632x64xf32, #tpu.memory_space<vmem_shared>>) dst(%dma_wait3A_61 : memref<632x64xf32, #tpu.memory_space<hbm>>)
      tpu.yield
    }) : () -> ()
    return
  }
}

#map = affine_map<(d0, d1) -> (0, 0, 0)>
#map1 = affine_map<(d0, d1) -> (0, 0)>
module attributes {stable_mosaic.version = 14 : i64} {
  func.func @body(%arg0: i32, %arg1: i32, %arg2: memref<2x10000x64xf32, #tpu.memory_space<hbm>>, %arg3: memref<16x158x128xi32, #tpu.memory_space<hbm>>, %arg4: memref<16x158x128xi32, #tpu.memory_space<hbm>>, %arg5: memref<632x64xf32, #tpu.memory_space<hbm>>, %arg6: memref<2x10112x64xf32, #tpu.memory_space<hbm>>, %arg7: memref<158x128xi32, #tpu.memory_space<vmem>>, %arg8: memref<158x128xi32, #tpu.memory_space<vmem>>, %arg9: memref<128x64xf32, #tpu.memory_space<vmem>>, %arg10: memref<128x64xf32, #tpu.memory_space<vmem>>, %arg11: memref<!tpu.dma_semaphore, #tpu.memory_space<semaphore_mem>>, %arg12: memref<!tpu.dma_semaphore, #tpu.memory_space<semaphore_mem>>, %arg13: memref<10112x64xf32, #tpu.memory_space<vmem_shared>>) attributes {dimension_semantics = [#tpu.dimension_semantics<core_parallel>, #tpu.dimension_semantics<subcore_parallel>], iteration_bounds = array<i64: 2, 16>, scalar_prefetch = 0 : i64, scratch_operands = 7 : i64, tpu.core_type = #tpu.core_type<sc_vector_subcore>, window_params = [{transform_indices = #map}, {transform_indices = #map}, {transform_indices = #map}, {transform_indices = #map1}, {transform_indices = #map}]} {
    "tpu.region"() ({
      %run_scoped3A_53 = tpu.sem_alloc : memref<!tpu.dma_semaphore, #tpu.memory_space<semaphore_mem>>
      %dma_start3A_54 = arith.constant 0 : i32
      %dma_start3A_55 = arith.constant 0 : i32
      %dma_start3A_56 = tpu.memref_slice %arg3[%arg1, %dma_start3A_54, %dma_start3A_55] : memref<16x158x128xi32, #tpu.memory_space<hbm>> -> memref<1x158x128xi32, #tpu.memory_space<hbm>>
      %dma_start3A_57 = tpu.memref_squeeze %dma_start3A_56 : memref<1x158x128xi32, #tpu.memory_space<hbm>> -> memref<158x128xi32, #tpu.memory_space<hbm>>
      %dma_start3A_58 = arith.constant 0 : i32
      %dma_start3A_59 = arith.constant 0 : i32
      %dma_start3A_60 = tpu.memref_slice %arg3[%arg1, %dma_start3A_58, %dma_start3A_59] : memref<16x158x128xi32, #tpu.memory_space<hbm>> -> memref<1x158x128xi32, #tpu.memory_space<hbm>>
      %dma_start3A_61 = tpu.memref_squeeze %dma_start3A_60 : memref<1x158x128xi32, #tpu.memory_space<hbm>> -> memref<158x128xi32, #tpu.memory_space<hbm>>
      tpu.enqueue_dma source(%dma_start3A_61 : memref<158x128xi32, #tpu.memory_space<hbm>>) target(%arg7 : memref<158x128xi32, #tpu.memory_space<vmem>>) target_semaphore(%run_scoped3A_53 : memref<!tpu.dma_semaphore, #tpu.memory_space<semaphore_mem>>)
      %dma_wait3A_62 = arith.constant 0 : i32
      %dma_wait3A_63 = arith.constant 0 : i32
      %dma_wait3A_64 = tpu.memref_slice %arg3[%arg1, %dma_wait3A_62, %dma_wait3A_63] : memref<16x158x128xi32, #tpu.memory_space<hbm>> -> memref<1x158x128xi32, #tpu.memory_space<hbm>>
      %dma_wait3A_65 = tpu.memref_squeeze %dma_wait3A_64 : memref<1x158x128xi32, #tpu.memory_space<hbm>> -> memref<158x128xi32, #tpu.memory_space<hbm>>
      %dma_wait3A_66 = arith.constant 0 : i32
      %dma_wait3A_67 = arith.constant 0 : i32
      %dma_wait3A_68 = tpu.memref_slice %arg3[%arg1, %dma_wait3A_66, %dma_wait3A_67] : memref<16x158x128xi32, #tpu.memory_space<hbm>> -> memref<1x158x128xi32, #tpu.memory_space<hbm>>
      %dma_wait3A_69 = tpu.memref_squeeze %dma_wait3A_68 : memref<1x158x128xi32, #tpu.memory_space<hbm>> -> memref<158x128xi32, #tpu.memory_space<hbm>>
      tpu.wait_dma2 semaphore(%run_scoped3A_53 : memref<!tpu.dma_semaphore, #tpu.memory_space<semaphore_mem>>) src(%dma_wait3A_69 : memref<158x128xi32, #tpu.memory_space<hbm>>) dst(%arg7 : memref<158x128xi32, #tpu.memory_space<vmem>>)
      tpu.yield
    }) : () -> ()
    "tpu.region"() ({
      %run_scoped3A_53 = tpu.sem_alloc : memref<!tpu.dma_semaphore, #tpu.memory_space<semaphore_mem>>
      %dma_start3A_54 = arith.constant 0 : i32
      %dma_start3A_55 = arith.constant 0 : i32
      %dma_start3A_56 = tpu.memref_slice %arg4[%arg1, %dma_start3A_54, %dma_start3A_55] : memref<16x158x128xi32, #tpu.memory_space<hbm>> -> memref<1x158x128xi32, #tpu.memory_space<hbm>>
      %dma_start3A_57 = tpu.memref_squeeze %dma_start3A_56 : memref<1x158x128xi32, #tpu.memory_space<hbm>> -> memref<158x128xi32, #tpu.memory_space<hbm>>
      %dma_start3A_58 = arith.constant 0 : i32
      %dma_start3A_59 = arith.constant 0 : i32
      %dma_start3A_60 = tpu.memref_slice %arg4[%arg1, %dma_start3A_58, %dma_start3A_59] : memref<16x158x128xi32, #tpu.memory_space<hbm>> -> memref<1x158x128xi32, #tpu.memory_space<hbm>>
      %dma_start3A_61 = tpu.memref_squeeze %dma_start3A_60 : memref<1x158x128xi32, #tpu.memory_space<hbm>> -> memref<158x128xi32, #tpu.memory_space<hbm>>
      tpu.enqueue_dma source(%dma_start3A_61 : memref<158x128xi32, #tpu.memory_space<hbm>>) target(%arg8 : memref<158x128xi32, #tpu.memory_space<vmem>>) target_semaphore(%run_scoped3A_53 : memref<!tpu.dma_semaphore, #tpu.memory_space<semaphore_mem>>)
      %dma_wait3A_62 = arith.constant 0 : i32
      %dma_wait3A_63 = arith.constant 0 : i32
      %dma_wait3A_64 = tpu.memref_slice %arg4[%arg1, %dma_wait3A_62, %dma_wait3A_63] : memref<16x158x128xi32, #tpu.memory_space<hbm>> -> memref<1x158x128xi32, #tpu.memory_space<hbm>>
      %dma_wait3A_65 = tpu.memref_squeeze %dma_wait3A_64 : memref<1x158x128xi32, #tpu.memory_space<hbm>> -> memref<158x128xi32, #tpu.memory_space<hbm>>
      %dma_wait3A_66 = arith.constant 0 : i32
      %dma_wait3A_67 = arith.constant 0 : i32
      %dma_wait3A_68 = tpu.memref_slice %arg4[%arg1, %dma_wait3A_66, %dma_wait3A_67] : memref<16x158x128xi32, #tpu.memory_space<hbm>> -> memref<1x158x128xi32, #tpu.memory_space<hbm>>
      %dma_wait3A_69 = tpu.memref_squeeze %dma_wait3A_68 : memref<1x158x128xi32, #tpu.memory_space<hbm>> -> memref<158x128xi32, #tpu.memory_space<hbm>>
      tpu.wait_dma2 semaphore(%run_scoped3A_53 : memref<!tpu.dma_semaphore, #tpu.memory_space<semaphore_mem>>) src(%dma_wait3A_69 : memref<158x128xi32, #tpu.memory_space<hbm>>) dst(%arg8 : memref<158x128xi32, #tpu.memory_space<vmem>>)
      tpu.yield
    }) : () -> ()
    %mul3A = arith.constant 632 : i32
    %mul3A_0 = arith.muli %arg1, %mul3A : i32
    "tpu.region"() ({
      %run_scoped3A_53 = tpu.sem_alloc : memref<!tpu.dma_semaphore, #tpu.memory_space<semaphore_mem>>
      %dma_start3A_54 = arith.constant 0 : i32
      %dma_start3A_55 = tpu.memref_slice %arg13[%mul3A_0, %dma_start3A_54] : memref<10112x64xf32, #tpu.memory_space<vmem_shared>> -> memref<632x64xf32, #tpu.memory_space<vmem_shared>>
      tpu.enqueue_dma source(%arg5 : memref<632x64xf32, #tpu.memory_space<hbm>>) target(%dma_start3A_55 : memref<632x64xf32, #tpu.memory_space<vmem_shared>>) target_semaphore(%run_scoped3A_53 : memref<!tpu.dma_semaphore, #tpu.memory_space<semaphore_mem>>)
      %dma_wait3A_56 = arith.constant 0 : i32
      %dma_wait3A_57 = tpu.memref_slice %arg13[%mul3A_0, %dma_wait3A_56] : memref<10112x64xf32, #tpu.memory_space<vmem_shared>> -> memref<632x64xf32, #tpu.memory_space<vmem_shared>>
      tpu.wait_dma2 semaphore(%run_scoped3A_53 : memref<!tpu.dma_semaphore, #tpu.memory_space<semaphore_mem>>) src(%arg5 : memref<632x64xf32, #tpu.memory_space<hbm>>) dst(%dma_wait3A_57 : memref<632x64xf32, #tpu.memory_space<vmem_shared>>)
      tpu.yield
    }) : () -> ()
    %barrier3A = arith.constant 0 : index
    tpu.barrier barrier_id(%barrier3A)
    %dma_start3A = arith.constant 0 : i32
    %dma_start3A_1 = arith.constant 0 : i32
    %dma_start3A_2 = tpu.memref_slice %arg7[%dma_start3A, %dma_start3A_1] : memref<158x128xi32, #tpu.memory_space<vmem>> -> memref<1x128xi32, #tpu.memory_space<vmem>>
    %dma_start3A_3 = tpu.memref_squeeze %dma_start3A_2 : memref<1x128xi32, #tpu.memory_space<vmem>> -> memref<128xi32, #tpu.memory_space<vmem>>
    %dma_start3A_4 = arith.constant 0 : i32
    %dma_start3A_5 = arith.constant 0 : i32
    %dma_start3A_6 = tpu.memref_slice %arg2[%arg0, %dma_start3A_4, %dma_start3A_5] : memref<2x10000x64xf32, #tpu.memory_space<hbm>> -> memref<1x10000x64xf32, #tpu.memory_space<hbm>>
    %dma_start3A_7 = tpu.memref_squeeze %dma_start3A_6 : memref<1x10000x64xf32, #tpu.memory_space<hbm>> -> memref<10000x64xf32, #tpu.memory_space<hbm>>
    %dma_start3A_8 = arith.constant 0 : i32
    %dma_start3A_9 = arith.constant 0 : i32
    %dma_start3A_10 = tpu.memref_slice %dma_start3A_7[%dma_start3A_8, %dma_start3A_9] : memref<10000x64xf32, #tpu.memory_space<hbm>> -> memref<10000x64xf32, #tpu.memory_space<hbm>>
    tpu.enqueue_indirect_dma source(%dma_start3A_10 : memref<10000x64xf32, #tpu.memory_space<hbm>>) target(%arg9 : memref<128x64xf32, #tpu.memory_space<vmem>>) offsets(%dma_start3A_3 : memref<128xi32, #tpu.memory_space<vmem>>) semaphore(%arg11 : memref<!tpu.dma_semaphore, #tpu.memory_space<semaphore_mem>>)
    %dma_start3A_11 = arith.constant 1 : i32
    %dma_start3A_12 = arith.constant 0 : i32
    %dma_start3A_13 = tpu.memref_slice %arg7[%dma_start3A_11, %dma_start3A_12] : memref<158x128xi32, #tpu.memory_space<vmem>> -> memref<1x128xi32, #tpu.memory_space<vmem>>
    %dma_start3A_14 = tpu.memref_squeeze %dma_start3A_13 : memref<1x128xi32, #tpu.memory_space<vmem>> -> memref<128xi32, #tpu.memory_space<vmem>>
    %dma_start3A_15 = arith.constant 0 : i32
    %dma_start3A_16 = arith.constant 0 : i32
    %dma_start3A_17 = tpu.memref_slice %arg2[%arg0, %dma_start3A_15, %dma_start3A_16] : memref<2x10000x64xf32, #tpu.memory_space<hbm>> -> memref<1x10000x64xf32, #tpu.memory_space<hbm>>
    %dma_start3A_18 = tpu.memref_squeeze %dma_start3A_17 : memref<1x10000x64xf32, #tpu.memory_space<hbm>> -> memref<10000x64xf32, #tpu.memory_space<hbm>>
    %dma_start3A_19 = arith.constant 0 : i32
    %dma_start3A_20 = arith.constant 0 : i32
    %dma_start3A_21 = tpu.memref_slice %dma_start3A_18[%dma_start3A_19, %dma_start3A_20] : memref<10000x64xf32, #tpu.memory_space<hbm>> -> memref<10000x64xf32, #tpu.memory_space<hbm>>
    tpu.enqueue_indirect_dma source(%dma_start3A_21 : memref<10000x64xf32, #tpu.memory_space<hbm>>) target(%arg10 : memref<128x64xf32, #tpu.memory_space<vmem>>) offsets(%dma_start3A_14 : memref<128xi32, #tpu.memory_space<vmem>>) semaphore(%arg12 : memref<!tpu.dma_semaphore, #tpu.memory_space<semaphore_mem>>)
    %scan3A = arith.constant 0 : i32
    %scan3A_22 = arith.constant 78 : i32
    %scan3A_23 = arith.addi %scan3A, %scan3A_22 : i32
    %scan3A_24 = arith.constant 1 : i32
    scf.for %scan3A_53 = %scan3A to %scan3A_23 step %scan3A_24  : i32 {
      %mul3A_54 = arith.constant 2 : i32
      %mul3A_55 = arith.muli %scan3A_53, %mul3A_54 : i32
      %add3A = arith.constant 0 : i32
      %add3A_56 = arith.addi %add3A, %mul3A_55 : i32
      %add3A_57 = arith.constant 0 : i32
      %add3A_58 = arith.addi %add3A_56, %add3A_57 : i32
      %dma_wait3A_59 = arith.constant 0 : i32
      %dma_wait3A_60 = tpu.memref_slice %arg7[%add3A_58, %dma_wait3A_59] : memref<158x128xi32, #tpu.memory_space<vmem>> -> memref<1x128xi32, #tpu.memory_space<vmem>>
      %dma_wait3A_61 = tpu.memref_squeeze %dma_wait3A_60 : memref<1x128xi32, #tpu.memory_space<vmem>> -> memref<128xi32, #tpu.memory_space<vmem>>
      %dma_wait3A_62 = arith.constant 0 : i32
      %dma_wait3A_63 = arith.constant 0 : i32
      %dma_wait3A_64 = tpu.memref_slice %arg2[%arg0, %dma_wait3A_62, %dma_wait3A_63] : memref<2x10000x64xf32, #tpu.memory_space<hbm>> -> memref<1x10000x64xf32, #tpu.memory_space<hbm>>
      %dma_wait3A_65 = tpu.memref_squeeze %dma_wait3A_64 : memref<1x10000x64xf32, #tpu.memory_space<hbm>> -> memref<10000x64xf32, #tpu.memory_space<hbm>>
      %dma_wait3A_66 = arith.constant 0 : i32
      %dma_wait3A_67 = arith.constant 0 : i32
      %dma_wait3A_68 = tpu.memref_slice %dma_wait3A_65[%dma_wait3A_66, %dma_wait3A_67] : memref<10000x64xf32, #tpu.memory_space<hbm>> -> memref<10000x64xf32, #tpu.memory_space<hbm>>
      tpu.wait_indirect_dma semaphore(%arg11 : memref<!tpu.dma_semaphore, #tpu.memory_space<semaphore_mem>>) src(%dma_wait3A_68 : memref<10000x64xf32, #tpu.memory_space<hbm>>) dst(%arg9 : memref<128x64xf32, #tpu.memory_space<vmem>>)
      "tpu.region"() ({
        %run_scoped3A_105 = tpu.sem_alloc : memref<!tpu.dma_semaphore, #tpu.memory_space<semaphore_mem>>
        %dma_start3A_106 = arith.constant 0 : i32
        %dma_start3A_107 = tpu.memref_slice %arg8[%add3A_58, %dma_start3A_106] : memref<158x128xi32, #tpu.memory_space<vmem>> -> memref<1x128xi32, #tpu.memory_space<vmem>>
        %dma_start3A_108 = tpu.memref_squeeze %dma_start3A_107 : memref<1x128xi32, #tpu.memory_space<vmem>> -> memref<128xi32, #tpu.memory_space<vmem>>
        %dma_start3A_109 = arith.constant 0 : i32
        %dma_start3A_110 = arith.constant 0 : i32
        %dma_start3A_111 = tpu.memref_slice %arg13[%dma_start3A_109, %dma_start3A_110] : memref<10112x64xf32, #tpu.memory_space<vmem_shared>> -> memref<10112x64xf32, #tpu.memory_space<vmem_shared>>
        tpu.enqueue_indirect_dma source(%arg9 : memref<128x64xf32, #tpu.memory_space<vmem>>) target(%dma_start3A_111 : memref<10112x64xf32, #tpu.memory_space<vmem_shared>>) offsets(%dma_start3A_108 : memref<128xi32, #tpu.memory_space<vmem>>) semaphore(%run_scoped3A_105 : memref<!tpu.dma_semaphore, #tpu.memory_space<semaphore_mem>>) {add = true}
        %dma_wait3A_112 = arith.constant 0 : i32
        %dma_wait3A_113 = tpu.memref_slice %arg8[%add3A_58, %dma_wait3A_112] : memref<158x128xi32, #tpu.memory_space<vmem>> -> memref<1x128xi32, #tpu.memory_space<vmem>>
        %dma_wait3A_114 = tpu.memref_squeeze %dma_wait3A_113 : memref<1x128xi32, #tpu.memory_space<vmem>> -> memref<128xi32, #tpu.memory_space<vmem>>
        %dma_wait3A_115 = arith.constant 0 : i32
        %dma_wait3A_116 = arith.constant 0 : i32
        %dma_wait3A_117 = tpu.memref_slice %arg13[%dma_wait3A_115, %dma_wait3A_116] : memref<10112x64xf32, #tpu.memory_space<vmem_shared>> -> memref<10112x64xf32, #tpu.memory_space<vmem_shared>>
        tpu.wait_indirect_dma semaphore(%run_scoped3A_105 : memref<!tpu.dma_semaphore, #tpu.memory_space<semaphore_mem>>) src(%arg9 : memref<128x64xf32, #tpu.memory_space<vmem>>) dst(%dma_wait3A_117 : memref<10112x64xf32, #tpu.memory_space<vmem_shared>>)
        tpu.yield
      }) : () -> ()
      %add3A_69 = arith.constant 2 : i32
      %add3A_70 = arith.addi %add3A_58, %add3A_69 : i32
      %dma_start3A_71 = arith.constant 0 : i32
      %dma_start3A_72 = tpu.memref_slice %arg7[%add3A_70, %dma_start3A_71] : memref<158x128xi32, #tpu.memory_space<vmem>> -> memref<1x128xi32, #tpu.memory_space<vmem>>
      %dma_start3A_73 = tpu.memref_squeeze %dma_start3A_72 : memref<1x128xi32, #tpu.memory_space<vmem>> -> memref<128xi32, #tpu.memory_space<vmem>>
      %dma_start3A_74 = arith.constant 0 : i32
      %dma_start3A_75 = arith.constant 0 : i32
      %dma_start3A_76 = tpu.memref_slice %arg2[%arg0, %dma_start3A_74, %dma_start3A_75] : memref<2x10000x64xf32, #tpu.memory_space<hbm>> -> memref<1x10000x64xf32, #tpu.memory_space<hbm>>
      %dma_start3A_77 = tpu.memref_squeeze %dma_start3A_76 : memref<1x10000x64xf32, #tpu.memory_space<hbm>> -> memref<10000x64xf32, #tpu.memory_space<hbm>>
      %dma_start3A_78 = arith.constant 0 : i32
      %dma_start3A_79 = arith.constant 0 : i32
      %dma_start3A_80 = tpu.memref_slice %dma_start3A_77[%dma_start3A_78, %dma_start3A_79] : memref<10000x64xf32, #tpu.memory_space<hbm>> -> memref<10000x64xf32, #tpu.memory_space<hbm>>
      tpu.enqueue_indirect_dma source(%dma_start3A_80 : memref<10000x64xf32, #tpu.memory_space<hbm>>) target(%arg9 : memref<128x64xf32, #tpu.memory_space<vmem>>) offsets(%dma_start3A_73 : memref<128xi32, #tpu.memory_space<vmem>>) semaphore(%arg11 : memref<!tpu.dma_semaphore, #tpu.memory_space<semaphore_mem>>)
      %add3A_81 = arith.constant 1 : i32
      %add3A_82 = arith.addi %add3A_56, %add3A_81 : i32
      %dma_wait3A_83 = arith.constant 0 : i32
      %dma_wait3A_84 = tpu.memref_slice %arg7[%add3A_82, %dma_wait3A_83] : memref<158x128xi32, #tpu.memory_space<vmem>> -> memref<1x128xi32, #tpu.memory_space<vmem>>
      %dma_wait3A_85 = tpu.memref_squeeze %dma_wait3A_84 : memref<1x128xi32, #tpu.memory_space<vmem>> -> memref<128xi32, #tpu.memory_space<vmem>>
      %dma_wait3A_86 = arith.constant 0 : i32
      %dma_wait3A_87 = arith.constant 0 : i32
      %dma_wait3A_88 = tpu.memref_slice %arg2[%arg0, %dma_wait3A_86, %dma_wait3A_87] : memref<2x10000x64xf32, #tpu.memory_space<hbm>> -> memref<1x10000x64xf32, #tpu.memory_space<hbm>>
      %dma_wait3A_89 = tpu.memref_squeeze %dma_wait3A_88 : memref<1x10000x64xf32, #tpu.memory_space<hbm>> -> memref<10000x64xf32, #tpu.memory_space<hbm>>
      %dma_wait3A_90 = arith.constant 0 : i32
      %dma_wait3A_91 = arith.constant 0 : i32
      %dma_wait3A_92 = tpu.memref_slice %dma_wait3A_89[%dma_wait3A_90, %dma_wait3A_91] : memref<10000x64xf32, #tpu.memory_space<hbm>> -> memref<10000x64xf32, #tpu.memory_space<hbm>>
      tpu.wait_indirect_dma semaphore(%arg12 : memref<!tpu.dma_semaphore, #tpu.memory_space<semaphore_mem>>) src(%dma_wait3A_92 : memref<10000x64xf32, #tpu.memory_space<hbm>>) dst(%arg10 : memref<128x64xf32, #tpu.memory_space<vmem>>)
      "tpu.region"() ({
        %run_scoped3A_105 = tpu.sem_alloc : memref<!tpu.dma_semaphore, #tpu.memory_space<semaphore_mem>>
        %dma_start3A_106 = arith.constant 0 : i32
        %dma_start3A_107 = tpu.memref_slice %arg8[%add3A_82, %dma_start3A_106] : memref<158x128xi32, #tpu.memory_space<vmem>> -> memref<1x128xi32, #tpu.memory_space<vmem>>
        %dma_start3A_108 = tpu.memref_squeeze %dma_start3A_107 : memref<1x128xi32, #tpu.memory_space<vmem>> -> memref<128xi32, #tpu.memory_space<vmem>>
        %dma_start3A_109 = arith.constant 0 : i32
        %dma_start3A_110 = arith.constant 0 : i32
        %dma_start3A_111 = tpu.memref_slice %arg13[%dma_start3A_109, %dma_start3A_110] : memref<10112x64xf32, #tpu.memory_space<vmem_shared>> -> memref<10112x64xf32, #tpu.memory_space<vmem_shared>>
        tpu.enqueue_indirect_dma source(%arg10 : memref<128x64xf32, #tpu.memory_space<vmem>>) target(%dma_start3A_111 : memref<10112x64xf32, #tpu.memory_space<vmem_shared>>) offsets(%dma_start3A_108 : memref<128xi32, #tpu.memory_space<vmem>>) semaphore(%run_scoped3A_105 : memref<!tpu.dma_semaphore, #tpu.memory_space<semaphore_mem>>) {add = true}
        %dma_wait3A_112 = arith.constant 0 : i32
        %dma_wait3A_113 = tpu.memref_slice %arg8[%add3A_82, %dma_wait3A_112] : memref<158x128xi32, #tpu.memory_space<vmem>> -> memref<1x128xi32, #tpu.memory_space<vmem>>
        %dma_wait3A_114 = tpu.memref_squeeze %dma_wait3A_113 : memref<1x128xi32, #tpu.memory_space<vmem>> -> memref<128xi32, #tpu.memory_space<vmem>>
        %dma_wait3A_115 = arith.constant 0 : i32
        %dma_wait3A_116 = arith.constant 0 : i32
        %dma_wait3A_117 = tpu.memref_slice %arg13[%dma_wait3A_115, %dma_wait3A_116] : memref<10112x64xf32, #tpu.memory_space<vmem_shared>> -> memref<10112x64xf32, #tpu.memory_space<vmem_shared>>
        tpu.wait_indirect_dma semaphore(%run_scoped3A_105 : memref<!tpu.dma_semaphore, #tpu.memory_space<semaphore_mem>>) src(%arg10 : memref<128x64xf32, #tpu.memory_space<vmem>>) dst(%dma_wait3A_117 : memref<10112x64xf32, #tpu.memory_space<vmem_shared>>)
        tpu.yield
      }) : () -> ()
      %add3A_93 = arith.constant 2 : i32
      %add3A_94 = arith.addi %add3A_82, %add3A_93 : i32
      %dma_start3A_95 = arith.constant 0 : i32
      %dma_start3A_96 = tpu.memref_slice %arg7[%add3A_94, %dma_start3A_95] : memref<158x128xi32, #tpu.memory_space<vmem>> -> memref<1x128xi32, #tpu.memory_space<vmem>>
      %dma_start3A_97 = tpu.memref_squeeze %dma_start3A_96 : memref<1x128xi32, #tpu.memory_space<vmem>> -> memref<128xi32, #tpu.memory_space<vmem>>
      %dma_start3A_98 = arith.constant 0 : i32
      %dma_start3A_99 = arith.constant 0 : i32
      %dma_start3A_100 = tpu.memref_slice %arg2[%arg0, %dma_start3A_98, %dma_start3A_99] : memref<2x10000x64xf32, #tpu.memory_space<hbm>> -> memref<1x10000x64xf32, #tpu.memory_space<hbm>>
      %dma_start3A_101 = tpu.memref_squeeze %dma_start3A_100 : memref<1x10000x64xf32, #tpu.memory_space<hbm>> -> memref<10000x64xf32, #tpu.memory_space<hbm>>
      %dma_start3A_102 = arith.constant 0 : i32
      %dma_start3A_103 = arith.constant 0 : i32
      %dma_start3A_104 = tpu.memref_slice %dma_start3A_101[%dma_start3A_102, %dma_start3A_103] : memref<10000x64xf32, #tpu.memory_space<hbm>> -> memref<10000x64xf32, #tpu.memory_space<hbm>>
      tpu.enqueue_indirect_dma source(%dma_start3A_104 : memref<10000x64xf32, #tpu.memory_space<hbm>>) target(%arg10 : memref<128x64xf32, #tpu.memory_space<vmem>>) offsets(%dma_start3A_97 : memref<128xi32, #tpu.memory_space<vmem>>) semaphore(%arg12 : memref<!tpu.dma_semaphore, #tpu.memory_space<semaphore_mem>>)
    }
    %scan3A_25 = arith.constant 78 : i32
    %dma_wait3A = arith.constant 156 : i32
    %dma_wait3A_26 = arith.constant 0 : i32
    %dma_wait3A_27 = tpu.memref_slice %arg7[%dma_wait3A, %dma_wait3A_26] : memref<158x128xi32, #tpu.memory_space<vmem>> -> memref<1x128xi32, #tpu.memory_space<vmem>>
    %dma_wait3A_28 = tpu.memref_squeeze %dma_wait3A_27 : memref<1x128xi32, #tpu.memory_space<vmem>> -> memref<128xi32, #tpu.memory_space<vmem>>
    %dma_wait3A_29 = arith.constant 0 : i32
    %dma_wait3A_30 = arith.constant 0 : i32
    %dma_wait3A_31 = tpu.memref_slice %arg2[%arg0, %dma_wait3A_29, %dma_wait3A_30] : memref<2x10000x64xf32, #tpu.memory_space<hbm>> -> memref<1x10000x64xf32, #tpu.memory_space<hbm>>
    %dma_wait3A_32 = tpu.memref_squeeze %dma_wait3A_31 : memref<1x10000x64xf32, #tpu.memory_space<hbm>> -> memref<10000x64xf32, #tpu.memory_space<hbm>>
    %dma_wait3A_33 = arith.constant 0 : i32
    %dma_wait3A_34 = arith.constant 0 : i32
    %dma_wait3A_35 = tpu.memref_slice %dma_wait3A_32[%dma_wait3A_33, %dma_wait3A_34] : memref<10000x64xf32, #tpu.memory_space<hbm>> -> memref<10000x64xf32, #tpu.memory_space<hbm>>
    tpu.wait_indirect_dma semaphore(%arg11 : memref<!tpu.dma_semaphore, #tpu.memory_space<semaphore_mem>>) src(%dma_wait3A_35 : memref<10000x64xf32, #tpu.memory_space<hbm>>) dst(%arg9 : memref<128x64xf32, #tpu.memory_space<vmem>>)
    %run_scoped3A = arith.constant 156 : i32
    "tpu.region"() ({
      %run_scoped3A_53 = tpu.sem_alloc : memref<!tpu.dma_semaphore, #tpu.memory_space<semaphore_mem>>
      %dma_start3A_54 = arith.constant 0 : i32
      %dma_start3A_55 = tpu.memref_slice %arg8[%run_scoped3A, %dma_start3A_54] : memref<158x128xi32, #tpu.memory_space<vmem>> -> memref<1x128xi32, #tpu.memory_space<vmem>>
      %dma_start3A_56 = tpu.memref_squeeze %dma_start3A_55 : memref<1x128xi32, #tpu.memory_space<vmem>> -> memref<128xi32, #tpu.memory_space<vmem>>
      %dma_start3A_57 = arith.constant 0 : i32
      %dma_start3A_58 = arith.constant 0 : i32
      %dma_start3A_59 = tpu.memref_slice %arg13[%dma_start3A_57, %dma_start3A_58] : memref<10112x64xf32, #tpu.memory_space<vmem_shared>> -> memref<10112x64xf32, #tpu.memory_space<vmem_shared>>
      tpu.enqueue_indirect_dma source(%arg9 : memref<128x64xf32, #tpu.memory_space<vmem>>) target(%dma_start3A_59 : memref<10112x64xf32, #tpu.memory_space<vmem_shared>>) offsets(%dma_start3A_56 : memref<128xi32, #tpu.memory_space<vmem>>) semaphore(%run_scoped3A_53 : memref<!tpu.dma_semaphore, #tpu.memory_space<semaphore_mem>>) {add = true}
      %dma_wait3A_60 = arith.constant 0 : i32
      %dma_wait3A_61 = tpu.memref_slice %arg8[%run_scoped3A, %dma_wait3A_60] : memref<158x128xi32, #tpu.memory_space<vmem>> -> memref<1x128xi32, #tpu.memory_space<vmem>>
      %dma_wait3A_62 = tpu.memref_squeeze %dma_wait3A_61 : memref<1x128xi32, #tpu.memory_space<vmem>> -> memref<128xi32, #tpu.memory_space<vmem>>
      %dma_wait3A_63 = arith.constant 0 : i32
      %dma_wait3A_64 = arith.constant 0 : i32
      %dma_wait3A_65 = tpu.memref_slice %arg13[%dma_wait3A_63, %dma_wait3A_64] : memref<10112x64xf32, #tpu.memory_space<vmem_shared>> -> memref<10112x64xf32, #tpu.memory_space<vmem_shared>>
      tpu.wait_indirect_dma semaphore(%run_scoped3A_53 : memref<!tpu.dma_semaphore, #tpu.memory_space<semaphore_mem>>) src(%arg9 : memref<128x64xf32, #tpu.memory_space<vmem>>) dst(%dma_wait3A_65 : memref<10112x64xf32, #tpu.memory_space<vmem_shared>>)
      tpu.yield
    }) : () -> ()
    %dma_wait3A_36 = arith.constant 157 : i32
    %dma_wait3A_37 = arith.constant 0 : i32
    %dma_wait3A_38 = tpu.memref_slice %arg7[%dma_wait3A_36, %dma_wait3A_37] : memref<158x128xi32, #tpu.memory_space<vmem>> -> memref<1x128xi32, #tpu.memory_space<vmem>>
    %dma_wait3A_39 = tpu.memref_squeeze %dma_wait3A_38 : memref<1x128xi32, #tpu.memory_space<vmem>> -> memref<128xi32, #tpu.memory_space<vmem>>
    %dma_wait3A_40 = arith.constant 0 : i32
    %dma_wait3A_41 = arith.constant 0 : i32
    %dma_wait3A_42 = tpu.memref_slice %arg2[%arg0, %dma_wait3A_40, %dma_wait3A_41] : memref<2x10000x64xf32, #tpu.memory_space<hbm>> -> memref<1x10000x64xf32, #tpu.memory_space<hbm>>
    %dma_wait3A_43 = tpu.memref_squeeze %dma_wait3A_42 : memref<1x10000x64xf32, #tpu.memory_space<hbm>> -> memref<10000x64xf32, #tpu.memory_space<hbm>>
    %dma_wait3A_44 = arith.constant 0 : i32
    %dma_wait3A_45 = arith.constant 0 : i32
    %dma_wait3A_46 = tpu.memref_slice %dma_wait3A_43[%dma_wait3A_44, %dma_wait3A_45] : memref<10000x64xf32, #tpu.memory_space<hbm>> -> memref<10000x64xf32, #tpu.memory_space<hbm>>
    tpu.wait_indirect_dma semaphore(%arg12 : memref<!tpu.dma_semaphore, #tpu.memory_space<semaphore_mem>>) src(%dma_wait3A_46 : memref<10000x64xf32, #tpu.memory_space<hbm>>) dst(%arg10 : memref<128x64xf32, #tpu.memory_space<vmem>>)
    %run_scoped3A_47 = arith.constant 157 : i32
    "tpu.region"() ({
      %run_scoped3A_53 = tpu.sem_alloc : memref<!tpu.dma_semaphore, #tpu.memory_space<semaphore_mem>>
      %dma_start3A_54 = arith.constant 0 : i32
      %dma_start3A_55 = tpu.memref_slice %arg8[%run_scoped3A_47, %dma_start3A_54] : memref<158x128xi32, #tpu.memory_space<vmem>> -> memref<1x128xi32, #tpu.memory_space<vmem>>
      %dma_start3A_56 = tpu.memref_squeeze %dma_start3A_55 : memref<1x128xi32, #tpu.memory_space<vmem>> -> memref<128xi32, #tpu.memory_space<vmem>>
      %dma_start3A_57 = arith.constant 0 : i32
      %dma_start3A_58 = arith.constant 0 : i32
      %dma_start3A_59 = tpu.memref_slice %arg13[%dma_start3A_57, %dma_start3A_58] : memref<10112x64xf32, #tpu.memory_space<vmem_shared>> -> memref<10112x64xf32, #tpu.memory_space<vmem_shared>>
      tpu.enqueue_indirect_dma source(%arg10 : memref<128x64xf32, #tpu.memory_space<vmem>>) target(%dma_start3A_59 : memref<10112x64xf32, #tpu.memory_space<vmem_shared>>) offsets(%dma_start3A_56 : memref<128xi32, #tpu.memory_space<vmem>>) semaphore(%run_scoped3A_53 : memref<!tpu.dma_semaphore, #tpu.memory_space<semaphore_mem>>) {add = true}
      %dma_wait3A_60 = arith.constant 0 : i32
      %dma_wait3A_61 = tpu.memref_slice %arg8[%run_scoped3A_47, %dma_wait3A_60] : memref<158x128xi32, #tpu.memory_space<vmem>> -> memref<1x128xi32, #tpu.memory_space<vmem>>
      %dma_wait3A_62 = tpu.memref_squeeze %dma_wait3A_61 : memref<1x128xi32, #tpu.memory_space<vmem>> -> memref<128xi32, #tpu.memory_space<vmem>>
      %dma_wait3A_63 = arith.constant 0 : i32
      %dma_wait3A_64 = arith.constant 0 : i32
      %dma_wait3A_65 = tpu.memref_slice %arg13[%dma_wait3A_63, %dma_wait3A_64] : memref<10112x64xf32, #tpu.memory_space<vmem_shared>> -> memref<10112x64xf32, #tpu.memory_space<vmem_shared>>
      tpu.wait_indirect_dma semaphore(%run_scoped3A_53 : memref<!tpu.dma_semaphore, #tpu.memory_space<semaphore_mem>>) src(%arg10 : memref<128x64xf32, #tpu.memory_space<vmem>>) dst(%dma_wait3A_65 : memref<10112x64xf32, #tpu.memory_space<vmem_shared>>)
      tpu.yield
    }) : () -> ()
    %barrier3A_48 = arith.constant 0 : index
    tpu.barrier barrier_id(%barrier3A_48)
    %mul3A_49 = arith.constant 632 : i32
    %mul3A_50 = arith.muli %arg1, %mul3A_49 : i32
    %mul3A_51 = arith.constant 632 : i32
    %mul3A_52 = arith.muli %arg1, %mul3A_51 : i32
    "tpu.region"() ({
      %run_scoped3A_53 = tpu.sem_alloc : memref<!tpu.dma_semaphore, #tpu.memory_space<semaphore_mem>>
      %dma_start3A_54 = arith.constant 0 : i32
      %dma_start3A_55 = tpu.memref_slice %arg6[%arg0, %mul3A_52, %dma_start3A_54] : memref<2x10112x64xf32, #tpu.memory_space<hbm>> -> memref<1x632x64xf32, #tpu.memory_space<hbm>>
      %dma_start3A_56 = tpu.memref_squeeze %dma_start3A_55 : memref<1x632x64xf32, #tpu.memory_space<hbm>> -> memref<632x64xf32, #tpu.memory_space<hbm>>
      %dma_start3A_57 = arith.constant 0 : i32
      %dma_start3A_58 = tpu.memref_slice %arg13[%mul3A_50, %dma_start3A_57] : memref<10112x64xf32, #tpu.memory_space<vmem_shared>> -> memref<632x64xf32, #tpu.memory_space<vmem_shared>>
      tpu.enqueue_dma source(%dma_start3A_58 : memref<632x64xf32, #tpu.memory_space<vmem_shared>>) target(%dma_start3A_56 : memref<632x64xf32, #tpu.memory_space<hbm>>) target_semaphore(%run_scoped3A_53 : memref<!tpu.dma_semaphore, #tpu.memory_space<semaphore_mem>>)
      %dma_wait3A_59 = arith.constant 0 : i32
      %dma_wait3A_60 = tpu.memref_slice %arg6[%arg0, %mul3A_52, %dma_wait3A_59] : memref<2x10112x64xf32, #tpu.memory_space<hbm>> -> memref<1x632x64xf32, #tpu.memory_space<hbm>>
      %dma_wait3A_61 = tpu.memref_squeeze %dma_wait3A_60 : memref<1x632x64xf32, #tpu.memory_space<hbm>> -> memref<632x64xf32, #tpu.memory_space<hbm>>
      %dma_wait3A_62 = arith.constant 0 : i32
      %dma_wait3A_63 = tpu.memref_slice %arg13[%mul3A_50, %dma_wait3A_62] : memref<10112x64xf32, #tpu.memory_space<vmem_shared>> -> memref<632x64xf32, #tpu.memory_space<vmem_shared>>
      tpu.wait_dma2 semaphore(%run_scoped3A_53 : memref<!tpu.dma_semaphore, #tpu.memory_space<semaphore_mem>>) src(%dma_wait3A_63 : memref<632x64xf32, #tpu.memory_space<vmem_shared>>) dst(%dma_wait3A_61 : memref<632x64xf32, #tpu.memory_space<hbm>>)
      tpu.yield
    }) : () -> ()
    return
  }
}

module attributes {stable_mosaic.version = 14 : i64} {
  func.func @body(%arg0: i32, %arg1: memref<2000x128xf32, #tpu.memory_space<vmem>>, %arg2: memref<128x128xf32, #tpu.memory_space<vmem>>, %arg3: memref<2x2000x16xf32, #tpu.memory_space<vmem>>, %arg4: memref<2x2000x64xf32, #tpu.memory_space<vmem>>, %arg5: memref<2000x16xf32, #tpu.memory_space<vmem>>) attributes {dimension_semantics = [#tpu.dimension_semantics<arbitrary>], iteration_bounds = array<i64: 5>, scalar_prefetch = 0 : i64, scratch_operands = 0 : i64, tpu.core_type = #tpu.core_type<tc>, window_params = [{transform_indices = @transform_0, window_bounds = array<i64: 2000, 128>}, {pipeline_mode = #tpu.pipeline_mode<synchronous>, transform_indices = @transform_1, window_bounds = array<i64: 128, 128>}, {transform_indices = @transform_2, window_bounds = array<i64: 2, 2000, 16>}, {transform_indices = @transform_3, window_bounds = array<i64: 2, 2000, 64>}, {transform_indices = @transform_4, window_bounds = array<i64: 2000, 16>}]} {
    %get3A = arith.constant 0 : index
    %get3A_0 = arith.constant 0 : index
    %get3A_1 = arith.constant 0 : index
    %get3A_2 = vector.load %arg3[%get3A, %get3A_0, %get3A_1] : memref<2x2000x16xf32, #tpu.memory_space<vmem>>, vector<1x2000x16xf32>
    %get3A_3 = vector.shape_cast %get3A_2 : vector<1x2000x16xf32> to vector<2000x16xf32>
    %get3A_4 = arith.constant 1 : index
    %get3A_5 = arith.constant 0 : index
    %get3A_6 = arith.constant 0 : index
    %get3A_7 = vector.load %arg3[%get3A_4, %get3A_5, %get3A_6] : memref<2x2000x16xf32, #tpu.memory_space<vmem>>, vector<1x2000x16xf32>
    %get3A_8 = vector.shape_cast %get3A_7 : vector<1x2000x16xf32> to vector<2000x16xf32>
    %add3A = arith.addf %get3A_3, %get3A_8 : vector<2000x16xf32>
    %add3A_9 = arith.constant 1.000000e+00 : f32
    %add3A_10 = vector.broadcast %add3A_9 : f32 to vector<2000x16xf32>
    %add3A_11 = arith.addf %add3A, %add3A_10 : vector<2000x16xf32>
    %rsqrt3A = math.rsqrt %add3A_11 : vector<2000x16xf32>
    %swap3A = arith.constant 0 : index
    %swap3A_12 = arith.constant 0 : index
    %swap3A_13 = vector.load %arg5[%swap3A, %swap3A_12] : memref<2000x16xf32, #tpu.memory_space<vmem>>, vector<2000x16xf32>
    tpu.vector_store %arg5[%swap3A, %swap3A_12], %rsqrt3A {strides = array<i32>} : memref<2000x16xf32, #tpu.memory_space<vmem>>, vector<2000x16xf32>,
    %get3A_14 = arith.constant 0 : index
    %get3A_15 = arith.constant 0 : index
    %get3A_16 = vector.load %arg1[%get3A_14, %get3A_15] : memref<2000x128xf32, #tpu.memory_space<vmem>>, vector<2000x128xf32>
    %get3A_17 = arith.constant 0 : index
    %get3A_18 = arith.constant 0 : index
    %get3A_19 = vector.load %arg2[%get3A_17, %get3A_18] : memref<128x128xf32, #tpu.memory_space<vmem>>, vector<128x128xf32>
    %dot_general3A = arith.constant dense<0.000000e+00> : vector<2000x128xf32>
    %dot_general3A_20 = tpu.matmul %get3A_16, %get3A_19, %dot_general3A {dimension_numbers = #tpu.dot_dimension_numbers<[1], [0], [0], [1], [0, 0, 1, 1], [], []>, transpose_lhs_hint = false} : vector<2000x128xf32>, vector<128x128xf32>, vector<2000x128xf32> -> vector<2000x128xf32>
    %slice3A = vector.extract_strided_slice %rsqrt3A {offsets = [0, 0], sizes = [2000, 1], strides = [1, 1]} : vector<2000x16xf32> to vector<2000x1xf32>
    %mul3A = vector.broadcast %slice3A : vector<2000x1xf32> to vector<2000x128xf32>
    %mul3A_21 = arith.mulf %dot_general3A_20, %mul3A : vector<2000x128xf32>
    %slice3A_22 = vector.extract_strided_slice %mul3A_21 {offsets = [0, 0], sizes = [2000, 64], strides = [1, 1]} : vector<2000x128xf32> to vector<2000x64xf32>
    %swap3A_23 = arith.constant 0 : index
    %swap3A_24 = arith.constant 0 : index
    %swap3A_25 = arith.constant 0 : index
    %swap3A_26 = vector.load %arg4[%swap3A_23, %swap3A_24, %swap3A_25] : memref<2x2000x64xf32, #tpu.memory_space<vmem>>, vector<1x2000x64xf32>
    %swap3A_27 = vector.shape_cast %swap3A_26 : vector<1x2000x64xf32> to vector<2000x64xf32>
    %swap3A_28 = vector.shape_cast %slice3A_22 : vector<2000x64xf32> to vector<1x2000x64xf32>
    tpu.vector_store %arg4[%swap3A_23, %swap3A_24, %swap3A_25], %swap3A_28 {strides = array<i32>} : memref<2x2000x64xf32, #tpu.memory_space<vmem>>, vector<1x2000x64xf32>,
    %slice3A_29 = vector.extract_strided_slice %mul3A_21 {offsets = [0, 64], sizes = [2000, 64], strides = [1, 1]} : vector<2000x128xf32> to vector<2000x64xf32>
    %swap3A_30 = arith.constant 1 : index
    %swap3A_31 = arith.constant 0 : index
    %swap3A_32 = arith.constant 0 : index
    %swap3A_33 = vector.load %arg4[%swap3A_30, %swap3A_31, %swap3A_32] : memref<2x2000x64xf32, #tpu.memory_space<vmem>>, vector<1x2000x64xf32>
    %swap3A_34 = vector.shape_cast %swap3A_33 : vector<1x2000x64xf32> to vector<2000x64xf32>
    %swap3A_35 = vector.shape_cast %slice3A_29 : vector<2000x64xf32> to vector<1x2000x64xf32>
    tpu.vector_store %arg4[%swap3A_30, %swap3A_31, %swap3A_32], %swap3A_35 {strides = array<i32>} : memref<2x2000x64xf32, #tpu.memory_space<vmem>>, vector<1x2000x64xf32>,
    return
  }
  func.func @transform_0(%arg0: i32) -> (i32, i32) {
    %c0_i32 = arith.constant 0 : i32
    %c0_i32_0 = arith.constant 0 : i32
    return %arg0, %c0_i32 : i32, i32
  }
  func.func @transform_1(%arg0: i32) -> (i32, i32) {
    %c0_i32 = arith.constant 0 : i32
    %c0_i32_0 = arith.constant 0 : i32
    %c0_i32_1 = arith.constant 0 : i32
    return %c0_i32, %c0_i32_0 : i32, i32
  }
  func.func @transform_2(%arg0: i32) -> (i32, i32, i32) {
    %c0_i32 = arith.constant 0 : i32
    %c0_i32_0 = arith.constant 0 : i32
    %c0_i32_1 = arith.constant 0 : i32
    return %c0_i32, %arg0, %c0_i32_0 : i32, i32, i32
  }
  func.func @transform_3(%arg0: i32) -> (i32, i32, i32) {
    %c0_i32 = arith.constant 0 : i32
    %c0_i32_0 = arith.constant 0 : i32
    %c0_i32_1 = arith.constant 0 : i32
    return %c0_i32, %arg0, %c0_i32_0 : i32, i32, i32
  }
  func.func @transform_4(%arg0: i32) -> (i32, i32) {
    %c0_i32 = arith.constant 0 : i32
    %c0_i32_0 = arith.constant 0 : i32
    return %arg0, %c0_i32 : i32, i32
  }
}

module attributes {stable_mosaic.version = 14 : i64} {
  func.func @body(%arg0: i32, %arg1: memref<2x2000x64xf32, #tpu.memory_space<vmem>>, %arg2: memref<2x2000x64xf32, #tpu.memory_space<vmem>>, %arg3: memref<2000x16xf32, #tpu.memory_space<vmem>>, %arg4: memref<1x128xf32, #tpu.memory_space<vmem>>, %arg5: memref<2000x128xf32, #tpu.memory_space<vmem>>, %arg6: memref<128x128xf32, #tpu.memory_space<vmem>>, %arg7: memref<2000x128xf32, #tpu.memory_space<vmem>>, %arg8: memref<2x2000x64xf32, #tpu.memory_space<vmem>>) attributes {dimension_semantics = [#tpu.dimension_semantics<arbitrary>], iteration_bounds = array<i64: 5>, scalar_prefetch = 0 : i64, scratch_operands = 0 : i64, tpu.core_type = #tpu.core_type<tc>, window_params = [{transform_indices = @transform_0, window_bounds = array<i64: 2, 2000, 64>}, {transform_indices = @transform_1, window_bounds = array<i64: 2, 2000, 64>}, {transform_indices = @transform_2, window_bounds = array<i64: 2000, 16>}, {pipeline_mode = #tpu.pipeline_mode<synchronous>, transform_indices = @transform_3, window_bounds = array<i64: 1, 128>}, {transform_indices = @transform_4, window_bounds = array<i64: 2000, 128>}, {pipeline_mode = #tpu.pipeline_mode<synchronous>, transform_indices = @transform_5, window_bounds = array<i64: 128, 128>}, {transform_indices = @transform_6, window_bounds = array<i64: 2000, 128>}, {transform_indices = @transform_7, window_bounds = array<i64: 2, 2000, 64>}]} {
    %get3A = arith.constant 0 : index
    %get3A_0 = arith.constant 0 : index
    %get3A_1 = vector.load %arg3[%get3A, %get3A_0] : memref<2000x16xf32, #tpu.memory_space<vmem>>, vector<2000x16xf32>
    %slice3A = vector.extract_strided_slice %get3A_1 {offsets = [0, 0], sizes = [2000, 1], strides = [1, 1]} : vector<2000x16xf32> to vector<2000x1xf32>
    %get3A_2 = arith.constant 0 : index
    %get3A_3 = arith.constant 0 : index
    %get3A_4 = arith.constant 0 : index
    %get3A_5 = vector.load %arg1[%get3A_2, %get3A_3, %get3A_4] : memref<2x2000x64xf32, #tpu.memory_space<vmem>>, vector<1x2000x64xf32>
    %get3A_6 = vector.shape_cast %get3A_5 : vector<1x2000x64xf32> to vector<2000x64xf32>
    %get3A_7 = arith.constant 0 : index
    %get3A_8 = arith.constant 0 : index
    %get3A_9 = arith.constant 0 : index
    %get3A_10 = vector.load %arg2[%get3A_7, %get3A_8, %get3A_9] : memref<2x2000x64xf32, #tpu.memory_space<vmem>>, vector<1x2000x64xf32>
    %get3A_11 = vector.shape_cast %get3A_10 : vector<1x2000x64xf32> to vector<2000x64xf32>
    %add3A = arith.addf %get3A_6, %get3A_11 : vector<2000x64xf32>
    %get3A_12 = arith.constant 1 : index
    %get3A_13 = arith.constant 0 : index
    %get3A_14 = arith.constant 0 : index
    %get3A_15 = vector.load %arg1[%get3A_12, %get3A_13, %get3A_14] : memref<2x2000x64xf32, #tpu.memory_space<vmem>>, vector<1x2000x64xf32>
    %get3A_16 = vector.shape_cast %get3A_15 : vector<1x2000x64xf32> to vector<2000x64xf32>
    %get3A_17 = arith.constant 1 : index
    %get3A_18 = arith.constant 0 : index
    %get3A_19 = arith.constant 0 : index
    %get3A_20 = vector.load %arg2[%get3A_17, %get3A_18, %get3A_19] : memref<2x2000x64xf32, #tpu.memory_space<vmem>>, vector<1x2000x64xf32>
    %get3A_21 = vector.shape_cast %get3A_20 : vector<1x2000x64xf32> to vector<2000x64xf32>
    %add3A_22 = arith.addf %get3A_16, %get3A_21 : vector<2000x64xf32>
    %concatenate3A = tpu.concatenate %add3A, %add3A_22 in 1 : vector<2000x64xf32>, vector<2000x64xf32> -> vector<2000x128xf32>
    %mul3A = vector.broadcast %slice3A : vector<2000x1xf32> to vector<2000x128xf32>
    %mul3A_23 = arith.mulf %concatenate3A, %mul3A : vector<2000x128xf32>
    %get3A_24 = arith.constant 0 : index
    %get3A_25 = arith.constant 0 : index
    %get3A_26 = vector.load %arg4[%get3A_24, %get3A_25] : memref<1x128xf32, #tpu.memory_space<vmem>>, vector<1x128xf32>
    %add3A_27 = vector.broadcast %get3A_26 : vector<1x128xf32> to vector<2000x128xf32>
    %add3A_28 = arith.addf %mul3A_23, %add3A_27 : vector<2000x128xf32>
    %max3A = arith.constant 0.000000e+00 : f32
    %max3A_29 = vector.broadcast %max3A : f32 to vector<2000x128xf32>
    %max3A_30 = arith.maximumf %add3A_28, %max3A_29 : vector<2000x128xf32>
    %get3A_31 = arith.constant 0 : index
    %get3A_32 = arith.constant 0 : index
    %get3A_33 = vector.load %arg5[%get3A_31, %get3A_32] : memref<2000x128xf32, #tpu.memory_space<vmem>>, vector<2000x128xf32>
    %add3A_34 = arith.addf %max3A_30, %get3A_33 : vector<2000x128xf32>
    %swap3A = arith.constant 0 : index
    %swap3A_35 = arith.constant 0 : index
    %swap3A_36 = vector.load %arg7[%swap3A, %swap3A_35] : memref<2000x128xf32, #tpu.memory_space<vmem>>, vector<2000x128xf32>
    tpu.vector_store %arg7[%swap3A, %swap3A_35], %add3A_34 {strides = array<i32>} : memref<2000x128xf32, #tpu.memory_space<vmem>>, vector<2000x128xf32>,
    %get3A_37 = arith.constant 0 : index
    %get3A_38 = arith.constant 0 : index
    %get3A_39 = vector.load %arg6[%get3A_37, %get3A_38] : memref<128x128xf32, #tpu.memory_space<vmem>>, vector<128x128xf32>
    %dot_general3A = arith.constant dense<0.000000e+00> : vector<2000x128xf32>
    %dot_general3A_40 = tpu.matmul %add3A_34, %get3A_39, %dot_general3A {dimension_numbers = #tpu.dot_dimension_numbers<[1], [0], [0], [1], [0, 0, 1, 1], [], []>, transpose_lhs_hint = false} : vector<2000x128xf32>, vector<128x128xf32>, vector<2000x128xf32> -> vector<2000x128xf32>
    %mul3A_41 = vector.broadcast %slice3A : vector<2000x1xf32> to vector<2000x128xf32>
    %mul3A_42 = arith.mulf %dot_general3A_40, %mul3A_41 : vector<2000x128xf32>
    %slice3A_43 = vector.extract_strided_slice %mul3A_42 {offsets = [0, 0], sizes = [2000, 64], strides = [1, 1]} : vector<2000x128xf32> to vector<2000x64xf32>
    %swap3A_44 = arith.constant 0 : index
    %swap3A_45 = arith.constant 0 : index
    %swap3A_46 = arith.constant 0 : index
    %swap3A_47 = vector.load %arg8[%swap3A_44, %swap3A_45, %swap3A_46] : memref<2x2000x64xf32, #tpu.memory_space<vmem>>, vector<1x2000x64xf32>
    %swap3A_48 = vector.shape_cast %swap3A_47 : vector<1x2000x64xf32> to vector<2000x64xf32>
    %swap3A_49 = vector.shape_cast %slice3A_43 : vector<2000x64xf32> to vector<1x2000x64xf32>
    tpu.vector_store %arg8[%swap3A_44, %swap3A_45, %swap3A_46], %swap3A_49 {strides = array<i32>} : memref<2x2000x64xf32, #tpu.memory_space<vmem>>, vector<1x2000x64xf32>,
    %slice3A_50 = vector.extract_strided_slice %mul3A_42 {offsets = [0, 64], sizes = [2000, 64], strides = [1, 1]} : vector<2000x128xf32> to vector<2000x64xf32>
    %swap3A_51 = arith.constant 1 : index
    %swap3A_52 = arith.constant 0 : index
    %swap3A_53 = arith.constant 0 : index
    %swap3A_54 = vector.load %arg8[%swap3A_51, %swap3A_52, %swap3A_53] : memref<2x2000x64xf32, #tpu.memory_space<vmem>>, vector<1x2000x64xf32>
    %swap3A_55 = vector.shape_cast %swap3A_54 : vector<1x2000x64xf32> to vector<2000x64xf32>
    %swap3A_56 = vector.shape_cast %slice3A_50 : vector<2000x64xf32> to vector<1x2000x64xf32>
    tpu.vector_store %arg8[%swap3A_51, %swap3A_52, %swap3A_53], %swap3A_56 {strides = array<i32>} : memref<2x2000x64xf32, #tpu.memory_space<vmem>>, vector<1x2000x64xf32>,
    return
  }
  func.func @transform_0(%arg0: i32) -> (i32, i32, i32) {
    %c0_i32 = arith.constant 0 : i32
    %c0_i32_0 = arith.constant 0 : i32
    %c0_i32_1 = arith.constant 0 : i32
    return %c0_i32, %arg0, %c0_i32_0 : i32, i32, i32
  }
  func.func @transform_1(%arg0: i32) -> (i32, i32, i32) {
    %c0_i32 = arith.constant 0 : i32
    %c0_i32_0 = arith.constant 0 : i32
    %c0_i32_1 = arith.constant 0 : i32
    return %c0_i32, %arg0, %c0_i32_0 : i32, i32, i32
  }
  func.func @transform_2(%arg0: i32) -> (i32, i32) {
    %c0_i32 = arith.constant 0 : i32
    %c0_i32_0 = arith.constant 0 : i32
    return %arg0, %c0_i32 : i32, i32
  }
  func.func @transform_3(%arg0: i32) -> (i32, i32) {
    %c0_i32 = arith.constant 0 : i32
    %c0_i32_0 = arith.constant 0 : i32
    %c0_i32_1 = arith.constant 0 : i32
    return %c0_i32, %c0_i32_0 : i32, i32
  }
  func.func @transform_4(%arg0: i32) -> (i32, i32) {
    %c0_i32 = arith.constant 0 : i32
    %c0_i32_0 = arith.constant 0 : i32
    return %arg0, %c0_i32 : i32, i32
  }
  func.func @transform_5(%arg0: i32) -> (i32, i32) {
    %c0_i32 = arith.constant 0 : i32
    %c0_i32_0 = arith.constant 0 : i32
    %c0_i32_1 = arith.constant 0 : i32
    return %c0_i32, %c0_i32_0 : i32, i32
  }
  func.func @transform_6(%arg0: i32) -> (i32, i32) {
    %c0_i32 = arith.constant 0 : i32
    %c0_i32_0 = arith.constant 0 : i32
    return %arg0, %c0_i32 : i32, i32
  }
  func.func @transform_7(%arg0: i32) -> (i32, i32, i32) {
    %c0_i32 = arith.constant 0 : i32
    %c0_i32_0 = arith.constant 0 : i32
    %c0_i32_1 = arith.constant 0 : i32
    return %c0_i32, %arg0, %c0_i32_0 : i32, i32, i32
  }
}

module attributes {stable_mosaic.version = 14 : i64} {
  func.func @body(%arg0: i32, %arg1: memref<2x2000x64xf32, #tpu.memory_space<vmem>>, %arg2: memref<2x2000x64xf32, #tpu.memory_space<vmem>>, %arg3: memref<2000x16xf32, #tpu.memory_space<vmem>>, %arg4: memref<1x128xf32, #tpu.memory_space<vmem>>, %arg5: memref<2000x128xf32, #tpu.memory_space<vmem>>, %arg6: memref<128x128xf32, #tpu.memory_space<vmem>>, %arg7: memref<2000x128xf32, #tpu.memory_space<vmem>>, %arg8: memref<2x2000x64xf32, #tpu.memory_space<vmem>>) attributes {dimension_semantics = [#tpu.dimension_semantics<arbitrary>], iteration_bounds = array<i64: 5>, scalar_prefetch = 0 : i64, scratch_operands = 0 : i64, tpu.core_type = #tpu.core_type<tc>, window_params = [{transform_indices = @transform_0, window_bounds = array<i64: 2, 2000, 64>}, {transform_indices = @transform_1, window_bounds = array<i64: 2, 2000, 64>}, {transform_indices = @transform_2, window_bounds = array<i64: 2000, 16>}, {pipeline_mode = #tpu.pipeline_mode<synchronous>, transform_indices = @transform_3, window_bounds = array<i64: 1, 128>}, {transform_indices = @transform_4, window_bounds = array<i64: 2000, 128>}, {pipeline_mode = #tpu.pipeline_mode<synchronous>, transform_indices = @transform_5, window_bounds = array<i64: 128, 128>}, {transform_indices = @transform_6, window_bounds = array<i64: 2000, 128>}, {transform_indices = @transform_7, window_bounds = array<i64: 2, 2000, 64>}]} {
    %get3A = arith.constant 0 : index
    %get3A_0 = arith.constant 0 : index
    %get3A_1 = vector.load %arg3[%get3A, %get3A_0] : memref<2000x16xf32, #tpu.memory_space<vmem>>, vector<2000x16xf32>
    %slice3A = vector.extract_strided_slice %get3A_1 {offsets = [0, 0], sizes = [2000, 1], strides = [1, 1]} : vector<2000x16xf32> to vector<2000x1xf32>
    %get3A_2 = arith.constant 0 : index
    %get3A_3 = arith.constant 0 : index
    %get3A_4 = arith.constant 0 : index
    %get3A_5 = vector.load %arg1[%get3A_2, %get3A_3, %get3A_4] : memref<2x2000x64xf32, #tpu.memory_space<vmem>>, vector<1x2000x64xf32>
    %get3A_6 = vector.shape_cast %get3A_5 : vector<1x2000x64xf32> to vector<2000x64xf32>
    %get3A_7 = arith.constant 0 : index
    %get3A_8 = arith.constant 0 : index
    %get3A_9 = arith.constant 0 : index
    %get3A_10 = vector.load %arg2[%get3A_7, %get3A_8, %get3A_9] : memref<2x2000x64xf32, #tpu.memory_space<vmem>>, vector<1x2000x64xf32>
    %get3A_11 = vector.shape_cast %get3A_10 : vector<1x2000x64xf32> to vector<2000x64xf32>
    %add3A = arith.addf %get3A_6, %get3A_11 : vector<2000x64xf32>
    %get3A_12 = arith.constant 1 : index
    %get3A_13 = arith.constant 0 : index
    %get3A_14 = arith.constant 0 : index
    %get3A_15 = vector.load %arg1[%get3A_12, %get3A_13, %get3A_14] : memref<2x2000x64xf32, #tpu.memory_space<vmem>>, vector<1x2000x64xf32>
    %get3A_16 = vector.shape_cast %get3A_15 : vector<1x2000x64xf32> to vector<2000x64xf32>
    %get3A_17 = arith.constant 1 : index
    %get3A_18 = arith.constant 0 : index
    %get3A_19 = arith.constant 0 : index
    %get3A_20 = vector.load %arg2[%get3A_17, %get3A_18, %get3A_19] : memref<2x2000x64xf32, #tpu.memory_space<vmem>>, vector<1x2000x64xf32>
    %get3A_21 = vector.shape_cast %get3A_20 : vector<1x2000x64xf32> to vector<2000x64xf32>
    %add3A_22 = arith.addf %get3A_16, %get3A_21 : vector<2000x64xf32>
    %concatenate3A = tpu.concatenate %add3A, %add3A_22 in 1 : vector<2000x64xf32>, vector<2000x64xf32> -> vector<2000x128xf32>
    %mul3A = vector.broadcast %slice3A : vector<2000x1xf32> to vector<2000x128xf32>
    %mul3A_23 = arith.mulf %concatenate3A, %mul3A : vector<2000x128xf32>
    %get3A_24 = arith.constant 0 : index
    %get3A_25 = arith.constant 0 : index
    %get3A_26 = vector.load %arg4[%get3A_24, %get3A_25] : memref<1x128xf32, #tpu.memory_space<vmem>>, vector<1x128xf32>
    %add3A_27 = vector.broadcast %get3A_26 : vector<1x128xf32> to vector<2000x128xf32>
    %add3A_28 = arith.addf %mul3A_23, %add3A_27 : vector<2000x128xf32>
    %max3A = arith.constant 0.000000e+00 : f32
    %max3A_29 = vector.broadcast %max3A : f32 to vector<2000x128xf32>
    %max3A_30 = arith.maximumf %add3A_28, %max3A_29 : vector<2000x128xf32>
    %get3A_31 = arith.constant 0 : index
    %get3A_32 = arith.constant 0 : index
    %get3A_33 = vector.load %arg5[%get3A_31, %get3A_32] : memref<2000x128xf32, #tpu.memory_space<vmem>>, vector<2000x128xf32>
    %add3A_34 = arith.addf %max3A_30, %get3A_33 : vector<2000x128xf32>
    %swap3A = arith.constant 0 : index
    %swap3A_35 = arith.constant 0 : index
    %swap3A_36 = vector.load %arg7[%swap3A, %swap3A_35] : memref<2000x128xf32, #tpu.memory_space<vmem>>, vector<2000x128xf32>
    tpu.vector_store %arg7[%swap3A, %swap3A_35], %add3A_34 {strides = array<i32>} : memref<2000x128xf32, #tpu.memory_space<vmem>>, vector<2000x128xf32>,
    %get3A_37 = arith.constant 0 : index
    %get3A_38 = arith.constant 0 : index
    %get3A_39 = vector.load %arg6[%get3A_37, %get3A_38] : memref<128x128xf32, #tpu.memory_space<vmem>>, vector<128x128xf32>
    %dot_general3A = arith.constant dense<0.000000e+00> : vector<2000x128xf32>
    %dot_general3A_40 = tpu.matmul %add3A_34, %get3A_39, %dot_general3A {dimension_numbers = #tpu.dot_dimension_numbers<[1], [0], [0], [1], [0, 0, 1, 1], [], []>, transpose_lhs_hint = false} : vector<2000x128xf32>, vector<128x128xf32>, vector<2000x128xf32> -> vector<2000x128xf32>
    %mul3A_41 = vector.broadcast %slice3A : vector<2000x1xf32> to vector<2000x128xf32>
    %mul3A_42 = arith.mulf %dot_general3A_40, %mul3A_41 : vector<2000x128xf32>
    %slice3A_43 = vector.extract_strided_slice %mul3A_42 {offsets = [0, 0], sizes = [2000, 64], strides = [1, 1]} : vector<2000x128xf32> to vector<2000x64xf32>
    %swap3A_44 = arith.constant 0 : index
    %swap3A_45 = arith.constant 0 : index
    %swap3A_46 = arith.constant 0 : index
    %swap3A_47 = vector.load %arg8[%swap3A_44, %swap3A_45, %swap3A_46] : memref<2x2000x64xf32, #tpu.memory_space<vmem>>, vector<1x2000x64xf32>
    %swap3A_48 = vector.shape_cast %swap3A_47 : vector<1x2000x64xf32> to vector<2000x64xf32>
    %swap3A_49 = vector.shape_cast %slice3A_43 : vector<2000x64xf32> to vector<1x2000x64xf32>
    tpu.vector_store %arg8[%swap3A_44, %swap3A_45, %swap3A_46], %swap3A_49 {strides = array<i32>} : memref<2x2000x64xf32, #tpu.memory_space<vmem>>, vector<1x2000x64xf32>,
    %slice3A_50 = vector.extract_strided_slice %mul3A_42 {offsets = [0, 64], sizes = [2000, 64], strides = [1, 1]} : vector<2000x128xf32> to vector<2000x64xf32>
    %swap3A_51 = arith.constant 1 : index
    %swap3A_52 = arith.constant 0 : index
    %swap3A_53 = arith.constant 0 : index
    %swap3A_54 = vector.load %arg8[%swap3A_51, %swap3A_52, %swap3A_53] : memref<2x2000x64xf32, #tpu.memory_space<vmem>>, vector<1x2000x64xf32>
    %swap3A_55 = vector.shape_cast %swap3A_54 : vector<1x2000x64xf32> to vector<2000x64xf32>
    %swap3A_56 = vector.shape_cast %slice3A_50 : vector<2000x64xf32> to vector<1x2000x64xf32>
    tpu.vector_store %arg8[%swap3A_51, %swap3A_52, %swap3A_53], %swap3A_56 {strides = array<i32>} : memref<2x2000x64xf32, #tpu.memory_space<vmem>>, vector<1x2000x64xf32>,
    return
  }
  func.func @transform_0(%arg0: i32) -> (i32, i32, i32) {
    %c0_i32 = arith.constant 0 : i32
    %c0_i32_0 = arith.constant 0 : i32
    %c0_i32_1 = arith.constant 0 : i32
    return %c0_i32, %arg0, %c0_i32_0 : i32, i32, i32
  }
  func.func @transform_1(%arg0: i32) -> (i32, i32, i32) {
    %c0_i32 = arith.constant 0 : i32
    %c0_i32_0 = arith.constant 0 : i32
    %c0_i32_1 = arith.constant 0 : i32
    return %c0_i32, %arg0, %c0_i32_0 : i32, i32, i32
  }
  func.func @transform_2(%arg0: i32) -> (i32, i32) {
    %c0_i32 = arith.constant 0 : i32
    %c0_i32_0 = arith.constant 0 : i32
    return %arg0, %c0_i32 : i32, i32
  }
  func.func @transform_3(%arg0: i32) -> (i32, i32) {
    %c0_i32 = arith.constant 0 : i32
    %c0_i32_0 = arith.constant 0 : i32
    %c0_i32_1 = arith.constant 0 : i32
    return %c0_i32, %c0_i32_0 : i32, i32
  }
  func.func @transform_4(%arg0: i32) -> (i32, i32) {
    %c0_i32 = arith.constant 0 : i32
    %c0_i32_0 = arith.constant 0 : i32
    return %arg0, %c0_i32 : i32, i32
  }
  func.func @transform_5(%arg0: i32) -> (i32, i32) {
    %c0_i32 = arith.constant 0 : i32
    %c0_i32_0 = arith.constant 0 : i32
    %c0_i32_1 = arith.constant 0 : i32
    return %c0_i32, %c0_i32_0 : i32, i32
  }
  func.func @transform_6(%arg0: i32) -> (i32, i32) {
    %c0_i32 = arith.constant 0 : i32
    %c0_i32_0 = arith.constant 0 : i32
    return %arg0, %c0_i32 : i32, i32
  }
  func.func @transform_7(%arg0: i32) -> (i32, i32, i32) {
    %c0_i32 = arith.constant 0 : i32
    %c0_i32_0 = arith.constant 0 : i32
    %c0_i32_1 = arith.constant 0 : i32
    return %c0_i32, %arg0, %c0_i32_0 : i32, i32, i32
  }
}

module attributes {stable_mosaic.version = 14 : i64} {
  func.func @body(%arg0: i32, %arg1: memref<2x2000x64xf32, #tpu.memory_space<vmem>>, %arg2: memref<2x2000x64xf32, #tpu.memory_space<vmem>>, %arg3: memref<2000x16xf32, #tpu.memory_space<vmem>>, %arg4: memref<1x128xf32, #tpu.memory_space<vmem>>, %arg5: memref<2000x128xf32, #tpu.memory_space<vmem>>) attributes {dimension_semantics = [#tpu.dimension_semantics<arbitrary>], iteration_bounds = array<i64: 5>, scalar_prefetch = 0 : i64, scratch_operands = 0 : i64, tpu.core_type = #tpu.core_type<tc>, window_params = [{transform_indices = @transform_0, window_bounds = array<i64: 2, 2000, 64>}, {transform_indices = @transform_1, window_bounds = array<i64: 2, 2000, 64>}, {transform_indices = @transform_2, window_bounds = array<i64: 2000, 16>}, {pipeline_mode = #tpu.pipeline_mode<synchronous>, transform_indices = @transform_3, window_bounds = array<i64: 1, 128>}, {transform_indices = @transform_4, window_bounds = array<i64: 2000, 128>}]} {
    %get3A = arith.constant 0 : index
    %get3A_0 = arith.constant 0 : index
    %get3A_1 = vector.load %arg3[%get3A, %get3A_0] : memref<2000x16xf32, #tpu.memory_space<vmem>>, vector<2000x16xf32>
    %slice3A = vector.extract_strided_slice %get3A_1 {offsets = [0, 0], sizes = [2000, 1], strides = [1, 1]} : vector<2000x16xf32> to vector<2000x1xf32>
    %get3A_2 = arith.constant 0 : index
    %get3A_3 = arith.constant 0 : index
    %get3A_4 = arith.constant 0 : index
    %get3A_5 = vector.load %arg1[%get3A_2, %get3A_3, %get3A_4] : memref<2x2000x64xf32, #tpu.memory_space<vmem>>, vector<1x2000x64xf32>
    %get3A_6 = vector.shape_cast %get3A_5 : vector<1x2000x64xf32> to vector<2000x64xf32>
    %get3A_7 = arith.constant 0 : index
    %get3A_8 = arith.constant 0 : index
    %get3A_9 = arith.constant 0 : index
    %get3A_10 = vector.load %arg2[%get3A_7, %get3A_8, %get3A_9] : memref<2x2000x64xf32, #tpu.memory_space<vmem>>, vector<1x2000x64xf32>
    %get3A_11 = vector.shape_cast %get3A_10 : vector<1x2000x64xf32> to vector<2000x64xf32>
    %add3A = arith.addf %get3A_6, %get3A_11 : vector<2000x64xf32>
    %get3A_12 = arith.constant 1 : index
    %get3A_13 = arith.constant 0 : index
    %get3A_14 = arith.constant 0 : index
    %get3A_15 = vector.load %arg1[%get3A_12, %get3A_13, %get3A_14] : memref<2x2000x64xf32, #tpu.memory_space<vmem>>, vector<1x2000x64xf32>
    %get3A_16 = vector.shape_cast %get3A_15 : vector<1x2000x64xf32> to vector<2000x64xf32>
    %get3A_17 = arith.constant 1 : index
    %get3A_18 = arith.constant 0 : index
    %get3A_19 = arith.constant 0 : index
    %get3A_20 = vector.load %arg2[%get3A_17, %get3A_18, %get3A_19] : memref<2x2000x64xf32, #tpu.memory_space<vmem>>, vector<1x2000x64xf32>
    %get3A_21 = vector.shape_cast %get3A_20 : vector<1x2000x64xf32> to vector<2000x64xf32>
    %add3A_22 = arith.addf %get3A_16, %get3A_21 : vector<2000x64xf32>
    %concatenate3A = tpu.concatenate %add3A, %add3A_22 in 1 : vector<2000x64xf32>, vector<2000x64xf32> -> vector<2000x128xf32>
    %mul3A = vector.broadcast %slice3A : vector<2000x1xf32> to vector<2000x128xf32>
    %mul3A_23 = arith.mulf %concatenate3A, %mul3A : vector<2000x128xf32>
    %get3A_24 = arith.constant 0 : index
    %get3A_25 = arith.constant 0 : index
    %get3A_26 = vector.load %arg4[%get3A_24, %get3A_25] : memref<1x128xf32, #tpu.memory_space<vmem>>, vector<1x128xf32>
    %add3A_27 = vector.broadcast %get3A_26 : vector<1x128xf32> to vector<2000x128xf32>
    %add3A_28 = arith.addf %mul3A_23, %add3A_27 : vector<2000x128xf32>
    %swap3A = arith.constant 0 : index
    %swap3A_29 = arith.constant 0 : index
    %swap3A_30 = vector.load %arg5[%swap3A, %swap3A_29] : memref<2000x128xf32, #tpu.memory_space<vmem>>, vector<2000x128xf32>
    tpu.vector_store %arg5[%swap3A, %swap3A_29], %add3A_28 {strides = array<i32>} : memref<2000x128xf32, #tpu.memory_space<vmem>>, vector<2000x128xf32>,
    return
  }
  func.func @transform_0(%arg0: i32) -> (i32, i32, i32) {
    %c0_i32 = arith.constant 0 : i32
    %c0_i32_0 = arith.constant 0 : i32
    %c0_i32_1 = arith.constant 0 : i32
    return %c0_i32, %arg0, %c0_i32_0 : i32, i32, i32
  }
  func.func @transform_1(%arg0: i32) -> (i32, i32, i32) {
    %c0_i32 = arith.constant 0 : i32
    %c0_i32_0 = arith.constant 0 : i32
    %c0_i32_1 = arith.constant 0 : i32
    return %c0_i32, %arg0, %c0_i32_0 : i32, i32, i32
  }
  func.func @transform_2(%arg0: i32) -> (i32, i32) {
    %c0_i32 = arith.constant 0 : i32
    %c0_i32_0 = arith.constant 0 : i32
    return %arg0, %c0_i32 : i32, i32
  }
  func.func @transform_3(%arg0: i32) -> (i32, i32) {
    %c0_i32 = arith.constant 0 : i32
    %c0_i32_0 = arith.constant 0 : i32
    %c0_i32_1 = arith.constant 0 : i32
    return %c0_i32, %c0_i32_0 : i32, i32
  }
  func.func @transform_4(%arg0: i32) -> (i32, i32) {
    %c0_i32 = arith.constant 0 : i32
    %c0_i32_0 = arith.constant 0 : i32
    return %arg0, %c0_i32 : i32, i32
  }
}

</mosaic_0001>

<sc_bundles>
// kernel: kernel.10.cloned.1.call-start
scs
__scs_entry_jumppad:
0x0: {  	(pc) =	sbr.rel $0x88, $3  }
0x1: {  	(tag) =	ssettag $0x0;
	lr =	simm.s32 $0x1  }
0x2: {  	[smem:$0x3F99] =	sst lr;
	_ =	strace $0xD0000000  }
0x3: {  	_ = 	snop  }
0x4: {  	_ = 	snop  }
0x5: {  	_ = 	snop  }
0x6: {  	_ = 	snop  }
0x7: {  	_ = 	snop  }
__scs_overlays_trampoline_lowered:
0x8: {  	[smem:$0x3FA8] =	sst s0  }
0x9: {  	[smem:$0x3FA9] =	sst s1  }
0xa: {  	[smem:$0x3FAA] =	sst s2  }
0xb: {  	[smem:$0x3FAB] =	sst s3  }
0xc: {  	[smem:$0x3FAC] =	sst s4  }
0xd: {  	[smem:$0x3FAD] =	sst s5  }
0xe: {  	[smem:$0x3FAE] =	sst s6  }
0xf: {  	[smem:$0x3FAF] =	sst s7  }
0x10: {  	[smem:$0x3FB0] =	sst s8  }
0x11: {  	[smem:$0x3FB1] =	sst s9;
	s0 =	simm.s32 @!p0 $0x0  }
0x12: {  	s1 =	sld [smem:$0x3F97];
	s0 =	simm.s32 @p0 $0x1  }
0x13: {  	[smem:$0x3FB2] =	sst s0;
	s0 =	simm.s32 @!p1 $0x0  }
0x14: {  	s2 =	sld [smem:$0x3F96];
	s0 =	simm.s32 @p1 $0x1  }
0x15: {  	[smem:$0x3FB3] =	sst s0;
	s0 =	simm.s32 @!p2 $0x0  }
0x16: {  	s3 =	sld [smem:$0x3FDB];
	s0 =	simm.s32 @p2 $0x1  }
0x17: {  	s4 =	simm.s32 $0x1BF5;
	[smem:$0x3FB5] =	sst s0  }
0x18: {  	s0 =	sld [smem:$0x3F98];
	_ =	swait.ge [sflag:s4], $0x0  }
0x19: {  	s7 =	sld [smem:$0x3F99]  }
0x1a: {  	s8 =	sadd.s32 $0xFFFFE003, lr  }
0x1b: {  	s9 =	sadd.s32 $0xFFFFFEF7, lr;
	s5 =	simm.s32 $0xFFFFFFFF;
	p2 =	slt.u32 s8, $0xFFFFF086  }
0x1c: {  	p1 =	slt.u32 s9, $0xF7A;
	s5 =	simm.s32 @!p2 $0x0  }
0x1d: {  	s5 =	simm.s32 @p1 $0x1;
	p0 =	seq.s32 s7, s2  }
0x1e: {  	s7 =	smul.u32 @!p0 $0xF7A, s2;
	p2 =	seq.s32 @!p0 s5, $0x0  }
0x1f: {  	s9 =	smul.u32 $0xF7A, s1;
	s8 =	simm.s32 @!p0 $0x1BF5;
	p2 =	por !p2, p0  }
0x20: {  	[sflag:s8] =	ssyncset.s32 @!p0 $0xFFFFF086;
	s6 =	sadd.s32 @!p0 s3, s7;
	s7 =	simm.s32 @!p0 $0x108  }
0x21: {  	s3 =	sadd.s32 s3, s9;
	s6 =	sadd.s32 @!p0 $0x88, s6;
	s7 =	simm.s32 @p2 $0x1082  }
0x22: {  	[simem:s7], [sflag:s8] =	dma.local @!p0 [hbm:s6], $0xF7A  }
0x23: {  	s9 =	sor.u32 $0xD0000000, s2;
	s6 =	simm.s32 $0x108;
	_ =	swait.ge @!p0 [sflag:s8], $0x0  }
0x24: {  	s3 =	sadd.s32 $0x88, s3;
	s6 =	simm.s32 @!p1 $0x1082;
	[sflag:s4] =	ssyncset.s32 $0xFFFFF086  }
0x25: {  	[simem:s6], [sflag:s4] =	dma.local [hbm:s3], $0xF7A  }
0x26: {  	[smem:$0x3F99] =	sst s1;
	(tag) =	ssettag s2;
	_ =	strace s9  }
0x27: {  	s1 =	sld [smem:$0x3FA9]  }
0x28: {  	s2 =	sld [smem:$0x3FAA]  }
0x29: {  	s4 =	sld [smem:$0x3FAC]  }
0x2a: {  	p0 =	seq.s32 s5, $0x0;
	s5 =	sld [smem:$0x3FAD]  }
0x2b: {  	s6 =	sld [smem:$0x3FAE]  }
0x2c: {  	s7 =	sld [smem:$0x3FAF]  }
0x2d: {  	s3 =	simm.s32 $0x108;
	s8 =	sld [smem:$0x3FB0]  }
0x2e: {  	s3 =	simm.s32 @!p0 $0x1082;
	s9 =	sld [smem:$0x3FB1]  }
0x2f: {  	lr =	sadd.s32 s0, s3;
	s0 =	sld [smem:$0x3FA8]  }
0x30: {  	s3 =	sld [smem:$0x3FAB]  }
0x31: {  	[smem:$0x3FB4] =	sst s10  }
0x32: {  	s10 =	sld [smem:$0x3FB2];
	_ =	sdelay $0x3  }
0x33: {  	p0 =	seq.s32 s10, $0x1;
	s10 =	sld [smem:$0x3FB4];
	_ =	sdelay $0x3  }
0x34: {  	[smem:$0x3FB4] =	sst s10  }
0x35: {  	s10 =	sld [smem:$0x3FB3];
	_ =	sdelay $0x3  }
0x36: {  	p1 =	seq.s32 s10, $0x1;
	s10 =	sld [smem:$0x3FB4];
	_ =	sdelay $0x3  }
0x37: {  	[smem:$0x3FB4] =	sst s10  }
0x38: {  	s10 =	sld [smem:$0x3FB5]  }
0x39: {  	_ = 	snop;
	(pc) =	sbr.ind lr, $3  }
0x3a: {  	_ = 	snop  }
0x3b: {  	_ = 	snop  }
0x3c: {  	p2 =	seq.s32 s10, $0x1;
	s10 =	sld [smem:$0x3FB4]  }
0x3d: {  	_ =	shalt  }
0x3e: {  	_ =	shalt  }
0x3f: {  	_ =	shalt  }
0x40: {  	_ =	shalt  }
0x41: {  	_ =	shalt  }
0x42: {  	_ =	shalt  }
0x43: {  	_ =	shalt  }
0x44: {  	_ =	shalt  }
0x45: {  	_ =	shalt  }
0x46: {  	_ =	shalt  }
0x47: {  	_ =	shalt  }
0x48: {  	_ =	shalt  }
0x49: {  	_ =	shalt  }
0x4a: {  	_ =	shalt  }
0x4b: {  	_ =	shalt  }
0x4c: {  	_ =	shalt  }
0x4d: {  	_ =	shalt  }
0x4e: {  	_ =	shalt  }
0x4f: {  	_ =	shalt  }
0x50: {  	_ =	shalt  }
0x51: {  	_ =	shalt  }
0x52: {  	_ =	shalt  }
0x53: {  	_ =	shalt  }
0x54: {  	_ =	shalt  }
0x55: {  	_ =	shalt  }
0x56: {  	_ =	shalt  }
0x57: {  	_ =	shalt  }
0x58: {  	_ =	shalt  }
0x59: {  	_ =	shalt  }
0x5a: {  	_ =	shalt  }
0x5b: {  	_ =	shalt  }
0x5c: {  	_ =	shalt  }
0x5d: {  	_ =	shalt  }
0x5e: {  	_ =	shalt  }
0x5f: {  	_ =	shalt  }
0x60: {  	_ =	shalt  }
0x61: {  	_ =	shalt  }
0x62: {  	_ =	shalt  }
0x63: {  	_ =	shalt  }
0x64: {  	_ =	shalt  }
0x65: {  	_ =	shalt  }
0x66: {  	_ =	shalt  }
0x67: {  	_ =	shalt  }
0x68: {  	_ =	shalt  }
0x69: {  	_ =	shalt  }
0x6a: {  	_ =	shalt  }
0x6b: {  	_ =	shalt  }
0x6c: {  	_ =	shalt  }
0x6d: {  	_ =	shalt  }
0x6e: {  	_ =	shalt  }
0x6f: {  	_ =	shalt  }
0x70: {  	_ =	shalt  }
0x71: {  	_ =	shalt  }
0x72: {  	_ =	shalt  }
0x73: {  	_ =	shalt  }
0x74: {  	_ =	shalt  }
0x75: {  	_ =	shalt  }
0x76: {  	_ =	shalt  }
0x77: {  	_ =	shalt  }
0x78: {  	_ =	shalt  }
0x79: {  	_ =	shalt  }
0x7a: {  	_ =	shalt  }
0x7b: {  	_ =	shalt  }
0x7c: {  	_ =	shalt  }
0x7d: {  	_ =	shalt  }
0x7e: {  	_ =	shalt  }
0x7f: {  	_ =	shalt  }
0x80: {  	_ =	shalt  }
0x81: {  	_ =	shalt  }
0x82: {  	_ =	shalt  }
0x83: {  	_ =	shalt  }
0x84: {  	_ =	shalt  }
0x85: {  	_ =	shalt  }
0x86: {  	_ =	shalt  }
0x87: {  	_ =	shalt  }
.Lfunc_end0:
.L_simem_size_0:
called_computation_lowered:
.L_overlay_start_0:
0x88: {  	s2 =	sld [smem:$0x3FD9]  }
0x89: {  	s3 =	sld [smem:$0x3FFE];
	_ =	sdelay $0x1  }
0x8a: {  	s1 =	srdreg.scid  }
0x8b: {  	s0 =	sand.u32 $0x1, s1  }
0x8c: {  	s17 =	sshll.u32 s0, $0xA;
	s2 =	sadd.s32 s3, s2  }
0x8d: {  	s2 =	sadd.s32 s2, s17  }
0x8e: {  	[smem:$0x3FC0] =	sst s2  }
0x8f: {  	_ = 	snop  }
0x90: {  	s2 =	sld [smem:$0x3FD0];
	(tm) =	ssettm $0x1  }
0x91: {  	s18 =	sld [smem:$0x3FFB];
	_ =	sdelay $0x3  }
0x92: {  	_ =	strace s18  }
0x93: {  	s3 =	sld [smem:$0x3FFC];
	_ =	sdelay $0x3  }
0x94: {  	_ =	strace s3  }
0x95: {  	s3 =	sld [smem:$0x3FFD];
	_ =	sdelay $0x3  }
0x96: {  	_ =	strace s3  }
0x97: {  	_ =	strace $0x8FFFFFFF  }
0x98: {  	s19 =	sld [smem:$0x3FDB];
	_ =	sdelay $0x1  }
0x99: {  	s4 =	simm.s32 $_scs_section_size  }
0x9a: {  	s5 =	simm.s32 $_size__tile_overlayer_lowered;
	s6 =	simm.s32 $_tile_overlayer_lowered  }
0x9b: {  	s22 =	simm.s32 $0x1BFF;
	s21 =	sshll.u32 s6, $0x1;
	s3 =	sadd.s32 s4, s19  }
0x9c: {  	s7 =	simm.s32 $0x0;
	s20 =	sshll.u32 s5, $0x1;
	s5 =	sadd.s32 s21, s3  }
0x9d: {  	[timem:s7], [sflag:s22] =	dma.local [hbm:s5], s20  }
0x9e: {  	_ =	swait.ge [sflag:s22], s20  }
0x9f: {  	s4 =	ssub.s32 $0x0, s20;
	[sflag:s22] =	ssyncset.done $0x0  }
0xa0: {  	[sflag:s22] =	ssyncadd.s32 s4;
	_ =	sdelay $0x1  }
0xa1: {  	s23 =	simm.s32 $0x1B8B  }
0xa2: {  	_ =	swait.ge [sflag:s23], $0x1  }
0xa3: {  	[sflag:s23] =	ssyncset.done $0x0  }
0xa4: {  	s25 =	simm.s32 $0x1B8E;
	s24 =	sld [smem:$0x3FFE];
	[sflag:s23] =	ssyncadd.s32 $0xFFFFFFFF  }
0xa5: {  	s26 =	simm.s32 $execute0_lowered;
	[smem:$0x3FD2] =	sst s25  }
0xa6: {  	s5 =	sshll.u32 s26, $0x1;
	_ =	strace $0x80000046;
	[dreg:$0x1] =	wrdreg $0xFFFFFFFF  }
0xa7: {  	s28 =	simm.s32 $_size_execute0_lowered;
	s3 =	sadd.s32 s3, s5;
	[dreg:$0x0] =	wrdreg $0x0  }
0xa8: {  	s5 =	sshll.u32 s28, $0x1;
	[dreg:$0x2] =	wrdreg s3  }
0xa9: {  	[dreg:$0x3] =	wrdreg s5  }
0xaa: {  	[dreg:$0x4] =	wrdreg $0xC0  }
0xab: {  	_ =	task [dreg:s7], $0x5FFFF  }
0xac: {  	[dreg:$0x1] =	wrdreg $0xFFFFFFFF  }
0xad: {  	[dreg:$0x0] =	wrdreg $0x60  }
0xae: {  	[dreg:$0x2] =	wrdreg s24  }
0xaf: {  	[dreg:$0x3] =	wrdreg s2  }
0xb0: {  	[dreg:$0x4] =	wrdreg $0x57000  }
0xb1: {  	[dreg:$0x5] =	wrdreg $0x9  }
0xb2: {  	_ =	task.clear_ibuf [dreg:s7], $0x6FFFF;
	_ =	strace $0x90000046  }
0xb3: {  	s29 =	simm.s32 $0x9;
	_ =	strace $0x80000048  }
0xb4: {  	_ =	swait.ge [sflag:s29], $0x1  }
0xb5: {  	[sflag:s29] =	ssyncadd.s32 $0xFFFFFFFF  }
0xb6: {  	_ =	strace $0x90000048  }
0xb7: {  	_ =	sfence  }
0xb8: {  	s30 =	sld [smem:$0x0];
	_ =	sdelay $0x2  }
0xb9: {  	s31 =	sshll.u32 s1, $0xD;
	s1 =	sshrl.u32 s1, $0x2  }
0xba: {  	s3 =	sand.u32 $0x4000, s31;
	s1 =	sadd.s32 s1, s30  }
0xbb: {  	s0 =	sor.u32 s3, s0;
	s1 =	sshll.u32 s1, $0x11  }
0xbc: {  	s0 =	sor.u32 s1, s0  }
0xbd: {  	s0 =	sadd.s32 $0x8F2B, s0  }
0xbe: {  	[sflag:s0] =	ssyncadd.remote.s32 $0x1  }
0xbf: {  	_ =	sfence.sel $0xFFFF  }
0xc0: {  	[dreg:$0x0] =	wrdreg $0xFFFFFFFF;
	(pc) =	sbr.abs _section_cstart, $3  }
0xc1: {  	[dreg:$0x1] =	wrdreg $0xFFFFFFFF  }
0xc2: {  	_ =	task.clear_ibuf [dreg:s7], $0x2FFFF;
	_ =	strace $0x9FFFFFFF  }
0xc3: {  	(tm) =	ssettm $0x7FFFFFFF  }
tec
execute0_lowered:
.L_overlay_start_1:
0x0: {  	(tag) =	ssettag $0x1  }
0x1: {  	s5 =	rddreg [dreg:$0x0]  }
0x2: {  	s8 =	rddreg [dreg:$0x1]  }
0x3: {  	s2 =	rddreg [dreg:$0x2]  }
0x4: {  	s0 =	rddreg [dreg:$0x3];
	s3 =	simm.s32 $0x0;
	s1 =	stileid.u32  }
0x5: {  	s6 =	srdreg.scid;
	s14 =	simm.s32 $0x80;
	s15 =	simm.s32 $0x0  }
0x6: {  	[smem:$0x7FF] =	sst s3;
	s4 =	smul.u32 $0x9E0, s1;
	s7 =	sand.u32 $0x1, s6  }
0x7: {  	s9 =	smul.u32 $0x2780, s1;
	s31 =	sshll.u32 s1, $0x6;
	_ =	strace $0x80000047  }
0x8: {  	s10 =	ssub.s32 $0x2, s7;
	s11 =	smul.u32 $0x27800, s7;
	s7 =	sshll.u32 s7, $0x7  }
0x9: {  	s29 =	sadd.s32 s4, s5;
	s4 =	sadd.s32 $0xCE00, s5;
	s12 =	sshrl.u32 s10, $0x1  }
0xa: {  	s5 =	sadd.s32 $0xD000, s5;
	s13 =	sadd.s32 s9, s2;
	s10 =	ssub.s32 s10, s12  }
0xb: {  	s6 =	sadd.s32 $0x3000, s29;
	s11 =	sadd.s32 s9, s11;
	s12 =	sor.u32 $0x1C01, s31  }
0xc: {  	s13 =	sshrl.u32 s13, $0x3;
	s30 =	sshrl.u32 s11, $0x3;
	s9 =	smax.u32 s10, $0x1  }
0xd: {  	s10 =	simm.s32 $0x1;
	s11 =	simm.s32 $0x4F00;
	s8 =	sadd.s32 s8, s30  }
.LBB2_1:
0xe: {  	[tilespmem:s3], [sflag:$0x1] =	stream.linear.gather [hbm4b:s6+s3], $0x4F00, $0x38;
	[tilespmem:$0x7E80] =	vst v63  }
0xf: {  	_ =	swait.ge [sflag:s10], $0x4F00  }
0x10: {  	[sflag:s10] =	ssyncset.done $0x0  }
0x11: {  	[sflag:s10] =	ssyncadd.s32 $0xFFFFB100  }
0x12: {  	[tilespmem:s11], [sflag:$0x1] =	stream.linear.gather [hbm4b:s4+s3], $0x800, $0x38;
	[tilespmem:$0x7E80] =	vst v63  }
0x13: {  	_ =	swait.ge [sflag:s10], $0x800  }
0x14: {  	[sflag:s10] =	ssyncset.done $0x0  }
0x15: {  	[sflag:s10] =	ssyncadd.s32 $0xFFFFF800  }
0x16: {  	[spmem:s13], [sflag:s12] =	dma.local [hbm:s5], $0x4F0  }
0x17: {  	_ =	swait.ge [sflag:s10], $0x4F0  }
0x18: {  	[sflag:s10] =	ssyncset.done $0x0  }
0x19: {  	[sflag:s10] =	ssyncadd.s32 $0xFFFFFB10  }
0x1a: {  	s16 =	sadd.s32 $0x0, s7;
	[bflag:$0x0] =	sbarrier.arrive $0xFFFF  }
0x1b: {  	[spmem:s2] =	stream.indirect.scatter.add.f32 [tilespmem:s11], [sflag:$0x1], $0x10, s16, s14, $0xb8;
	[tilespmem:$0x7E80] =	vst v63  }
0x1c: {  	s16 =	simm.s32 $0x400;
	_ =	swait.ge [sflag:s10], $0x800  }
.LBB2_2:
0x1d: {  	s17 =	sshra.s32 s16, $0x2;
	[sflag:s10] =	ssyncset.done $0x0;
	p0 =	sne.s32 s16, $0x13800  }
.Ltmp0:
0x1e: {  	s17 =	sadd.s32 s17, s7;
	[sflag:s10] =	ssyncadd.s32 $0xFFFFF800;
	(pc) =	sbr.rel @p0 .LBB2_2-.Ltmp0, $3  }
0x1f: {  	[spmem:s2] =	stream.indirect.scatter.add.f32 [tilespmem:s11], [sflag:$0x1], $0x10, s17, s14, $0xb8;
	[tilespmem:$0x7E80] =	vst v63  }
0x20: {  	s16 =	sadd.s32 $0x400, s16;
	_ =	sdelay $0x1  }
0x21: {  	_ =	swait.ge [sflag:s10], $0x800  }
0x22: {  	[sflag:s10] =	ssyncset.done $0x0;
	s15 =	sadd.s32 $0x1, s15  }
0x23: {  	[sflag:s10] =	ssyncadd.s32 $0xFFFFF800;
	p0 =	sne.s32 s15, s9  }
.Ltmp1:
0x24: {  	[bflag:$0x0] =	sbarrier.arrive $0xFFFF;
	(pc) =	sbr.rel @p0 .LBB2_1-.Ltmp1, $4  }
0x25: {  	[hbm:s8], [sflag:s12] =	dma.local [spmem:s13], $0x4F0  }
0x26: {  	_ =	swait.ge [sflag:s10], $0x4F0  }
0x27: {  	[sflag:s10] =	ssyncset.done $0x0  }
0x28: {  	[sflag:s10] =	ssyncadd.s32 $0xFFFFFB10  }
0x29: {  	_ =	sfence.sel $0x180000  }
0x2a: {  	[bflag:$0x0] =	sbarrier.arrive $0xFFFF  }
0x2b: {  	p0 =	sne.s32 s1, $0x0;
	_ =	strace $0x90000047  }
0x2c: {  	s0 =	sadd.s32 @!p0 $0x100000, s0;
	[bflag:$0x2] =	sbarrier.arrive $0xFFFF  }
0x2d: {  	[sflag:s0] =	ssyncadd.tile.s32 @!p0 $0x1;
	_ =	shalt  }
.Lfunc_end2:
_tile_overlayer_lowered:
.L_overlay_start_2:
0x2e: {  	(tag) =	ssettag $0x2  }
0x2f: {  	s0 =	rddreg [dreg:$0x0];
	s2 =	stileid.u32  }
0x30: {  	s1 =	rddreg [dreg:$0x1];
	p0 =	sne.s32 s2, $0x0  }
0x31: {  	s3 =	rddreg [dreg:$0x2];
	[bflag:$0x3] =	sbarrier.arrive $0xFFFF;
	s2 =	simm.s32 @!p0 $0x1C01  }
0x32: {  	[timem:s3], [sflag:s2] =	dma.local @!p0 [hbm:s0], s1  }
0x33: {  	s0 =	simm.s32 @!p0 $0x1  }
0x34: {  	_ =	swait.ge @!p0 [sflag:s0], s1  }
0x35: {  	s1 =	ssub.s32 @!p0 $0x0, s1;
	[sflag:s0] =	ssyncset.done @!p0 $0x0  }
0x36: {  	[sflag:s0] =	ssyncadd.s32 @!p0 s1  }
0x37: {  	[bflag:$0x3] =	sbarrier.arrive $0xFFFF  }
0x38: {  	_ =	shalt  }

// kernel: kernel.13.cloned.1.call-start
scs
__scs_entry_jumppad:
0x0: {  	(pc) =	sbr.rel $0x88, $3  }
0x1: {  	(tag) =	ssettag $0x0;
	lr =	simm.s32 $0x1  }
0x2: {  	[smem:$0x3F99] =	sst lr;
	_ =	strace $0xD0000000  }
0x3: {  	_ = 	snop  }
0x4: {  	_ = 	snop  }
0x5: {  	_ = 	snop  }
0x6: {  	_ = 	snop  }
0x7: {  	_ = 	snop  }
__scs_overlays_trampoline_lowered:
0x8: {  	[smem:$0x3FA8] =	sst s0  }
0x9: {  	[smem:$0x3FA9] =	sst s1  }
0xa: {  	[smem:$0x3FAA] =	sst s2  }
0xb: {  	[smem:$0x3FAB] =	sst s3  }
0xc: {  	[smem:$0x3FAC] =	sst s4  }
0xd: {  	[smem:$0x3FAD] =	sst s5  }
0xe: {  	[smem:$0x3FAE] =	sst s6  }
0xf: {  	[smem:$0x3FAF] =	sst s7  }
0x10: {  	[smem:$0x3FB0] =	sst s8  }
0x11: {  	[smem:$0x3FB1] =	sst s9;
	s0 =	simm.s32 @!p0 $0x0  }
0x12: {  	s1 =	sld [smem:$0x3F97];
	s0 =	simm.s32 @p0 $0x1  }
0x13: {  	[smem:$0x3FB2] =	sst s0;
	s0 =	simm.s32 @!p1 $0x0  }
0x14: {  	s2 =	sld [smem:$0x3F96];
	s0 =	simm.s32 @p1 $0x1  }
0x15: {  	[smem:$0x3FB3] =	sst s0;
	s0 =	simm.s32 @!p2 $0x0  }
0x16: {  	s3 =	sld [smem:$0x3FDB];
	s0 =	simm.s32 @p2 $0x1  }
0x17: {  	s4 =	simm.s32 $0x1BF5;
	[smem:$0x3FB5] =	sst s0  }
0x18: {  	s0 =	sld [smem:$0x3F98];
	_ =	swait.ge [sflag:s4], $0x0  }
0x19: {  	s7 =	sld [smem:$0x3F99]  }
0x1a: {  	s8 =	sadd.s32 $0xFFFFE003, lr  }
0x1b: {  	s9 =	sadd.s32 $0xFFFFFEF7, lr;
	s5 =	simm.s32 $0xFFFFFFFF;
	p2 =	slt.u32 s8, $0xFFFFF086  }
0x1c: {  	p1 =	slt.u32 s9, $0xF7A;
	s5 =	simm.s32 @!p2 $0x0  }
0x1d: {  	s5 =	simm.s32 @p1 $0x1;
	p0 =	seq.s32 s7, s2  }
0x1e: {  	s7 =	smul.u32 @!p0 $0xF7A, s2;
	p2 =	seq.s32 @!p0 s5, $0x0  }
0x1f: {  	s9 =	smul.u32 $0xF7A, s1;
	s8 =	simm.s32 @!p0 $0x1BF5;
	p2 =	por !p2, p0  }
0x20: {  	[sflag:s8] =	ssyncset.s32 @!p0 $0xFFFFF086;
	s6 =	sadd.s32 @!p0 s3, s7;
	s7 =	simm.s32 @!p0 $0x108  }
0x21: {  	s3 =	sadd.s32 s3, s9;
	s6 =	sadd.s32 @!p0 $0x88, s6;
	s7 =	simm.s32 @p2 $0x1082  }
0x22: {  	[simem:s7], [sflag:s8] =	dma.local @!p0 [hbm:s6], $0xF7A  }
0x23: {  	s9 =	sor.u32 $0xD0000000, s2;
	s6 =	simm.s32 $0x108;
	_ =	swait.ge @!p0 [sflag:s8], $0x0  }
0x24: {  	s3 =	sadd.s32 $0x88, s3;
	s6 =	simm.s32 @!p1 $0x1082;
	[sflag:s4] =	ssyncset.s32 $0xFFFFF086  }
0x25: {  	[simem:s6], [sflag:s4] =	dma.local [hbm:s3], $0xF7A  }
0x26: {  	[smem:$0x3F99] =	sst s1;
	(tag) =	ssettag s2;
	_ =	strace s9  }
0x27: {  	s1 =	sld [smem:$0x3FA9]  }
0x28: {  	s2 =	sld [smem:$0x3FAA]  }
0x29: {  	s4 =	sld [smem:$0x3FAC]  }
0x2a: {  	p0 =	seq.s32 s5, $0x0;
	s5 =	sld [smem:$0x3FAD]  }
0x2b: {  	s6 =	sld [smem:$0x3FAE]  }
0x2c: {  	s7 =	sld [smem:$0x3FAF]  }
0x2d: {  	s3 =	simm.s32 $0x108;
	s8 =	sld [smem:$0x3FB0]  }
0x2e: {  	s3 =	simm.s32 @!p0 $0x1082;
	s9 =	sld [smem:$0x3FB1]  }
0x2f: {  	lr =	sadd.s32 s0, s3;
	s0 =	sld [smem:$0x3FA8]  }
0x30: {  	s3 =	sld [smem:$0x3FAB]  }
0x31: {  	[smem:$0x3FB4] =	sst s10  }
0x32: {  	s10 =	sld [smem:$0x3FB2];
	_ =	sdelay $0x3  }
0x33: {  	p0 =	seq.s32 s10, $0x1;
	s10 =	sld [smem:$0x3FB4];
	_ =	sdelay $0x3  }
0x34: {  	[smem:$0x3FB4] =	sst s10  }
0x35: {  	s10 =	sld [smem:$0x3FB3];
	_ =	sdelay $0x3  }
0x36: {  	p1 =	seq.s32 s10, $0x1;
	s10 =	sld [smem:$0x3FB4];
	_ =	sdelay $0x3  }
0x37: {  	[smem:$0x3FB4] =	sst s10  }
0x38: {  	s10 =	sld [smem:$0x3FB5]  }
0x39: {  	_ = 	snop;
	(pc) =	sbr.ind lr, $3  }
0x3a: {  	_ = 	snop  }
0x3b: {  	_ = 	snop  }
0x3c: {  	p2 =	seq.s32 s10, $0x1;
	s10 =	sld [smem:$0x3FB4]  }
0x3d: {  	_ =	shalt  }
0x3e: {  	_ =	shalt  }
0x3f: {  	_ =	shalt  }
0x40: {  	_ =	shalt  }
0x41: {  	_ =	shalt  }
0x42: {  	_ =	shalt  }
0x43: {  	_ =	shalt  }
0x44: {  	_ =	shalt  }
0x45: {  	_ =	shalt  }
0x46: {  	_ =	shalt  }
0x47: {  	_ =	shalt  }
0x48: {  	_ =	shalt  }
0x49: {  	_ =	shalt  }
0x4a: {  	_ =	shalt  }
0x4b: {  	_ =	shalt  }
0x4c: {  	_ =	shalt  }
0x4d: {  	_ =	shalt  }
0x4e: {  	_ =	shalt  }
0x4f: {  	_ =	shalt  }
0x50: {  	_ =	shalt  }
0x51: {  	_ =	shalt  }
0x52: {  	_ =	shalt  }
0x53: {  	_ =	shalt  }
0x54: {  	_ =	shalt  }
0x55: {  	_ =	shalt  }
0x56: {  	_ =	shalt  }
0x57: {  	_ =	shalt  }
0x58: {  	_ =	shalt  }
0x59: {  	_ =	shalt  }
0x5a: {  	_ =	shalt  }
0x5b: {  	_ =	shalt  }
0x5c: {  	_ =	shalt  }
0x5d: {  	_ =	shalt  }
0x5e: {  	_ =	shalt  }
0x5f: {  	_ =	shalt  }
0x60: {  	_ =	shalt  }
0x61: {  	_ =	shalt  }
0x62: {  	_ =	shalt  }
0x63: {  	_ =	shalt  }
0x64: {  	_ =	shalt  }
0x65: {  	_ =	shalt  }
0x66: {  	_ =	shalt  }
0x67: {  	_ =	shalt  }
0x68: {  	_ =	shalt  }
0x69: {  	_ =	shalt  }
0x6a: {  	_ =	shalt  }
0x6b: {  	_ =	shalt  }
0x6c: {  	_ =	shalt  }
0x6d: {  	_ =	shalt  }
0x6e: {  	_ =	shalt  }
0x6f: {  	_ =	shalt  }
0x70: {  	_ =	shalt  }
0x71: {  	_ =	shalt  }
0x72: {  	_ =	shalt  }
0x73: {  	_ =	shalt  }
0x74: {  	_ =	shalt  }
0x75: {  	_ =	shalt  }
0x76: {  	_ =	shalt  }
0x77: {  	_ =	shalt  }
0x78: {  	_ =	shalt  }
0x79: {  	_ =	shalt  }
0x7a: {  	_ =	shalt  }
0x7b: {  	_ =	shalt  }
0x7c: {  	_ =	shalt  }
0x7d: {  	_ =	shalt  }
0x7e: {  	_ =	shalt  }
0x7f: {  	_ =	shalt  }
0x80: {  	_ =	shalt  }
0x81: {  	_ =	shalt  }
0x82: {  	_ =	shalt  }
0x83: {  	_ =	shalt  }
0x84: {  	_ =	shalt  }
0x85: {  	_ =	shalt  }
0x86: {  	_ =	shalt  }
0x87: {  	_ =	shalt  }
.Lfunc_end0:
.L_simem_size_0:
called_computation.1_lowered:
.L_overlay_start_0:
0x88: {  	s2 =	sld [smem:$0x3FD9]  }
0x89: {  	s3 =	sld [smem:$0x3FFE];
	_ =	sdelay $0x1  }
0x8a: {  	s1 =	srdreg.scid  }
0x8b: {  	s0 =	sand.u32 $0x1, s1  }
0x8c: {  	s17 =	sshll.u32 s0, $0xA;
	s2 =	sadd.s32 s3, s2  }
0x8d: {  	s2 =	sadd.s32 s2, s17  }
0x8e: {  	[smem:$0x3FC0] =	sst s2  }
0x8f: {  	_ = 	snop  }
0x90: {  	s2 =	sld [smem:$0x3FD0];
	(tm) =	ssettm $0x1  }
0x91: {  	s18 =	sld [smem:$0x3FFB];
	_ =	sdelay $0x3  }
0x92: {  	_ =	strace s18  }
0x93: {  	s3 =	sld [smem:$0x3FFC];
	_ =	sdelay $0x3  }
0x94: {  	_ =	strace s3  }
0x95: {  	s3 =	sld [smem:$0x3FFD];
	_ =	sdelay $0x3  }
0x96: {  	_ =	strace s3  }
0x97: {  	_ =	strace $0x8FFFFFFF  }
0x98: {  	s19 =	sld [smem:$0x3FDB];
	_ =	sdelay $0x1  }
0x99: {  	s4 =	simm.s32 $_scs_section_size  }
0x9a: {  	s5 =	simm.s32 $_size__tile_overlayer_lowered;
	s6 =	simm.s32 $_tile_overlayer_lowered  }
0x9b: {  	s22 =	simm.s32 $0x1BFF;
	s21 =	sshll.u32 s6, $0x1;
	s3 =	sadd.s32 s4, s19  }
0x9c: {  	s7 =	simm.s32 $0x0;
	s20 =	sshll.u32 s5, $0x1;
	s5 =	sadd.s32 s21, s3  }
0x9d: {  	[timem:s7], [sflag:s22] =	dma.local [hbm:s5], s20  }
0x9e: {  	_ =	swait.ge [sflag:s22], s20  }
0x9f: {  	s4 =	ssub.s32 $0x0, s20;
	[sflag:s22] =	ssyncset.done $0x0  }
0xa0: {  	[sflag:s22] =	ssyncadd.s32 s4;
	_ =	sdelay $0x1  }
0xa1: {  	s23 =	simm.s32 $0x1B8B  }
0xa2: {  	_ =	swait.ge [sflag:s23], $0x1  }
0xa3: {  	[sflag:s23] =	ssyncset.done $0x0  }
0xa4: {  	s25 =	simm.s32 $0x1B8E;
	s24 =	sld [smem:$0x3FFE];
	[sflag:s23] =	ssyncadd.s32 $0xFFFFFFFF  }
0xa5: {  	s26 =	simm.s32 $execute0_lowered;
	[smem:$0x3FD2] =	sst s25  }
0xa6: {  	s5 =	sshll.u32 s26, $0x1;
	_ =	strace $0x80000049;
	[dreg:$0x1] =	wrdreg $0xFFFFFFFF  }
0xa7: {  	s28 =	simm.s32 $_size_execute0_lowered;
	s3 =	sadd.s32 s3, s5;
	[dreg:$0x0] =	wrdreg $0x0  }
0xa8: {  	s5 =	sshll.u32 s28, $0x1;
	[dreg:$0x2] =	wrdreg s3  }
0xa9: {  	[dreg:$0x3] =	wrdreg s5  }
0xaa: {  	[dreg:$0x4] =	wrdreg $0xC0  }
0xab: {  	_ =	task [dreg:s7], $0x5FFFF  }
0xac: {  	[dreg:$0x1] =	wrdreg $0xFFFFFFFF  }
0xad: {  	[dreg:$0x0] =	wrdreg $0x60  }
0xae: {  	[dreg:$0x2] =	wrdreg s2  }
0xaf: {  	[dreg:$0x3] =	wrdreg s24  }
0xb0: {  	[dreg:$0x4] =	wrdreg $0xDE000  }
0xb1: {  	[dreg:$0x5] =	wrdreg $0x9  }
0xb2: {  	_ =	task.clear_ibuf [dreg:s7], $0x6FFFF;
	_ =	strace $0x90000049  }
0xb3: {  	s29 =	simm.s32 $0x9;
	_ =	strace $0x8000004B  }
0xb4: {  	_ =	swait.ge [sflag:s29], $0x1  }
0xb5: {  	[sflag:s29] =	ssyncadd.s32 $0xFFFFFFFF  }
0xb6: {  	_ =	strace $0x9000004B  }
0xb7: {  	_ =	sfence  }
0xb8: {  	s30 =	sld [smem:$0x0];
	_ =	sdelay $0x2  }
0xb9: {  	s31 =	sshll.u32 s1, $0xD;
	s1 =	sshrl.u32 s1, $0x2  }
0xba: {  	s3 =	sand.u32 $0x4000, s31;
	s1 =	sadd.s32 s1, s30  }
0xbb: {  	s0 =	sor.u32 s3, s0;
	s1 =	sshll.u32 s1, $0x11  }
0xbc: {  	s0 =	sor.u32 s1, s0  }
0xbd: {  	s0 =	sadd.s32 $0x8F2B, s0  }
0xbe: {  	[sflag:s0] =	ssyncadd.remote.s32 $0x1  }
0xbf: {  	_ =	sfence.sel $0xFFFF  }
0xc0: {  	[dreg:$0x0] =	wrdreg $0xFFFFFFFF;
	(pc) =	sbr.abs _section_cstart, $3  }
0xc1: {  	[dreg:$0x1] =	wrdreg $0xFFFFFFFF  }
0xc2: {  	_ =	task.clear_ibuf [dreg:s7], $0x2FFFF;
	_ =	strace $0x9FFFFFFF  }
0xc3: {  	(tm) =	ssettm $0x7FFFFFFF  }
tec
execute0_lowered:
.L_overlay_start_1:
0x0: {  	(tag) =	ssettag $0x1  }
0x1: {  	s7 =	rddreg [dreg:$0x0]  }
0x2: {  	s5 =	rddreg [dreg:$0x1]  }
0x3: {  	s2 =	rddreg [dreg:$0x2]  }
0x4: {  	s0 =	rddreg [dreg:$0x3];
	s1 =	stileid.u32  }
0x5: {  	s6 =	srdreg.scid;
	s3 =	simm.s32 $0x0;
	s15 =	simm.s32 $0x9E00  }
0x6: {  	s16 =	simm.s32 $0xBE00;
	s17 =	simm.s32 $0x1;
	s18 =	simm.s32 $0x2  }
0x7: {  	s19 =	simm.s32 $0x9D00;
	s20 =	simm.s32 $0x9D80;
	s4 =	smul.u32 $0x9E0, s1  }
0x8: {  	s21 =	simm.s32 $0x0;
	s6 =	sand.u32 $0x1, s6;
	s8 =	smul.u32 $0x9E00, s1  }
0x9: {  	[smem:$0x7FF] =	sst s3;
	s31 =	sshll.u32 s1, $0x6;
	s9 =	smul.u32 $0x9E000, s6  }
0xa: {  	_ =	strace $0x8000004A;
	s11 =	ssub.s32 $0x2, s6;
	s13 =	smul.u32 $0x13880, s6  }
0xb: {  	s10 =	sadd.s32 s4, s5;
	s4 =	sadd.s32 $0x65600, s5;
	s12 =	sshrl.u32 s11, $0x1  }
0xc: {  	s14 =	sadd.s32 s8, s2;
	s9 =	sadd.s32 s8, s9;
	s11 =	ssub.s32 s11, s12  }
0xd: {  	s6 =	sadd.s32 $0x3000, s10;
	s7 =	sadd.s32 s7, s13;
	s12 =	sor.u32 $0x1C03, s31  }
0xe: {  	s13 =	sshrl.u32 s14, $0x3;
	s14 =	simm.s32 $0x80;
	s9 =	sshrl.u32 s9, $0x3  }
0xf: {  	s9 =	sadd.s32 s9, s5;
	s5 =	sadd.s32 $0xD600, s10;
	s10 =	simm.s32 $0x3  }
0x10: {  	s8 =	sadd.s32 $0x66A00, s9;
	s9 =	smax.u32 s11, $0x1;
	s11 =	simm.s32 $0x4F00  }
.LBB2_1:
0x11: {  	[tilespmem:s3], [sflag:$0x3] =	stream.linear.gather [hbm4b:s5+s3], $0x4F00, $0x38;
	[tilespmem:$0x17C00] =	vst v63  }
0x12: {  	_ =	swait.ge [sflag:s10], $0x4F00  }
0x13: {  	[sflag:s10] =	ssyncset.done $0x0  }
0x14: {  	[sflag:s10] =	ssyncadd.s32 $0xFFFFB100  }
0x15: {  	[tilespmem:s11], [sflag:$0x3] =	stream.linear.gather [hbm4b:s6+s3], $0x4F00, $0x38;
	[tilespmem:$0x17C00] =	vst v63  }
0x16: {  	_ =	swait.ge [sflag:s10], $0x4F00  }
0x17: {  	[sflag:s10] =	ssyncset.done $0x0  }
0x18: {  	[sflag:s10] =	ssyncadd.s32 $0xFFFFB100  }
0x19: {  	[spmem:s13], [sflag:s12] =	dma.local [hbm:s4], $0x13C0  }
0x1a: {  	_ =	swait.ge [sflag:s10], $0x13C0  }
0x1b: {  	[sflag:s10] =	ssyncset.done $0x0  }
0x1c: {  	[sflag:s10] =	ssyncadd.s32 $0xFFFFEC40  }
0x1d: {  	[bflag:$0x0] =	sbarrier.arrive $0xFFFF  }
0x1e: {  	[tilespmem:s15], [sflag:$0x1] =	stream.indirect.gather [hbm4b:s7+s14], $0x40, s3, s14, $0xb8;
	[tilespmem:$0x17C00] =	vst v63  }
0x1f: {  	_ = 	snop  }
0x20: {  	[tilespmem:s16], [sflag:$0x2] =	stream.indirect.gather [hbm4b:s7+s14], $0x40, s14, s14, $0xb8;
	[tilespmem:$0x17C00] =	vst v63  }
0x21: {  	_ =	swait.ge [sflag:s17], $0x2000  }
0x22: {  	[sflag:s17] =	ssyncset.done $0x0  }
0x23: {  	s22 =	simm.s32 $0x4F00;
	[sflag:s17] =	ssyncadd.s32 $0xFFFFE000  }
0x24: {  	[spmem:s2] =	stream.indirect.scatter.add.f32 [tilespmem:s15], [sflag:$0x3], $0x40, s22, s14, $0xb8;
	[tilespmem:$0x17C00] =	vst v63  }
0x25: {  	_ =	swait.ge [sflag:s10], $0x2000  }
0x26: {  	[sflag:s10] =	ssyncset.done $0x0  }
0x27: {  	s30 =	simm.s32 $0x100;
	[sflag:s10] =	ssyncadd.s32 $0xFFFFE000  }
0x28: {  	[tilespmem:s15], [sflag:$0x1] =	stream.indirect.gather [hbm4b:s7+s14], $0x40, s30, s14, $0xb8;
	[tilespmem:$0x17C00] =	vst v63  }
0x29: {  	_ =	swait.ge [sflag:s18], $0x2000  }
0x2a: {  	[sflag:s18] =	ssyncset.done $0x0  }
0x2b: {  	s31 =	simm.s32 $0x4F80;
	[sflag:s18] =	ssyncadd.s32 $0xFFFFE000  }
0x2c: {  	[spmem:s2] =	stream.indirect.scatter.add.f32 [tilespmem:s16], [sflag:$0x3], $0x40, s31, s14, $0xb8;
	[tilespmem:$0x17C00] =	vst v63  }
0x2d: {  	_ =	swait.ge [sflag:s10], $0x2000  }
0x2e: {  	[sflag:s10] =	ssyncset.done $0x0  }
0x2f: {  	s23 =	simm.s32 $0x180;
	s22 =	simm.s32 $0x400;
	[sflag:s10] =	ssyncadd.s32 $0xFFFFE000  }
.LBB2_2:
0x30: {  	[tilespmem:s16], [sflag:$0x2] =	stream.indirect.gather [hbm4b:s7+s14], $0x40, s23, s14, $0xb8;
	[tilespmem:$0x17C00] =	vst v63  }
0x31: {  	s23 =	smov.u32 s22  }
0x32: {  	p0 =	sne.s32 s22, $0x13400;
	s22 =	sadd.s32 $0x400, s22;
	_ =	swait.ge [sflag:s17], $0x2000  }
0x33: {  	s23 =	sshra.s32 s23, $0x2;
	[sflag:s17] =	ssyncset.done $0x0  }
0x34: {  	s24 =	sadd.s32 $0x4F00, s23;
	[sflag:s17] =	ssyncadd.s32 $0xFFFFE000  }
0x35: {  	[spmem:s2] =	stream.indirect.scatter.add.f32 [tilespmem:s15], [sflag:$0x3], $0x40, s24, s14, $0xb8;
	[tilespmem:$0x17C00] =	vst v63  }
0x36: {  	_ =	swait.ge [sflag:s10], $0x2000  }
0x37: {  	[sflag:s10] =	ssyncset.done $0x0  }
0x38: {  	s24 =	sadd.s32 $0x100, s23;
	[sflag:s10] =	ssyncadd.s32 $0xFFFFE000  }
0x39: {  	[tilespmem:s15], [sflag:$0x1] =	stream.indirect.gather [hbm4b:s7+s14], $0x40, s24, s14, $0xb8;
	[tilespmem:$0x17C00] =	vst v63  }
0x3a: {  	_ =	swait.ge [sflag:s18], $0x2000  }
0x3b: {  	[sflag:s18] =	ssyncset.done $0x0  }
.Ltmp0:
0x3c: {  	s24 =	sadd.s32 $0x4F80, s23;
	[sflag:s18] =	ssyncadd.s32 $0xFFFFE000;
	(pc) =	sbr.rel @p0 .LBB2_2-.Ltmp0, $4  }
0x3d: {  	[spmem:s2] =	stream.indirect.scatter.add.f32 [tilespmem:s16], [sflag:$0x3], $0x40, s24, s14, $0xb8;
	[tilespmem:$0x17C00] =	vst v63  }
0x3e: {  	_ =	swait.ge [sflag:s10], $0x2000  }
0x3f: {  	[sflag:s10] =	ssyncset.done $0x0  }
0x40: {  	s23 =	sadd.s32 $0x180, s23;
	[sflag:s10] =	ssyncadd.s32 $0xFFFFE000  }
0x41: {  	[tilespmem:s16], [sflag:$0x2] =	stream.indirect.gather [hbm4b:s7+s14], $0x40, s23, s14, $0xb8;
	[tilespmem:$0x17C00] =	vst v63  }
0x42: {  	_ =	swait.ge [sflag:s17], $0x2000  }
0x43: {  	[sflag:s17] =	ssyncset.done $0x0  }
0x44: {  	[sflag:s17] =	ssyncadd.s32 $0xFFFFE000  }
0x45: {  	[spmem:s2] =	stream.indirect.scatter.add.f32 [tilespmem:s15], [sflag:$0x3], $0x40, s19, s14, $0xb8;
	[tilespmem:$0x17C00] =	vst v63  }
0x46: {  	_ =	swait.ge [sflag:s10], $0x2000  }
0x47: {  	[sflag:s10] =	ssyncset.done $0x0  }
0x48: {  	[sflag:s10] =	ssyncadd.s32 $0xFFFFE000  }
0x49: {  	_ =	swait.ge [sflag:s18], $0x2000  }
0x4a: {  	[sflag:s18] =	ssyncset.done $0x0  }
0x4b: {  	[sflag:s18] =	ssyncadd.s32 $0xFFFFE000  }
0x4c: {  	[spmem:s2] =	stream.indirect.scatter.add.f32 [tilespmem:s16], [sflag:$0x3], $0x40, s20, s14, $0xb8;
	[tilespmem:$0x17C00] =	vst v63  }
0x4d: {  	_ =	swait.ge [sflag:s10], $0x2000  }
0x4e: {  	s21 =	sadd.s32 $0x1, s21;
	[sflag:s10] =	ssyncset.done $0x0  }
0x4f: {  	p0 =	sne.s32 s21, s9;
	[sflag:s10] =	ssyncadd.s32 $0xFFFFE000  }
.Ltmp1:
0x50: {  	[bflag:$0x0] =	sbarrier.arrive $0xFFFF;
	(pc) =	sbr.rel @p0 .LBB2_1-.Ltmp1, $4  }
0x51: {  	[hbm:s8], [sflag:s12] =	dma.local [spmem:s13], $0x13C0  }
0x52: {  	_ =	swait.ge [sflag:s10], $0x13C0  }
0x53: {  	[sflag:s10] =	ssyncset.done $0x0  }
0x54: {  	[sflag:s10] =	ssyncadd.s32 $0xFFFFEC40  }
0x55: {  	_ =	sfence.sel $0x180000  }
0x56: {  	[bflag:$0x0] =	sbarrier.arrive $0xFFFF  }
0x57: {  	p0 =	sne.s32 s1, $0x0;
	_ =	strace $0x9000004A  }
0x58: {  	s0 =	sadd.s32 @!p0 $0x100000, s0;
	[bflag:$0x2] =	sbarrier.arrive $0xFFFF  }
0x59: {  	[sflag:s0] =	ssyncadd.tile.s32 @!p0 $0x1;
	_ =	shalt  }
.Lfunc_end2:
_tile_overlayer_lowered:
.L_overlay_start_2:
0x5a: {  	(tag) =	ssettag $0x2  }
0x5b: {  	s0 =	rddreg [dreg:$0x0];
	s2 =	stileid.u32  }
0x5c: {  	s1 =	rddreg [dreg:$0x1];
	p0 =	sne.s32 s2, $0x0  }
0x5d: {  	s3 =	rddreg [dreg:$0x2];
	[bflag:$0x3] =	sbarrier.arrive $0xFFFF;
	s2 =	simm.s32 @!p0 $0x1C03  }
0x5e: {  	[timem:s3], [sflag:s2] =	dma.local @!p0 [hbm:s0], s1  }
0x5f: {  	s0 =	simm.s32 @!p0 $0x3  }
0x60: {  	_ =	swait.ge @!p0 [sflag:s0], s1  }
0x61: {  	s1 =	ssub.s32 @!p0 $0x0, s1;
	[sflag:s0] =	ssyncset.done @!p0 $0x0  }
0x62: {  	[sflag:s0] =	ssyncadd.s32 @!p0 s1  }
0x63: {  	[bflag:$0x3] =	sbarrier.arrive $0xFFFF  }
0x64: {  	_ =	shalt  }

// kernel: kernel.16.cloned.1.call-start
scs
__scs_entry_jumppad:
0x0: {  	(pc) =	sbr.rel $0x88, $3  }
0x1: {  	(tag) =	ssettag $0x0;
	lr =	simm.s32 $0x1  }
0x2: {  	[smem:$0x3F99] =	sst lr;
	_ =	strace $0xD0000000  }
0x3: {  	_ = 	snop  }
0x4: {  	_ = 	snop  }
0x5: {  	_ = 	snop  }
0x6: {  	_ = 	snop  }
0x7: {  	_ = 	snop  }
__scs_overlays_trampoline_lowered:
0x8: {  	[smem:$0x3FA8] =	sst s0  }
0x9: {  	[smem:$0x3FA9] =	sst s1  }
0xa: {  	[smem:$0x3FAA] =	sst s2  }
0xb: {  	[smem:$0x3FAB] =	sst s3  }
0xc: {  	[smem:$0x3FAC] =	sst s4  }
0xd: {  	[smem:$0x3FAD] =	sst s5  }
0xe: {  	[smem:$0x3FAE] =	sst s6  }
0xf: {  	[smem:$0x3FAF] =	sst s7  }
0x10: {  	[smem:$0x3FB0] =	sst s8  }
0x11: {  	[smem:$0x3FB1] =	sst s9;
	s0 =	simm.s32 @!p0 $0x0  }
0x12: {  	s1 =	sld [smem:$0x3F97];
	s0 =	simm.s32 @p0 $0x1  }
0x13: {  	[smem:$0x3FB2] =	sst s0;
	s0 =	simm.s32 @!p1 $0x0  }
0x14: {  	s2 =	sld [smem:$0x3F96];
	s0 =	simm.s32 @p1 $0x1  }
0x15: {  	[smem:$0x3FB3] =	sst s0;
	s0 =	simm.s32 @!p2 $0x0  }
0x16: {  	s3 =	sld [smem:$0x3FDB];
	s0 =	simm.s32 @p2 $0x1  }
0x17: {  	s4 =	simm.s32 $0x1BF5;
	[smem:$0x3FB5] =	sst s0  }
0x18: {  	s0 =	sld [smem:$0x3F98];
	_ =	swait.ge [sflag:s4], $0x0  }
0x19: {  	s7 =	sld [smem:$0x3F99]  }
0x1a: {  	s8 =	sadd.s32 $0xFFFFE003, lr  }
0x1b: {  	s9 =	sadd.s32 $0xFFFFFEF7, lr;
	s5 =	simm.s32 $0xFFFFFFFF;
	p2 =	slt.u32 s8, $0xFFFFF086  }
0x1c: {  	p1 =	slt.u32 s9, $0xF7A;
	s5 =	simm.s32 @!p2 $0x0  }
0x1d: {  	s5 =	simm.s32 @p1 $0x1;
	p0 =	seq.s32 s7, s2  }
0x1e: {  	s7 =	smul.u32 @!p0 $0xF7A, s2;
	p2 =	seq.s32 @!p0 s5, $0x0  }
0x1f: {  	s9 =	smul.u32 $0xF7A, s1;
	s8 =	simm.s32 @!p0 $0x1BF5;
	p2 =	por !p2, p0  }
0x20: {  	[sflag:s8] =	ssyncset.s32 @!p0 $0xFFFFF086;
	s6 =	sadd.s32 @!p0 s3, s7;
	s7 =	simm.s32 @!p0 $0x108  }
0x21: {  	s3 =	sadd.s32 s3, s9;
	s6 =	sadd.s32 @!p0 $0x88, s6;
	s7 =	simm.s32 @p2 $0x1082  }
0x22: {  	[simem:s7], [sflag:s8] =	dma.local @!p0 [hbm:s6], $0xF7A  }
0x23: {  	s9 =	sor.u32 $0xD0000000, s2;
	s6 =	simm.s32 $0x108;
	_ =	swait.ge @!p0 [sflag:s8], $0x0  }
0x24: {  	s3 =	sadd.s32 $0x88, s3;
	s6 =	simm.s32 @!p1 $0x1082;
	[sflag:s4] =	ssyncset.s32 $0xFFFFF086  }
0x25: {  	[simem:s6], [sflag:s4] =	dma.local [hbm:s3], $0xF7A  }
0x26: {  	[smem:$0x3F99] =	sst s1;
	(tag) =	ssettag s2;
	_ =	strace s9  }
0x27: {  	s1 =	sld [smem:$0x3FA9]  }
0x28: {  	s2 =	sld [smem:$0x3FAA]  }
0x29: {  	s4 =	sld [smem:$0x3FAC]  }
0x2a: {  	p0 =	seq.s32 s5, $0x0;
	s5 =	sld [smem:$0x3FAD]  }
0x2b: {  	s6 =	sld [smem:$0x3FAE]  }
0x2c: {  	s7 =	sld [smem:$0x3FAF]  }
0x2d: {  	s3 =	simm.s32 $0x108;
	s8 =	sld [smem:$0x3FB0]  }
0x2e: {  	s3 =	simm.s32 @!p0 $0x1082;
	s9 =	sld [smem:$0x3FB1]  }
0x2f: {  	lr =	sadd.s32 s0, s3;
	s0 =	sld [smem:$0x3FA8]  }
0x30: {  	s3 =	sld [smem:$0x3FAB]  }
0x31: {  	[smem:$0x3FB4] =	sst s10  }
0x32: {  	s10 =	sld [smem:$0x3FB2];
	_ =	sdelay $0x3  }
0x33: {  	p0 =	seq.s32 s10, $0x1;
	s10 =	sld [smem:$0x3FB4];
	_ =	sdelay $0x3  }
0x34: {  	[smem:$0x3FB4] =	sst s10  }
0x35: {  	s10 =	sld [smem:$0x3FB3];
	_ =	sdelay $0x3  }
0x36: {  	p1 =	seq.s32 s10, $0x1;
	s10 =	sld [smem:$0x3FB4];
	_ =	sdelay $0x3  }
0x37: {  	[smem:$0x3FB4] =	sst s10  }
0x38: {  	s10 =	sld [smem:$0x3FB5]  }
0x39: {  	_ = 	snop;
	(pc) =	sbr.ind lr, $3  }
0x3a: {  	_ = 	snop  }
0x3b: {  	_ = 	snop  }
0x3c: {  	p2 =	seq.s32 s10, $0x1;
	s10 =	sld [smem:$0x3FB4]  }
0x3d: {  	_ =	shalt  }
0x3e: {  	_ =	shalt  }
0x3f: {  	_ =	shalt  }
0x40: {  	_ =	shalt  }
0x41: {  	_ =	shalt  }
0x42: {  	_ =	shalt  }
0x43: {  	_ =	shalt  }
0x44: {  	_ =	shalt  }
0x45: {  	_ =	shalt  }
0x46: {  	_ =	shalt  }
0x47: {  	_ =	shalt  }
0x48: {  	_ =	shalt  }
0x49: {  	_ =	shalt  }
0x4a: {  	_ =	shalt  }
0x4b: {  	_ =	shalt  }
0x4c: {  	_ =	shalt  }
0x4d: {  	_ =	shalt  }
0x4e: {  	_ =	shalt  }
0x4f: {  	_ =	shalt  }
0x50: {  	_ =	shalt  }
0x51: {  	_ =	shalt  }
0x52: {  	_ =	shalt  }
0x53: {  	_ =	shalt  }
0x54: {  	_ =	shalt  }
0x55: {  	_ =	shalt  }
0x56: {  	_ =	shalt  }
0x57: {  	_ =	shalt  }
0x58: {  	_ =	shalt  }
0x59: {  	_ =	shalt  }
0x5a: {  	_ =	shalt  }
0x5b: {  	_ =	shalt  }
0x5c: {  	_ =	shalt  }
0x5d: {  	_ =	shalt  }
0x5e: {  	_ =	shalt  }
0x5f: {  	_ =	shalt  }
0x60: {  	_ =	shalt  }
0x61: {  	_ =	shalt  }
0x62: {  	_ =	shalt  }
0x63: {  	_ =	shalt  }
0x64: {  	_ =	shalt  }
0x65: {  	_ =	shalt  }
0x66: {  	_ =	shalt  }
0x67: {  	_ =	shalt  }
0x68: {  	_ =	shalt  }
0x69: {  	_ =	shalt  }
0x6a: {  	_ =	shalt  }
0x6b: {  	_ =	shalt  }
0x6c: {  	_ =	shalt  }
0x6d: {  	_ =	shalt  }
0x6e: {  	_ =	shalt  }
0x6f: {  	_ =	shalt  }
0x70: {  	_ =	shalt  }
0x71: {  	_ =	shalt  }
0x72: {  	_ =	shalt  }
0x73: {  	_ =	shalt  }
0x74: {  	_ =	shalt  }
0x75: {  	_ =	shalt  }
0x76: {  	_ =	shalt  }
0x77: {  	_ =	shalt  }
0x78: {  	_ =	shalt  }
0x79: {  	_ =	shalt  }
0x7a: {  	_ =	shalt  }
0x7b: {  	_ =	shalt  }
0x7c: {  	_ =	shalt  }
0x7d: {  	_ =	shalt  }
0x7e: {  	_ =	shalt  }
0x7f: {  	_ =	shalt  }
0x80: {  	_ =	shalt  }
0x81: {  	_ =	shalt  }
0x82: {  	_ =	shalt  }
0x83: {  	_ =	shalt  }
0x84: {  	_ =	shalt  }
0x85: {  	_ =	shalt  }
0x86: {  	_ =	shalt  }
0x87: {  	_ =	shalt  }
.Lfunc_end0:
.L_simem_size_0:
called_computation.2_lowered:
.L_overlay_start_0:
0x88: {  	s2 =	sld [smem:$0x3FD9]  }
0x89: {  	s3 =	sld [smem:$0x3FFE];
	_ =	sdelay $0x1  }
0x8a: {  	s1 =	srdreg.scid  }
0x8b: {  	s0 =	sand.u32 $0x1, s1  }
0x8c: {  	s17 =	sshll.u32 s0, $0xA;
	s2 =	sadd.s32 s3, s2  }
0x8d: {  	s2 =	sadd.s32 s2, s17  }
0x8e: {  	[smem:$0x3FC0] =	sst s2  }
0x8f: {  	_ = 	snop  }
0x90: {  	s2 =	sld [smem:$0x3FD0];
	(tm) =	ssettm $0x1  }
0x91: {  	s18 =	sld [smem:$0x3FFB];
	_ =	sdelay $0x3  }
0x92: {  	_ =	strace s18  }
0x93: {  	s3 =	sld [smem:$0x3FFC];
	_ =	sdelay $0x3  }
0x94: {  	_ =	strace s3  }
0x95: {  	s3 =	sld [smem:$0x3FFD];
	_ =	sdelay $0x3  }
0x96: {  	_ =	strace s3  }
0x97: {  	_ =	strace $0x8FFFFFFF  }
0x98: {  	s19 =	sld [smem:$0x3FDB];
	_ =	sdelay $0x1  }
0x99: {  	s4 =	simm.s32 $_scs_section_size  }
0x9a: {  	s5 =	simm.s32 $_size__tile_overlayer_lowered;
	s6 =	simm.s32 $_tile_overlayer_lowered  }
0x9b: {  	s22 =	simm.s32 $0x1BFF;
	s21 =	sshll.u32 s6, $0x1;
	s3 =	sadd.s32 s4, s19  }
0x9c: {  	s7 =	simm.s32 $0x0;
	s20 =	sshll.u32 s5, $0x1;
	s5 =	sadd.s32 s21, s3  }
0x9d: {  	[timem:s7], [sflag:s22] =	dma.local [hbm:s5], s20  }
0x9e: {  	_ =	swait.ge [sflag:s22], s20  }
0x9f: {  	s4 =	ssub.s32 $0x0, s20;
	[sflag:s22] =	ssyncset.done $0x0  }
0xa0: {  	[sflag:s22] =	ssyncadd.s32 s4;
	_ =	sdelay $0x1  }
0xa1: {  	s23 =	simm.s32 $0x1B8B  }
0xa2: {  	_ =	swait.ge [sflag:s23], $0x1  }
0xa3: {  	[sflag:s23] =	ssyncset.done $0x0  }
0xa4: {  	s25 =	simm.s32 $0x1B8E;
	s24 =	sld [smem:$0x3FFE];
	[sflag:s23] =	ssyncadd.s32 $0xFFFFFFFF  }
0xa5: {  	s26 =	simm.s32 $execute0_lowered;
	[smem:$0x3FD2] =	sst s25  }
0xa6: {  	s5 =	sshll.u32 s26, $0x1;
	_ =	strace $0x8000004C;
	[dreg:$0x1] =	wrdreg $0xFFFFFFFF  }
0xa7: {  	s28 =	simm.s32 $_size_execute0_lowered;
	s3 =	sadd.s32 s3, s5;
	[dreg:$0x0] =	wrdreg $0x0  }
0xa8: {  	s5 =	sshll.u32 s28, $0x1;
	[dreg:$0x2] =	wrdreg s3  }
0xa9: {  	[dreg:$0x3] =	wrdreg s5  }
0xaa: {  	[dreg:$0x4] =	wrdreg $0xC0  }
0xab: {  	_ =	task [dreg:s7], $0x5FFFF  }
0xac: {  	[dreg:$0x1] =	wrdreg $0xFFFFFFFF  }
0xad: {  	[dreg:$0x0] =	wrdreg $0x60  }
0xae: {  	[dreg:$0x2] =	wrdreg s2  }
0xaf: {  	[dreg:$0x3] =	wrdreg s24  }
0xb0: {  	[dreg:$0x4] =	wrdreg $0xDE000  }
0xb1: {  	[dreg:$0x5] =	wrdreg $0x9  }
0xb2: {  	_ =	task.clear_ibuf [dreg:s7], $0x6FFFF;
	_ =	strace $0x9000004C  }
0xb3: {  	s29 =	simm.s32 $0x9;
	_ =	strace $0x8000004E  }
0xb4: {  	_ =	swait.ge [sflag:s29], $0x1  }
0xb5: {  	[sflag:s29] =	ssyncadd.s32 $0xFFFFFFFF  }
0xb6: {  	_ =	strace $0x9000004E  }
0xb7: {  	_ =	sfence  }
0xb8: {  	s30 =	sld [smem:$0x0];
	_ =	sdelay $0x2  }
0xb9: {  	s31 =	sshll.u32 s1, $0xD;
	s1 =	sshrl.u32 s1, $0x2  }
0xba: {  	s3 =	sand.u32 $0x4000, s31;
	s1 =	sadd.s32 s1, s30  }
0xbb: {  	s0 =	sor.u32 s3, s0;
	s1 =	sshll.u32 s1, $0x11  }
0xbc: {  	s0 =	sor.u32 s1, s0  }
0xbd: {  	s0 =	sadd.s32 $0x8F2B, s0  }
0xbe: {  	[sflag:s0] =	ssyncadd.remote.s32 $0x1  }
0xbf: {  	_ =	sfence.sel $0xFFFF  }
0xc0: {  	[dreg:$0x0] =	wrdreg $0xFFFFFFFF;
	(pc) =	sbr.abs _section_cstart, $3  }
0xc1: {  	[dreg:$0x1] =	wrdreg $0xFFFFFFFF  }
0xc2: {  	_ =	task.clear_ibuf [dreg:s7], $0x2FFFF;
	_ =	strace $0x9FFFFFFF  }
0xc3: {  	(tm) =	ssettm $0x7FFFFFFF  }
tec
execute0_lowered:
.L_overlay_start_1:
0x0: {  	(tag) =	ssettag $0x1  }
0x1: {  	s7 =	rddreg [dreg:$0x0]  }
0x2: {  	s5 =	rddreg [dreg:$0x1]  }
0x3: {  	s2 =	rddreg [dreg:$0x2]  }
0x4: {  	s0 =	rddreg [dreg:$0x3];
	s1 =	stileid.u32  }
0x5: {  	s6 =	srdreg.scid;
	s3 =	simm.s32 $0x0;
	s15 =	simm.s32 $0x9E00  }
0x6: {  	s16 =	simm.s32 $0xBE00;
	s17 =	simm.s32 $0x1;
	s18 =	simm.s32 $0x2  }
0x7: {  	s19 =	simm.s32 $0x9D00;
	s20 =	simm.s32 $0x9D80;
	s4 =	smul.u32 $0x9E0, s1  }
0x8: {  	s21 =	simm.s32 $0x0;
	s6 =	sand.u32 $0x1, s6;
	s8 =	smul.u32 $0x9E00, s1  }
0x9: {  	[smem:$0x7FF] =	sst s3;
	s31 =	sshll.u32 s1, $0x6;
	s9 =	smul.u32 $0x9E000, s6  }
0xa: {  	_ =	strace $0x8000004D;
	s11 =	ssub.s32 $0x2, s6;
	s13 =	smul.u32 $0x13880, s6  }
0xb: {  	s10 =	sadd.s32 s4, s5;
	s4 =	sadd.s32 $0x65600, s5;
	s12 =	sshrl.u32 s11, $0x1  }
0xc: {  	s14 =	sadd.s32 s8, s2;
	s9 =	sadd.s32 s8, s9;
	s11 =	ssub.s32 s11, s12  }
0xd: {  	s6 =	sadd.s32 $0x3000, s10;
	s7 =	sadd.s32 s7, s13;
	s12 =	sor.u32 $0x1C03, s31  }
0xe: {  	s13 =	sshrl.u32 s14, $0x3;
	s14 =	simm.s32 $0x80;
	s9 =	sshrl.u32 s9, $0x3  }
0xf: {  	s9 =	sadd.s32 s9, s5;
	s5 =	sadd.s32 $0xD600, s10;
	s10 =	simm.s32 $0x3  }
0x10: {  	s8 =	sadd.s32 $0x17400, s9;
	s9 =	smax.u32 s11, $0x1;
	s11 =	simm.s32 $0x4F00  }
.LBB2_1:
0x11: {  	[tilespmem:s3], [sflag:$0x3] =	stream.linear.gather [hbm4b:s5+s3], $0x4F00, $0x38;
	[tilespmem:$0x17C00] =	vst v63  }
0x12: {  	_ =	swait.ge [sflag:s10], $0x4F00  }
0x13: {  	[sflag:s10] =	ssyncset.done $0x0  }
0x14: {  	[sflag:s10] =	ssyncadd.s32 $0xFFFFB100  }
0x15: {  	[tilespmem:s11], [sflag:$0x3] =	stream.linear.gather [hbm4b:s6+s3], $0x4F00, $0x38;
	[tilespmem:$0x17C00] =	vst v63  }
0x16: {  	_ =	swait.ge [sflag:s10], $0x4F00  }
0x17: {  	[sflag:s10] =	ssyncset.done $0x0  }
0x18: {  	[sflag:s10] =	ssyncadd.s32 $0xFFFFB100  }
0x19: {  	[spmem:s13], [sflag:s12] =	dma.local [hbm:s4], $0x13C0  }
0x1a: {  	_ =	swait.ge [sflag:s10], $0x13C0  }
0x1b: {  	[sflag:s10] =	ssyncset.done $0x0  }
0x1c: {  	[sflag:s10] =	ssyncadd.s32 $0xFFFFEC40  }
0x1d: {  	[bflag:$0x0] =	sbarrier.arrive $0xFFFF  }
0x1e: {  	[tilespmem:s15], [sflag:$0x1] =	stream.indirect.gather [hbm4b:s7+s14], $0x40, s3, s14, $0xb8;
	[tilespmem:$0x17C00] =	vst v63  }
0x1f: {  	_ = 	snop  }
0x20: {  	[tilespmem:s16], [sflag:$0x2] =	stream.indirect.gather [hbm4b:s7+s14], $0x40, s14, s14, $0xb8;
	[tilespmem:$0x17C00] =	vst v63  }
0x21: {  	_ =	swait.ge [sflag:s17], $0x2000  }
0x22: {  	[sflag:s17] =	ssyncset.done $0x0  }
0x23: {  	s22 =	simm.s32 $0x4F00;
	[sflag:s17] =	ssyncadd.s32 $0xFFFFE000  }
0x24: {  	[spmem:s2] =	stream.indirect.scatter.add.f32 [tilespmem:s15], [sflag:$0x3], $0x40, s22, s14, $0xb8;
	[tilespmem:$0x17C00] =	vst v63  }
0x25: {  	_ =	swait.ge [sflag:s10], $0x2000  }
0x26: {  	[sflag:s10] =	ssyncset.done $0x0  }
0x27: {  	s30 =	simm.s32 $0x100;
	[sflag:s10] =	ssyncadd.s32 $0xFFFFE000  }
0x28: {  	[tilespmem:s15], [sflag:$0x1] =	stream.indirect.gather [hbm4b:s7+s14], $0x40, s30, s14, $0xb8;
	[tilespmem:$0x17C00] =	vst v63  }
0x29: {  	_ =	swait.ge [sflag:s18], $0x2000  }
0x2a: {  	[sflag:s18] =	ssyncset.done $0x0  }
0x2b: {  	s31 =	simm.s32 $0x4F80;
	[sflag:s18] =	ssyncadd.s32 $0xFFFFE000  }
0x2c: {  	[spmem:s2] =	stream.indirect.scatter.add.f32 [tilespmem:s16], [sflag:$0x3], $0x40, s31, s14, $0xb8;
	[tilespmem:$0x17C00] =	vst v63  }
0x2d: {  	_ =	swait.ge [sflag:s10], $0x2000  }
0x2e: {  	[sflag:s10] =	ssyncset.done $0x0  }
0x2f: {  	s23 =	simm.s32 $0x180;
	s22 =	simm.s32 $0x400;
	[sflag:s10] =	ssyncadd.s32 $0xFFFFE000  }
.LBB2_2:
0x30: {  	[tilespmem:s16], [sflag:$0x2] =	stream.indirect.gather [hbm4b:s7+s14], $0x40, s23, s14, $0xb8;
	[tilespmem:$0x17C00] =	vst v63  }
0x31: {  	s23 =	smov.u32 s22  }
0x32: {  	p0 =	sne.s32 s22, $0x13400;
	s22 =	sadd.s32 $0x400, s22;
	_ =	swait.ge [sflag:s17], $0x2000  }
0x33: {  	s23 =	sshra.s32 s23, $0x2;
	[sflag:s17] =	ssyncset.done $0x0  }
0x34: {  	s24 =	sadd.s32 $0x4F00, s23;
	[sflag:s17] =	ssyncadd.s32 $0xFFFFE000  }
0x35: {  	[spmem:s2] =	stream.indirect.scatter.add.f32 [tilespmem:s15], [sflag:$0x3], $0x40, s24, s14, $0xb8;
	[tilespmem:$0x17C00] =	vst v63  }
0x36: {  	_ =	swait.ge [sflag:s10], $0x2000  }
0x37: {  	[sflag:s10] =	ssyncset.done $0x0  }
0x38: {  	s24 =	sadd.s32 $0x100, s23;
	[sflag:s10] =	ssyncadd.s32 $0xFFFFE000  }
0x39: {  	[tilespmem:s15], [sflag:$0x1] =	stream.indirect.gather [hbm4b:s7+s14], $0x40, s24, s14, $0xb8;
	[tilespmem:$0x17C00] =	vst v63  }
0x3a: {  	_ =	swait.ge [sflag:s18], $0x2000  }
0x3b: {  	[sflag:s18] =	ssyncset.done $0x0  }
.Ltmp0:
0x3c: {  	s24 =	sadd.s32 $0x4F80, s23;
	[sflag:s18] =	ssyncadd.s32 $0xFFFFE000;
	(pc) =	sbr.rel @p0 .LBB2_2-.Ltmp0, $4  }
0x3d: {  	[spmem:s2] =	stream.indirect.scatter.add.f32 [tilespmem:s16], [sflag:$0x3], $0x40, s24, s14, $0xb8;
	[tilespmem:$0x17C00] =	vst v63  }
0x3e: {  	_ =	swait.ge [sflag:s10], $0x2000  }
0x3f: {  	[sflag:s10] =	ssyncset.done $0x0  }
0x40: {  	s23 =	sadd.s32 $0x180, s23;
	[sflag:s10] =	ssyncadd.s32 $0xFFFFE000  }
0x41: {  	[tilespmem:s16], [sflag:$0x2] =	stream.indirect.gather [hbm4b:s7+s14], $0x40, s23, s14, $0xb8;
	[tilespmem:$0x17C00] =	vst v63  }
0x42: {  	_ =	swait.ge [sflag:s17], $0x2000  }
0x43: {  	[sflag:s17] =	ssyncset.done $0x0  }
0x44: {  	[sflag:s17] =	ssyncadd.s32 $0xFFFFE000  }
0x45: {  	[spmem:s2] =	stream.indirect.scatter.add.f32 [tilespmem:s15], [sflag:$0x3], $0x40, s19, s14, $0xb8;
	[tilespmem:$0x17C00] =	vst v63  }
0x46: {  	_ =	swait.ge [sflag:s10], $0x2000  }
0x47: {  	[sflag:s10] =	ssyncset.done $0x0  }
0x48: {  	[sflag:s10] =	ssyncadd.s32 $0xFFFFE000  }
0x49: {  	_ =	swait.ge [sflag:s18], $0x2000  }
0x4a: {  	[sflag:s18] =	ssyncset.done $0x0  }
0x4b: {  	[sflag:s18] =	ssyncadd.s32 $0xFFFFE000  }
0x4c: {  	[spmem:s2] =	stream.indirect.scatter.add.f32 [tilespmem:s16], [sflag:$0x3], $0x40, s20, s14, $0xb8;
	[tilespmem:$0x17C00] =	vst v63  }
0x4d: {  	_ =	swait.ge [sflag:s10], $0x2000  }
0x4e: {  	s21 =	sadd.s32 $0x1, s21;
	[sflag:s10] =	ssyncset.done $0x0  }
0x4f: {  	p0 =	sne.s32 s21, s9;
	[sflag:s10] =	ssyncadd.s32 $0xFFFFE000  }
.Ltmp1:
0x50: {  	[bflag:$0x0] =	sbarrier.arrive $0xFFFF;
	(pc) =	sbr.rel @p0 .LBB2_1-.Ltmp1, $4  }
0x51: {  	[hbm:s8], [sflag:s12] =	dma.local [spmem:s13], $0x13C0  }
0x52: {  	_ =	swait.ge [sflag:s10], $0x13C0  }
0x53: {  	[sflag:s10] =	ssyncset.done $0x0  }
0x54: {  	[sflag:s10] =	ssyncadd.s32 $0xFFFFEC40  }
0x55: {  	_ =	sfence.sel $0x180000  }
0x56: {  	[bflag:$0x0] =	sbarrier.arrive $0xFFFF  }
0x57: {  	p0 =	sne.s32 s1, $0x0;
	_ =	strace $0x9000004D  }
0x58: {  	s0 =	sadd.s32 @!p0 $0x100000, s0;
	[bflag:$0x2] =	sbarrier.arrive $0xFFFF  }
0x59: {  	[sflag:s0] =	ssyncadd.tile.s32 @!p0 $0x1;
	_ =	shalt  }
.Lfunc_end2:
_tile_overlayer_lowered:
.L_overlay_start_2:
0x5a: {  	(tag) =	ssettag $0x2  }
0x5b: {  	s0 =	rddreg [dreg:$0x0];
	s2 =	stileid.u32  }
0x5c: {  	s1 =	rddreg [dreg:$0x1];
	p0 =	sne.s32 s2, $0x0  }
0x5d: {  	s3 =	rddreg [dreg:$0x2];
	[bflag:$0x3] =	sbarrier.arrive $0xFFFF;
	s2 =	simm.s32 @!p0 $0x1C03  }
0x5e: {  	[timem:s3], [sflag:s2] =	dma.local @!p0 [hbm:s0], s1  }
0x5f: {  	s0 =	simm.s32 @!p0 $0x3  }
0x60: {  	_ =	swait.ge @!p0 [sflag:s0], s1  }
0x61: {  	s1 =	ssub.s32 @!p0 $0x0, s1;
	[sflag:s0] =	ssyncset.done @!p0 $0x0  }
0x62: {  	[sflag:s0] =	ssyncadd.s32 @!p0 s1  }
0x63: {  	[bflag:$0x3] =	sbarrier.arrive $0xFFFF  }
0x64: {  	_ =	shalt  }

// kernel: kernel.19.cloned.1.call-start
scs
__scs_entry_jumppad:
0x0: {  	(pc) =	sbr.rel $0x88, $3  }
0x1: {  	(tag) =	ssettag $0x0;
	lr =	simm.s32 $0x1  }
0x2: {  	[smem:$0x3F99] =	sst lr;
	_ =	strace $0xD0000000  }
0x3: {  	_ = 	snop  }
0x4: {  	_ = 	snop  }
0x5: {  	_ = 	snop  }
0x6: {  	_ = 	snop  }
0x7: {  	_ = 	snop  }
__scs_overlays_trampoline_lowered:
0x8: {  	[smem:$0x3FA8] =	sst s0  }
0x9: {  	[smem:$0x3FA9] =	sst s1  }
0xa: {  	[smem:$0x3FAA] =	sst s2  }
0xb: {  	[smem:$0x3FAB] =	sst s3  }
0xc: {  	[smem:$0x3FAC] =	sst s4  }
0xd: {  	[smem:$0x3FAD] =	sst s5  }
0xe: {  	[smem:$0x3FAE] =	sst s6  }
0xf: {  	[smem:$0x3FAF] =	sst s7  }
0x10: {  	[smem:$0x3FB0] =	sst s8  }
0x11: {  	[smem:$0x3FB1] =	sst s9;
	s0 =	simm.s32 @!p0 $0x0  }
0x12: {  	s1 =	sld [smem:$0x3F97];
	s0 =	simm.s32 @p0 $0x1  }
0x13: {  	[smem:$0x3FB2] =	sst s0;
	s0 =	simm.s32 @!p1 $0x0  }
0x14: {  	s2 =	sld [smem:$0x3F96];
	s0 =	simm.s32 @p1 $0x1  }
0x15: {  	[smem:$0x3FB3] =	sst s0;
	s0 =	simm.s32 @!p2 $0x0  }
0x16: {  	s3 =	sld [smem:$0x3FDB];
	s0 =	simm.s32 @p2 $0x1  }
0x17: {  	s4 =	simm.s32 $0x1BF5;
	[smem:$0x3FB5] =	sst s0  }
0x18: {  	s0 =	sld [smem:$0x3F98];
	_ =	swait.ge [sflag:s4], $0x0  }
0x19: {  	s7 =	sld [smem:$0x3F99]  }
0x1a: {  	s8 =	sadd.s32 $0xFFFFE003, lr  }
0x1b: {  	s9 =	sadd.s32 $0xFFFFFEF7, lr;
	s5 =	simm.s32 $0xFFFFFFFF;
	p2 =	slt.u32 s8, $0xFFFFF086  }
0x1c: {  	p1 =	slt.u32 s9, $0xF7A;
	s5 =	simm.s32 @!p2 $0x0  }
0x1d: {  	s5 =	simm.s32 @p1 $0x1;
	p0 =	seq.s32 s7, s2  }
0x1e: {  	s7 =	smul.u32 @!p0 $0xF7A, s2;
	p2 =	seq.s32 @!p0 s5, $0x0  }
0x1f: {  	s9 =	smul.u32 $0xF7A, s1;
	s8 =	simm.s32 @!p0 $0x1BF5;
	p2 =	por !p2, p0  }
0x20: {  	[sflag:s8] =	ssyncset.s32 @!p0 $0xFFFFF086;
	s6 =	sadd.s32 @!p0 s3, s7;
	s7 =	simm.s32 @!p0 $0x108  }
0x21: {  	s3 =	sadd.s32 s3, s9;
	s6 =	sadd.s32 @!p0 $0x88, s6;
	s7 =	simm.s32 @p2 $0x1082  }
0x22: {  	[simem:s7], [sflag:s8] =	dma.local @!p0 [hbm:s6], $0xF7A  }
0x23: {  	s9 =	sor.u32 $0xD0000000, s2;
	s6 =	simm.s32 $0x108;
	_ =	swait.ge @!p0 [sflag:s8], $0x0  }
0x24: {  	s3 =	sadd.s32 $0x88, s3;
	s6 =	simm.s32 @!p1 $0x1082;
	[sflag:s4] =	ssyncset.s32 $0xFFFFF086  }
0x25: {  	[simem:s6], [sflag:s4] =	dma.local [hbm:s3], $0xF7A  }
0x26: {  	[smem:$0x3F99] =	sst s1;
	(tag) =	ssettag s2;
	_ =	strace s9  }
0x27: {  	s1 =	sld [smem:$0x3FA9]  }
0x28: {  	s2 =	sld [smem:$0x3FAA]  }
0x29: {  	s4 =	sld [smem:$0x3FAC]  }
0x2a: {  	p0 =	seq.s32 s5, $0x0;
	s5 =	sld [smem:$0x3FAD]  }
0x2b: {  	s6 =	sld [smem:$0x3FAE]  }
0x2c: {  	s7 =	sld [smem:$0x3FAF]  }
0x2d: {  	s3 =	simm.s32 $0x108;
	s8 =	sld [smem:$0x3FB0]  }
0x2e: {  	s3 =	simm.s32 @!p0 $0x1082;
	s9 =	sld [smem:$0x3FB1]  }
0x2f: {  	lr =	sadd.s32 s0, s3;
	s0 =	sld [smem:$0x3FA8]  }
0x30: {  	s3 =	sld [smem:$0x3FAB]  }
0x31: {  	[smem:$0x3FB4] =	sst s10  }
0x32: {  	s10 =	sld [smem:$0x3FB2];
	_ =	sdelay $0x3  }
0x33: {  	p0 =	seq.s32 s10, $0x1;
	s10 =	sld [smem:$0x3FB4];
	_ =	sdelay $0x3  }
0x34: {  	[smem:$0x3FB4] =	sst s10  }
0x35: {  	s10 =	sld [smem:$0x3FB3];
	_ =	sdelay $0x3  }
0x36: {  	p1 =	seq.s32 s10, $0x1;
	s10 =	sld [smem:$0x3FB4];
	_ =	sdelay $0x3  }
0x37: {  	[smem:$0x3FB4] =	sst s10  }
0x38: {  	s10 =	sld [smem:$0x3FB5]  }
0x39: {  	_ = 	snop;
	(pc) =	sbr.ind lr, $3  }
0x3a: {  	_ = 	snop  }
0x3b: {  	_ = 	snop  }
0x3c: {  	p2 =	seq.s32 s10, $0x1;
	s10 =	sld [smem:$0x3FB4]  }
0x3d: {  	_ =	shalt  }
0x3e: {  	_ =	shalt  }
0x3f: {  	_ =	shalt  }
0x40: {  	_ =	shalt  }
0x41: {  	_ =	shalt  }
0x42: {  	_ =	shalt  }
0x43: {  	_ =	shalt  }
0x44: {  	_ =	shalt  }
0x45: {  	_ =	shalt  }
0x46: {  	_ =	shalt  }
0x47: {  	_ =	shalt  }
0x48: {  	_ =	shalt  }
0x49: {  	_ =	shalt  }
0x4a: {  	_ =	shalt  }
0x4b: {  	_ =	shalt  }
0x4c: {  	_ =	shalt  }
0x4d: {  	_ =	shalt  }
0x4e: {  	_ =	shalt  }
0x4f: {  	_ =	shalt  }
0x50: {  	_ =	shalt  }
0x51: {  	_ =	shalt  }
0x52: {  	_ =	shalt  }
0x53: {  	_ =	shalt  }
0x54: {  	_ =	shalt  }
0x55: {  	_ =	shalt  }
0x56: {  	_ =	shalt  }
0x57: {  	_ =	shalt  }
0x58: {  	_ =	shalt  }
0x59: {  	_ =	shalt  }
0x5a: {  	_ =	shalt  }
0x5b: {  	_ =	shalt  }
0x5c: {  	_ =	shalt  }
0x5d: {  	_ =	shalt  }
0x5e: {  	_ =	shalt  }
0x5f: {  	_ =	shalt  }
0x60: {  	_ =	shalt  }
0x61: {  	_ =	shalt  }
0x62: {  	_ =	shalt  }
0x63: {  	_ =	shalt  }
0x64: {  	_ =	shalt  }
0x65: {  	_ =	shalt  }
0x66: {  	_ =	shalt  }
0x67: {  	_ =	shalt  }
0x68: {  	_ =	shalt  }
0x69: {  	_ =	shalt  }
0x6a: {  	_ =	shalt  }
0x6b: {  	_ =	shalt  }
0x6c: {  	_ =	shalt  }
0x6d: {  	_ =	shalt  }
0x6e: {  	_ =	shalt  }
0x6f: {  	_ =	shalt  }
0x70: {  	_ =	shalt  }
0x71: {  	_ =	shalt  }
0x72: {  	_ =	shalt  }
0x73: {  	_ =	shalt  }
0x74: {  	_ =	shalt  }
0x75: {  	_ =	shalt  }
0x76: {  	_ =	shalt  }
0x77: {  	_ =	shalt  }
0x78: {  	_ =	shalt  }
0x79: {  	_ =	shalt  }
0x7a: {  	_ =	shalt  }
0x7b: {  	_ =	shalt  }
0x7c: {  	_ =	shalt  }
0x7d: {  	_ =	shalt  }
0x7e: {  	_ =	shalt  }
0x7f: {  	_ =	shalt  }
0x80: {  	_ =	shalt  }
0x81: {  	_ =	shalt  }
0x82: {  	_ =	shalt  }
0x83: {  	_ =	shalt  }
0x84: {  	_ =	shalt  }
0x85: {  	_ =	shalt  }
0x86: {  	_ =	shalt  }
0x87: {  	_ =	shalt  }
.Lfunc_end0:
.L_simem_size_0:
called_computation.3_lowered:
.L_overlay_start_0:
0x88: {  	s2 =	sld [smem:$0x3FD9]  }
0x89: {  	s3 =	sld [smem:$0x3FFE];
	_ =	sdelay $0x1  }
0x8a: {  	s1 =	srdreg.scid  }
0x8b: {  	s0 =	sand.u32 $0x1, s1  }
0x8c: {  	s17 =	sshll.u32 s0, $0xA;
	s2 =	sadd.s32 s3, s2  }
0x8d: {  	s2 =	sadd.s32 s2, s17  }
0x8e: {  	[smem:$0x3FC0] =	sst s2  }
0x8f: {  	_ = 	snop  }
0x90: {  	s2 =	sld [smem:$0x3FD0];
	(tm) =	ssettm $0x1  }
0x91: {  	s18 =	sld [smem:$0x3FFB];
	_ =	sdelay $0x3  }
0x92: {  	_ =	strace s18  }
0x93: {  	s3 =	sld [smem:$0x3FFC];
	_ =	sdelay $0x3  }
0x94: {  	_ =	strace s3  }
0x95: {  	s3 =	sld [smem:$0x3FFD];
	_ =	sdelay $0x3  }
0x96: {  	_ =	strace s3  }
0x97: {  	_ =	strace $0x8FFFFFFF  }
0x98: {  	s19 =	sld [smem:$0x3FDB];
	_ =	sdelay $0x1  }
0x99: {  	s4 =	simm.s32 $_scs_section_size  }
0x9a: {  	s5 =	simm.s32 $_size__tile_overlayer_lowered;
	s6 =	simm.s32 $_tile_overlayer_lowered  }
0x9b: {  	s22 =	simm.s32 $0x1BFF;
	s21 =	sshll.u32 s6, $0x1;
	s3 =	sadd.s32 s4, s19  }
0x9c: {  	s7 =	simm.s32 $0x0;
	s20 =	sshll.u32 s5, $0x1;
	s5 =	sadd.s32 s21, s3  }
0x9d: {  	[timem:s7], [sflag:s22] =	dma.local [hbm:s5], s20  }
0x9e: {  	_ =	swait.ge [sflag:s22], s20  }
0x9f: {  	s4 =	ssub.s32 $0x0, s20;
	[sflag:s22] =	ssyncset.done $0x0  }
0xa0: {  	[sflag:s22] =	ssyncadd.s32 s4;
	_ =	sdelay $0x1  }
0xa1: {  	s23 =	simm.s32 $0x1B8B  }
0xa2: {  	_ =	swait.ge [sflag:s23], $0x1  }
0xa3: {  	[sflag:s23] =	ssyncset.done $0x0  }
0xa4: {  	s25 =	simm.s32 $0x1B8E;
	s24 =	sld [smem:$0x3FFE];
	[sflag:s23] =	ssyncadd.s32 $0xFFFFFFFF  }
0xa5: {  	s26 =	simm.s32 $execute0_lowered;
	[smem:$0x3FD2] =	sst s25  }
0xa6: {  	s5 =	sshll.u32 s26, $0x1;
	_ =	strace $0x8000004F;
	[dreg:$0x1] =	wrdreg $0xFFFFFFFF  }
0xa7: {  	s28 =	simm.s32 $_size_execute0_lowered;
	s3 =	sadd.s32 s3, s5;
	[dreg:$0x0] =	wrdreg $0x0  }
0xa8: {  	s5 =	sshll.u32 s28, $0x1;
	[dreg:$0x2] =	wrdreg s3  }
0xa9: {  	[dreg:$0x3] =	wrdreg s5  }
0xaa: {  	[dreg:$0x4] =	wrdreg $0xC0  }
0xab: {  	_ =	task [dreg:s7], $0x5FFFF  }
0xac: {  	[dreg:$0x1] =	wrdreg $0xFFFFFFFF  }
0xad: {  	[dreg:$0x0] =	wrdreg $0x60  }
0xae: {  	[dreg:$0x2] =	wrdreg s2  }
0xaf: {  	[dreg:$0x3] =	wrdreg s24  }
0xb0: {  	[dreg:$0x4] =	wrdreg $0xDE000  }
0xb1: {  	[dreg:$0x5] =	wrdreg $0x9  }
0xb2: {  	_ =	task.clear_ibuf [dreg:s7], $0x6FFFF;
	_ =	strace $0x9000004F  }
0xb3: {  	s29 =	simm.s32 $0x9;
	_ =	strace $0x80000051  }
0xb4: {  	_ =	swait.ge [sflag:s29], $0x1  }
0xb5: {  	[sflag:s29] =	ssyncadd.s32 $0xFFFFFFFF  }
0xb6: {  	_ =	strace $0x90000051  }
0xb7: {  	_ =	sfence  }
0xb8: {  	s30 =	sld [smem:$0x0];
	_ =	sdelay $0x2  }
0xb9: {  	s31 =	sshll.u32 s1, $0xD;
	s1 =	sshrl.u32 s1, $0x2  }
0xba: {  	s3 =	sand.u32 $0x4000, s31;
	s1 =	sadd.s32 s1, s30  }
0xbb: {  	s0 =	sor.u32 s3, s0;
	s1 =	sshll.u32 s1, $0x11  }
0xbc: {  	s0 =	sor.u32 s1, s0  }
0xbd: {  	s0 =	sadd.s32 $0x8F2B, s0  }
0xbe: {  	[sflag:s0] =	ssyncadd.remote.s32 $0x1  }
0xbf: {  	_ =	sfence.sel $0xFFFF  }
0xc0: {  	[dreg:$0x0] =	wrdreg $0xFFFFFFFF;
	(pc) =	sbr.abs _section_cstart, $3  }
0xc1: {  	[dreg:$0x1] =	wrdreg $0xFFFFFFFF  }
0xc2: {  	_ =	task.clear_ibuf [dreg:s7], $0x2FFFF;
	_ =	strace $0x9FFFFFFF  }
0xc3: {  	(tm) =	ssettm $0x7FFFFFFF  }
tec
execute0_lowered:
.L_overlay_start_1:
0x0: {  	(tag) =	ssettag $0x1  }
0x1: {  	s7 =	rddreg [dreg:$0x0]  }
0x2: {  	s5 =	rddreg [dreg:$0x1]  }
0x3: {  	s2 =	rddreg [dreg:$0x2]  }
0x4: {  	s0 =	rddreg [dreg:$0x3];
	s1 =	stileid.u32  }
0x5: {  	s6 =	srdreg.scid;
	s3 =	simm.s32 $0x0;
	s15 =	simm.s32 $0x9E00  }
0x6: {  	s16 =	simm.s32 $0xBE00;
	s17 =	simm.s32 $0x1;
	s18 =	simm.s32 $0x2  }
0x7: {  	s19 =	simm.s32 $0x9D00;
	s20 =	simm.s32 $0x9D80;
	s4 =	smul.u32 $0x9E0, s1  }
0x8: {  	s21 =	simm.s32 $0x0;
	s6 =	sand.u32 $0x1, s6;
	s8 =	smul.u32 $0x9E00, s1  }
0x9: {  	[smem:$0x7FF] =	sst s3;
	s31 =	sshll.u32 s1, $0x6;
	s9 =	smul.u32 $0x9E000, s6  }
0xa: {  	_ =	strace $0x80000050;
	s11 =	ssub.s32 $0x2, s6;
	s13 =	smul.u32 $0x13880, s6  }
0xb: {  	s10 =	sadd.s32 s4, s5;
	s4 =	sadd.s32 $0x65600, s5;
	s12 =	sshrl.u32 s11, $0x1  }
0xc: {  	s14 =	sadd.s32 s8, s2;
	s9 =	sadd.s32 s8, s9;
	s11 =	ssub.s32 s11, s12  }
0xd: {  	s6 =	sadd.s32 $0x3000, s10;
	s7 =	sadd.s32 s7, s13;
	s12 =	sor.u32 $0x1C03, s31  }
0xe: {  	s13 =	sshrl.u32 s14, $0x3;
	s14 =	simm.s32 $0x80;
	s9 =	sshrl.u32 s9, $0x3  }
0xf: {  	s9 =	sadd.s32 s9, s5;
	s5 =	sadd.s32 $0xD600, s10;
	s10 =	simm.s32 $0x3  }
0x10: {  	s8 =	sadd.s32 $0x66A00, s9;
	s9 =	smax.u32 s11, $0x1;
	s11 =	simm.s32 $0x4F00  }
.LBB2_1:
0x11: {  	[tilespmem:s3], [sflag:$0x3] =	stream.linear.gather [hbm4b:s5+s3], $0x4F00, $0x38;
	[tilespmem:$0x17C00] =	vst v63  }
0x12: {  	_ =	swait.ge [sflag:s10], $0x4F00  }
0x13: {  	[sflag:s10] =	ssyncset.done $0x0  }
0x14: {  	[sflag:s10] =	ssyncadd.s32 $0xFFFFB100  }
0x15: {  	[tilespmem:s11], [sflag:$0x3] =	stream.linear.gather [hbm4b:s6+s3], $0x4F00, $0x38;
	[tilespmem:$0x17C00] =	vst v63  }
0x16: {  	_ =	swait.ge [sflag:s10], $0x4F00  }
0x17: {  	[sflag:s10] =	ssyncset.done $0x0  }
0x18: {  	[sflag:s10] =	ssyncadd.s32 $0xFFFFB100  }
0x19: {  	[spmem:s13], [sflag:s12] =	dma.local [hbm:s4], $0x13C0  }
0x1a: {  	_ =	swait.ge [sflag:s10], $0x13C0  }
0x1b: {  	[sflag:s10] =	ssyncset.done $0x0  }
0x1c: {  	[sflag:s10] =	ssyncadd.s32 $0xFFFFEC40  }
0x1d: {  	[bflag:$0x0] =	sbarrier.arrive $0xFFFF  }
0x1e: {  	[tilespmem:s15], [sflag:$0x1] =	stream.indirect.gather [hbm4b:s7+s14], $0x40, s3, s14, $0xb8;
	[tilespmem:$0x17C00] =	vst v63  }
0x1f: {  	_ = 	snop  }
0x20: {  	[tilespmem:s16], [sflag:$0x2] =	stream.indirect.gather [hbm4b:s7+s14], $0x40, s14, s14, $0xb8;
	[tilespmem:$0x17C00] =	vst v63  }
0x21: {  	_ =	swait.ge [sflag:s17], $0x2000  }
0x22: {  	[sflag:s17] =	ssyncset.done $0x0  }
0x23: {  	s22 =	simm.s32 $0x4F00;
	[sflag:s17] =	ssyncadd.s32 $0xFFFFE000  }
0x24: {  	[spmem:s2] =	stream.indirect.scatter.add.f32 [tilespmem:s15], [sflag:$0x3], $0x40, s22, s14, $0xb8;
	[tilespmem:$0x17C00] =	vst v63  }
0x25: {  	_ =	swait.ge [sflag:s10], $0x2000  }
0x26: {  	[sflag:s10] =	ssyncset.done $0x0  }
0x27: {  	s30 =	simm.s32 $0x100;
	[sflag:s10] =	ssyncadd.s32 $0xFFFFE000  }
0x28: {  	[tilespmem:s15], [sflag:$0x1] =	stream.indirect.gather [hbm4b:s7+s14], $0x40, s30, s14, $0xb8;
	[tilespmem:$0x17C00] =	vst v63  }
0x29: {  	_ =	swait.ge [sflag:s18], $0x2000  }
0x2a: {  	[sflag:s18] =	ssyncset.done $0x0  }
0x2b: {  	s31 =	simm.s32 $0x4F80;
	[sflag:s18] =	ssyncadd.s32 $0xFFFFE000  }
0x2c: {  	[spmem:s2] =	stream.indirect.scatter.add.f32 [tilespmem:s16], [sflag:$0x3], $0x40, s31, s14, $0xb8;
	[tilespmem:$0x17C00] =	vst v63  }
0x2d: {  	_ =	swait.ge [sflag:s10], $0x2000  }
0x2e: {  	[sflag:s10] =	ssyncset.done $0x0  }
0x2f: {  	s23 =	simm.s32 $0x180;
	s22 =	simm.s32 $0x400;
	[sflag:s10] =	ssyncadd.s32 $0xFFFFE000  }
.LBB2_2:
0x30: {  	[tilespmem:s16], [sflag:$0x2] =	stream.indirect.gather [hbm4b:s7+s14], $0x40, s23, s14, $0xb8;
	[tilespmem:$0x17C00] =	vst v63  }
0x31: {  	s23 =	smov.u32 s22  }
0x32: {  	p0 =	sne.s32 s22, $0x13400;
	s22 =	sadd.s32 $0x400, s22;
	_ =	swait.ge [sflag:s17], $0x2000  }
0x33: {  	s23 =	sshra.s32 s23, $0x2;
	[sflag:s17] =	ssyncset.done $0x0  }
0x34: {  	s24 =	sadd.s32 $0x4F00, s23;
	[sflag:s17] =	ssyncadd.s32 $0xFFFFE000  }
0x35: {  	[spmem:s2] =	stream.indirect.scatter.add.f32 [tilespmem:s15], [sflag:$0x3], $0x40, s24, s14, $0xb8;
	[tilespmem:$0x17C00] =	vst v63  }
0x36: {  	_ =	swait.ge [sflag:s10], $0x2000  }
0x37: {  	[sflag:s10] =	ssyncset.done $0x0  }
0x38: {  	s24 =	sadd.s32 $0x100, s23;
	[sflag:s10] =	ssyncadd.s32 $0xFFFFE000  }
0x39: {  	[tilespmem:s15], [sflag:$0x1] =	stream.indirect.gather [hbm4b:s7+s14], $0x40, s24, s14, $0xb8;
	[tilespmem:$0x17C00] =	vst v63  }
0x3a: {  	_ =	swait.ge [sflag:s18], $0x2000  }
0x3b: {  	[sflag:s18] =	ssyncset.done $0x0  }
.Ltmp0:
0x3c: {  	s24 =	sadd.s32 $0x4F80, s23;
	[sflag:s18] =	ssyncadd.s32 $0xFFFFE000;
	(pc) =	sbr.rel @p0 .LBB2_2-.Ltmp0, $4  }
0x3d: {  	[spmem:s2] =	stream.indirect.scatter.add.f32 [tilespmem:s16], [sflag:$0x3], $0x40, s24, s14, $0xb8;
	[tilespmem:$0x17C00] =	vst v63  }
0x3e: {  	_ =	swait.ge [sflag:s10], $0x2000  }
0x3f: {  	[sflag:s10] =	ssyncset.done $0x0  }
0x40: {  	s23 =	sadd.s32 $0x180, s23;
	[sflag:s10] =	ssyncadd.s32 $0xFFFFE000  }
0x41: {  	[tilespmem:s16], [sflag:$0x2] =	stream.indirect.gather [hbm4b:s7+s14], $0x40, s23, s14, $0xb8;
	[tilespmem:$0x17C00] =	vst v63  }
0x42: {  	_ =	swait.ge [sflag:s17], $0x2000  }
0x43: {  	[sflag:s17] =	ssyncset.done $0x0  }
0x44: {  	[sflag:s17] =	ssyncadd.s32 $0xFFFFE000  }
0x45: {  	[spmem:s2] =	stream.indirect.scatter.add.f32 [tilespmem:s15], [sflag:$0x3], $0x40, s19, s14, $0xb8;
	[tilespmem:$0x17C00] =	vst v63  }
0x46: {  	_ =	swait.ge [sflag:s10], $0x2000  }
0x47: {  	[sflag:s10] =	ssyncset.done $0x0  }
0x48: {  	[sflag:s10] =	ssyncadd.s32 $0xFFFFE000  }
0x49: {  	_ =	swait.ge [sflag:s18], $0x2000  }
0x4a: {  	[sflag:s18] =	ssyncset.done $0x0  }
0x4b: {  	[sflag:s18] =	ssyncadd.s32 $0xFFFFE000  }
0x4c: {  	[spmem:s2] =	stream.indirect.scatter.add.f32 [tilespmem:s16], [sflag:$0x3], $0x40, s20, s14, $0xb8;
	[tilespmem:$0x17C00] =	vst v63  }
0x4d: {  	_ =	swait.ge [sflag:s10], $0x2000  }
0x4e: {  	s21 =	sadd.s32 $0x1, s21;
	[sflag:s10] =	ssyncset.done $0x0  }
0x4f: {  	p0 =	sne.s32 s21, s9;
	[sflag:s10] =	ssyncadd.s32 $0xFFFFE000  }
.Ltmp1:
0x50: {  	[bflag:$0x0] =	sbarrier.arrive $0xFFFF;
	(pc) =	sbr.rel @p0 .LBB2_1-.Ltmp1, $4  }
0x51: {  	[hbm:s8], [sflag:s12] =	dma.local [spmem:s13], $0x13C0  }
0x52: {  	_ =	swait.ge [sflag:s10], $0x13C0  }
0x53: {  	[sflag:s10] =	ssyncset.done $0x0  }
0x54: {  	[sflag:s10] =	ssyncadd.s32 $0xFFFFEC40  }
0x55: {  	_ =	sfence.sel $0x180000  }
0x56: {  	[bflag:$0x0] =	sbarrier.arrive $0xFFFF  }
0x57: {  	p0 =	sne.s32 s1, $0x0;
	_ =	strace $0x90000050  }
0x58: {  	s0 =	sadd.s32 @!p0 $0x100000, s0;
	[bflag:$0x2] =	sbarrier.arrive $0xFFFF  }
0x59: {  	[sflag:s0] =	ssyncadd.tile.s32 @!p0 $0x1;
	_ =	shalt  }
.Lfunc_end2:
_tile_overlayer_lowered:
.L_overlay_start_2:
0x5a: {  	(tag) =	ssettag $0x2  }
0x5b: {  	s0 =	rddreg [dreg:$0x0];
	s2 =	stileid.u32  }
0x5c: {  	s1 =	rddreg [dreg:$0x1];
	p0 =	sne.s32 s2, $0x0  }
0x5d: {  	s3 =	rddreg [dreg:$0x2];
	[bflag:$0x3] =	sbarrier.arrive $0xFFFF;
	s2 =	simm.s32 @!p0 $0x1C03  }
0x5e: {  	[timem:s3], [sflag:s2] =	dma.local @!p0 [hbm:s0], s1  }
0x5f: {  	s0 =	simm.s32 @!p0 $0x3  }
0x60: {  	_ =	swait.ge @!p0 [sflag:s0], s1  }
0x61: {  	s1 =	ssub.s32 @!p0 $0x0, s1;
	[sflag:s0] =	ssyncset.done @!p0 $0x0  }
0x62: {  	[sflag:s0] =	ssyncadd.s32 @!p0 s1  }
0x63: {  	[bflag:$0x3] =	sbarrier.arrive $0xFFFF  }
0x64: {  	_ =	shalt  }

</sc_bundles>
